<compile_context>
chip_gen: v7x
topology: tpu7x:2x2x1
jax: 0.10.2.dev20260603
libtpu: 0.0.44.dev20260713+nightly
codegen_flags: <defaults>
</compile_context>

<pallas_src>
import functools

import jax
import jax.numpy as jnp
from jax import lax
from jax.experimental import pallas as pl
from jax.experimental.pallas import tpu as pltpu
from jax.experimental.pallas import tpu_sc as plsc

B = 1024
L = 20
H = 128
S = 12
LEAKY = 0.2

NC, NS = 2, 16
NW = NC * NS
N_IN = B * L
PW = N_IN // NW
CH = 128
NCH_A = PW // CH
N_NBR = N_IN * S
RW = N_NBR // NW
NCH_B = RW // CH
N_INH = N_IN // 2
RWH = (N_NBR // 2) // NW
NCH_BH = RWH // CH

def _wid():
    return lax.axis_index("s") * NC + lax.axis_index("c")


def _sc_gather_tab_body(nbrtab, idx3, nbr_out, idxv, nbrbuf, sem):
    wid = _wid()
    base = wid * PW
    pltpu.sync_copy(idx3.at[wid], idxv)
    for c in range(NCH_A):
        pltpu.async_copy(nbrtab.at[idxv.at[c]], nbrbuf, sem).wait()
        pltpu.sync_copy(nbrbuf, nbr_out.at[pl.ds(base + c * CH, CH)])


def _sc_gather_small_body(emb, idx_in3, idx_item3, h_out, item_out,
                          idxv, rowbuf, sem):
    wid = _wid()
    base = wid * PW
    pltpu.sync_copy(idx_in3.at[wid], idxv)
    for c in range(NCH_A):
        pltpu.async_copy(emb.at[idxv.at[c]], rowbuf, sem).wait()
        pltpu.sync_copy(rowbuf, h_out.at[pl.ds(base + c * CH, CH)])
    pltpu.sync_copy(idx_item3.at[wid], idxv)
    for c in range(NCH_A):
        pltpu.async_copy(emb.at[idxv.at[c]], rowbuf, sem).wait()
        pltpu.sync_copy(rowbuf, item_out.at[pl.ds(base + c * CH, CH)])


def _sc_gather_nbr_body(emb, idx3, out, idxv, buf, sem):
    wid = _wid()
    base = wid * RWH
    pltpu.sync_copy(idx3.at[wid], idxv)

    @pl.loop(0, NCH_BH)
    def _chunk(c):
        pltpu.async_copy(emb.at[idxv.at[c]], buf, sem).wait()
        pltpu.sync_copy(buf, out.at[pl.ds(base + c * CH, CH)])


@functools.cache
def _sc_kernels():
    mesh = plsc.VectorSubcoreMesh(core_axis_name="c", subcore_axis_name="s",
                                  num_cores=NC, num_subcores=NS)
    gather_tab = pl.kernel(
        _sc_gather_tab_body,
        out_type=jax.ShapeDtypeStruct((N_IN, 32), jnp.int32),
        mesh=mesh,
        scratch_types=(
            pltpu.VMEM((NCH_A, CH), jnp.int32),
            pltpu.VMEM((CH, 32), jnp.int32),
            pltpu.SemaphoreType.DMA,
        ),
        compiler_params=pltpu.CompilerParams(use_tc_tiling_on_sc=False),
    )
    gather_small = pl.kernel(
        _sc_gather_small_body,
        out_type=(
            jax.ShapeDtypeStruct((N_IN, H), jnp.float32),
            jax.ShapeDtypeStruct((N_IN, H), jnp.float32),
        ),
        mesh=mesh,
        scratch_types=(
            pltpu.VMEM((NCH_A, CH), jnp.int32),
            pltpu.VMEM((CH, H), jnp.float32),
            pltpu.SemaphoreType.DMA,
        ),
    )
    gather_nbr = pl.kernel(
        _sc_gather_nbr_body,
        out_type=jax.ShapeDtypeStruct((N_NBR // 2, H), jnp.float32),
        mesh=mesh,
        scratch_types=(
            pltpu.VMEM((NCH_BH, CH), jnp.int32),
            pltpu.VMEM((CH, H), jnp.float32),
            pltpu.SemaphoreType.DMA,
        ),
    )
    return gather_tab, gather_small, gather_nbr


BB = 16
GRID = B // BB


def _tc_local_body(h_ref, item_ref, maskf_ref, adj_ref, a4_ref,
                   loc_ref, sess_ref):
    f32, bf16 = jnp.float32, jnp.bfloat16
    a4 = a4_ref[...]

    maskf = maskf_ref[...]
    mtile = jnp.concatenate([maskf] * BB, axis=1)
    col_b = lax.broadcasted_iota(jnp.int32, (BB, BB * L), 1) // L
    row_b = lax.broadcasted_iota(jnp.int32, (BB, BB * L), 0)
    mblk = jnp.where(col_b == row_b, mtile, 0.0)
    ssum = jnp.dot(mblk.astype(bf16), item_ref[...].astype(bf16),
                   preferred_element_type=f32)
    sess_bb = ssum / jnp.sum(maskf, axis=1, keepdims=True)
    sess = jnp.broadcast_to(sess_bb[:, None, :], (BB, L, H)).reshape(BB * L, H)
    sess_ref[...] = sess.astype(bf16)

    hb_all = h_ref[...].astype(bf16)
    N = BB * L
    adj_tile = jnp.concatenate([adj_ref[...]] * BB, axis=1)
    colb = lax.broadcasted_iota(jnp.int32, (N, N), 1) // L
    rowb = lax.broadcasted_iota(jnp.int32, (N, N), 0) // L
    in_blk = colb == rowb
    es = []
    for k in range(4):
        ek = lax.dot_general(hb_all * a4[k:k + 1, :], hb_all,
                             (((1,), (1,)), ((), ())),
                             preferred_element_type=f32)
        es.append(jnp.where(ek >= 0, ek, LEAKY * ek))
    neg_in = jnp.full((N, N), -9e15, f32)
    al = jnp.where(adj_tile == 1, es[0], neg_in)
    al = jnp.where(adj_tile == 2, es[1], al)
    al = jnp.where(adj_tile == 3, es[2], al)
    al = jnp.where(adj_tile == 4, es[3], al)
    al = jnp.where(in_blk, al, -1.8e16)
    al = al - jnp.max(al, axis=-1, keepdims=True)
    al = jnp.exp(al)
    al = al / jnp.sum(al, axis=-1, keepdims=True)
    loc = jnp.dot(al.astype(bf16), hb_all, preferred_element_type=f32)
    loc_ref[...] = loc.astype(bf16)


def _tc_global_body(h_ref, sess_ref, loc_ref, w_ref, nvt_ref,
                    w1a_ref, w1l_ref, w2r_ref, w3_ref, bias_ref, out_ref):
    f32, bf16 = jnp.float32, jnp.bfloat16
    sess = sess_ref[...]
    w1l = w1l_ref[...]
    w2r = w2r_ref[...]
    nv_all = nvt_ref[...]
    prod = (sess[None, :, :] * nv_all.astype(bf16)).reshape(S * BB * L, H)
    g_all = jnp.dot(prod, w1a_ref[...],
                    preferred_element_type=f32)
    g3 = g_all.reshape(S, BB * L, H)
    scores = []
    for j in range(S):
        g = g3[j] + w_ref[:, j:j + 1] * w1l
        g = jnp.where(g >= 0, g, LEAKY * g)
        scores.append(jnp.sum(g * w2r, axis=-1, keepdims=True))
    m = scores[0]
    for j in range(1, S):
        m = jnp.maximum(m, scores[j])
    exps = [jnp.exp(sc - m) for sc in scores]
    den = exps[0]
    for j in range(1, S):
        den = den + exps[j]
    inv = 1.0 / den
    neigh = (exps[0] * inv) * nv_all[0]
    for j in range(1, S):
        neigh = neigh + (exps[j] * inv) * nv_all[j]
    cat = jnp.concatenate([h_ref[...], neigh],
                          axis=1).astype(bf16)
    hg = (jnp.dot(cat, w3_ref[...],
                  preferred_element_type=f32) + bias_ref[...])
    hg = jnp.maximum(hg, 0.0)
    out_ref[...] = loc_ref[...].astype(f32) + hg


def _tc_local_specs():
    in_specs = [
        pl.BlockSpec((BB * L, H), lambda i: (i, 0)),
        pl.BlockSpec((BB * L, H), lambda i: (i, 0)),
        pl.BlockSpec((BB, L), lambda i: (i, 0)),
        pl.BlockSpec((BB * L, L), lambda i: (i, 0)),
        pl.BlockSpec((4, H), lambda i: (0, 0)),
    ]
    out_specs = (pl.BlockSpec((BB * L, H), lambda i: (i, 0)),
                 pl.BlockSpec((BB * L, H), lambda i: (i, 0)))
    out_shape = (jax.ShapeDtypeStruct((B * L, H), jnp.bfloat16),
                 jax.ShapeDtypeStruct((B * L, H), jnp.bfloat16))
    return (GRID,), in_specs, out_specs, out_shape


def _tc_global_specs():
    in_specs = [
        pl.BlockSpec((BB * L, H), lambda i: (i, 0)),
        pl.BlockSpec((BB * L, H), lambda i: (i, 0)),
        pl.BlockSpec((BB * L, H), lambda i: (i, 0)),
        pl.BlockSpec((BB * L, S), lambda i: (i, 0)),
        pl.BlockSpec((S, BB * L, H), lambda i: (0, i, 0)),
        pl.BlockSpec((H, H), lambda i: (0, 0)),
        pl.BlockSpec((1, H), lambda i: (0, 0)),
        pl.BlockSpec((1, H), lambda i: (0, 0)),
        pl.BlockSpec((2 * H, H), lambda i: (0, 0)),
        pl.BlockSpec((1, H), lambda i: (0, 0)),
    ]
    out_specs = pl.BlockSpec((BB * L, H), lambda i: (i, 0))
    out_shape = jax.ShapeDtypeStruct((N_INH, H), jnp.float32)
    return (N_INH // (BB * L),), in_specs, out_specs, out_shape


def _tc_local_call(*args):
    grid, in_specs, out_specs, out_shape = _tc_local_specs()
    return pl.pallas_call(_tc_local_body, grid=grid, in_specs=in_specs,
                          out_specs=out_specs, out_shape=out_shape)(*args)


def _tc_global_call(*args):
    grid, in_specs, out_specs, out_shape = _tc_global_specs()
    return pl.pallas_call(_tc_global_body, grid=grid, in_specs=in_specs,
                          out_specs=out_specs, out_shape=out_shape)(*args)


def kernel(inputs, adj, mask_item, item, embedding, a_0, a_1, a_2, a_3,
           g_w1, g_w2, g_w3, g_bias, adj_all, num):
    gather_tab, gather_small, gather_nbr = _sc_kernels()
    idx_in3 = inputs.astype(jnp.int32).reshape(NW, NCH_A, CH)
    idx_item3 = item.astype(jnp.int32).reshape(NW, NCH_A, CH)
    emb = embedding
    nbrtab = jnp.concatenate(
        [adj_all, lax.bitcast_convert_type(num, jnp.int32),
         jnp.zeros((adj_all.shape[0], 8), jnp.int32)], axis=1)
    nbr_packed = gather_tab(nbrtab, idx_in3)
    h_rows, item_rows = gather_small(emb, idx_in3, idx_item3)
    nbr_ids = nbr_packed[:, :S]
    nbr_w = lax.bitcast_convert_type(nbr_packed[:, S:2 * S], jnp.float32)
    idx3a = nbr_ids[:N_INH].T.reshape(NW, NCH_BH, CH)
    idx3b = nbr_ids[N_INH:].T.reshape(NW, NCH_BH, CH)
    nva = gather_nbr(emb, idx3a).reshape(S, N_INH, H)
    nvb = gather_nbr(emb, idx3b).reshape(S, N_INH, H)
    a4 = jnp.concatenate([a_0.T, a_1.T, a_2.T, a_3.T],
                         axis=0).astype(jnp.bfloat16)
    w1a = g_w1[:H].astype(jnp.bfloat16)
    w1l = g_w1[H:]
    w2r = g_w2.T
    w3 = g_w3.astype(jnp.bfloat16)
    bias = g_bias.reshape(1, H)
    maskf = mask_item.astype(jnp.float32)
    adj2 = adj.reshape(N_IN, L)
    loc_bf, sess_bf = _tc_local_call(h_rows, item_rows, maskf, adj2, a4)
    outa = _tc_global_call(h_rows[:N_INH], sess_bf[:N_INH], loc_bf[:N_INH],
                           nbr_w[:N_INH], nva, w1a, w1l, w2r, w3, bias)
    outb = _tc_global_call(h_rows[N_INH:], sess_bf[N_INH:], loc_bf[N_INH:],
                           nbr_w[N_INH:], nvb, w1a, w1l, w2r, w3, bias)
    return jnp.concatenate([outa, outb], axis=0).reshape(B, L, H)

# --- scband reference (transcript-rebuilt; emitter-appended) ---
"""Pipeline reference for scband-combine-graph-27762668601398 (READ-ONLY COPY).

The authoritative reference and input builder live on the scoring server;
editing this copy changes nothing except your own understanding.
"""

import jax, jax.numpy as jnp
import numpy as np

B, L, H = 1024, 20, 128
NUM_NODE = 100000
SAMPLE_NUM = 12
HOP = 1
LEAKY = 0.2


def _local_agg(h, adj, a_0, a_1, a_2, a_3):
    # GCE-GNN LocalAggregator: pairwise elementwise products + 4 relation-typed attention scores
    a_input = h[:, :, None, :] * h[:, None, :, :]  # [B, N, N, H]
    def e(a):
        return jax.nn.leaky_relu(jnp.squeeze(jnp.matmul(a_input, a), -1), LEAKY)
    e_0, e_1, e_2, e_3 = e(a_0), e(a_1), e(a_2), e(a_3)
    neg = -9e15 * jnp.ones_like(e_0)
    alpha = jnp.where(adj == 1, e_0, neg)
    alpha = jnp.where(adj == 2, e_1, alpha)
    alpha = jnp.where(adj == 3, e_2, alpha)
    alpha = jnp.where(adj == 4, e_3, alpha)
    alpha = jax.nn.softmax(alpha, axis=-1)
    return jnp.matmul(alpha, h)


def _global_agg(self_vec, neigh_vec, neigh_w, extra, w1, w2, w3, bias):
    # GCE-GNN GlobalAggregator with extra_vector (session info) attention, act=relu, eval mode (no dropout)
    ev = jnp.broadcast_to(extra[:, :, None, :], neigh_vec.shape)
    alpha = jnp.matmul(jnp.concatenate([ev * neigh_vec, neigh_w[..., None]], axis=-1), w1)
    alpha = jax.nn.leaky_relu(alpha, 0.2)
    alpha = jnp.squeeze(jnp.matmul(alpha, w2), -1)
    alpha = jax.nn.softmax(alpha, axis=-1)[..., None]
    neigh = jnp.sum(alpha * neigh_vec, axis=-2)
    out = jnp.concatenate([self_vec, neigh], axis=-1)
    out = jnp.matmul(out, w3)
    out = out.reshape(self_vec.shape[0], -1, H) + bias
    return jax.nn.relu(out)


def setup_inputs(seed: int = 0):
    key = jax.random.key(seed)
    ks = jax.random.split(key, 16)
    stdv = 1.0 / np.sqrt(H)
    def u(k, shape):
        return jax.random.uniform(k, shape, minval=-stdv, maxval=stdv, dtype=jnp.float32)
    return {
        "inputs": jax.random.randint(ks[0], (B, L), 0, NUM_NODE),
        "adj": jax.random.randint(ks[1], (B, L, L), 0, 5),
        "mask_item": jnp.ones((B, L), dtype=jnp.int32),
        "item": jax.random.randint(ks[2], (B, L), 0, NUM_NODE),
        "embedding": u(ks[3], (NUM_NODE, H)),
        "a_0": u(ks[4], (H, 1)),
        "a_1": u(ks[5], (H, 1)),
        "a_2": u(ks[6], (H, 1)),
        "a_3": u(ks[7], (H, 1)),
        "g_w1": u(ks[8], (H + 1, H)),
        "g_w2": u(ks[9], (H, 1)),
        "g_w3": u(ks[10], (2 * H, H)),
        "g_bias": u(ks[11], (H,)),
        "adj_all": jax.random.randint(ks[12], (NUM_NODE, SAMPLE_NUM), 0, NUM_NODE),
        "num": jax.random.uniform(ks[13], (NUM_NODE, SAMPLE_NUM), dtype=jnp.float32),
    }


def reference(inputs, adj, mask_item, item, embedding, a_0, a_1, a_2, a_3, g_w1, g_w2, g_w3, g_bias, adj_all, num):
    h = jnp.take(embedding, inputs, axis=0)
    h_local = _local_agg(h, adj, a_0, a_1, a_2, a_3)

    item_neighbors = [inputs]
    weight_neighbors = []
    support_size = L
    for _ in range(HOP):
        flat = item_neighbors[-1].reshape(-1)
        support_size *= SAMPLE_NUM
        item_neighbors.append(jnp.take(adj_all, flat, axis=0).reshape(B, support_size))
        weight_neighbors.append(jnp.take(num, flat, axis=0).reshape(B, support_size))

    entity_vectors = [jnp.take(embedding, it, axis=0) for it in item_neighbors]

    maskf = mask_item.astype(jnp.float32)
    item_emb = jnp.take(embedding, item, axis=0) * maskf[..., None]
    sum_item_emb = jnp.sum(item_emb, axis=1) / jnp.sum(maskf, axis=-1)[..., None]
    sum_item_emb = sum_item_emb[:, None, :]
    session_info = [jnp.broadcast_to(sum_item_emb, (B, entity_vectors[i].shape[1], H)) for i in range(HOP)]

    for n_hop in range(HOP):
        nxt = []
        for hop in range(HOP - n_hop):
            nxt.append(_global_agg(entity_vectors[hop],
                                   entity_vectors[hop + 1].reshape(B, -1, SAMPLE_NUM, H),
                                   weight_neighbors[hop].reshape(B, -1, SAMPLE_NUM),
                                   session_info[hop],
                                   g_w1, g_w2, g_w3, g_bias))
        entity_vectors = nxt

    h_global = entity_vectors[0].reshape(B, L, H)
    # dropout_local / dropout_global are identity in eval mode
    return h_local + h_global

if __name__ == "__main__":
    import jax
    _d = setup_inputs()
    print(jax.jit(kernel)(*tuple(_d.values())))

</pallas_src>

<mosaic_0001>
#map = affine_map<(d0, d1) -> (0, 0)>
#map1 = affine_map<(d0, d1) -> (0, 0, 0)>
module attributes {stable_mosaic.version = 14 : i64} {
  func.func @_sc_gather_nbr_body(%arg0: i32, %arg1: i32, %arg2: memref<100000x128xf32, #tpu.memory_space<hbm>>, %arg3: memref<32x30x128xi32, #tpu.memory_space<hbm>>, %arg4: memref<122880x128xf32, #tpu.memory_space<hbm>>, %arg5: memref<30x128xi32, #tpu.memory_space<vmem>>, %arg6: memref<128x128xf32, #tpu.memory_space<vmem>>, %arg7: memref<!tpu.dma_semaphore, #tpu.memory_space<semaphore_mem>>) attributes {dimension_semantics = [#tpu.dimension_semantics<core_parallel>, #tpu.dimension_semantics<subcore_parallel>], iteration_bounds = array<i64: 2, 16>, scalar_prefetch = 0 : i64, scratch_operands = 3 : i64, tpu.core_type = #tpu.core_type<sc_vector_subcore>, window_params = [{transform_indices = #map}, {transform_indices = #map1}, {transform_indices = #map}]} {
    %mul3A = arith.constant 2 : i32
    %mul3A_0 = arith.muli %arg1, %mul3A : i32
    %add3A = arith.addi %mul3A_0, %arg0 : i32
    %mul3A_1 = arith.constant 3840 : i32
    %mul3A_2 = arith.muli %add3A, %mul3A_1 : i32
    "tpu.region"() ({
      %run_scoped3A = tpu.sem_alloc : memref<!tpu.dma_semaphore, #tpu.memory_space<semaphore_mem>>
      %dma_start3A = arith.constant 0 : i32
      %dma_start3A_7 = arith.constant 0 : i32
      %dma_start3A_8 = tpu.memref_slice %arg3[%add3A, %dma_start3A, %dma_start3A_7] : memref<32x30x128xi32, #tpu.memory_space<hbm>> -> memref<1x30x128xi32, #tpu.memory_space<hbm>>
      %dma_start3A_9 = tpu.memref_squeeze %dma_start3A_8 : memref<1x30x128xi32, #tpu.memory_space<hbm>> -> memref<30x128xi32, #tpu.memory_space<hbm>>
      %dma_start3A_10 = arith.constant 0 : i32
      %dma_start3A_11 = arith.constant 0 : i32
      %dma_start3A_12 = tpu.memref_slice %arg3[%add3A, %dma_start3A_10, %dma_start3A_11] : memref<32x30x128xi32, #tpu.memory_space<hbm>> -> memref<1x30x128xi32, #tpu.memory_space<hbm>>
      %dma_start3A_13 = tpu.memref_squeeze %dma_start3A_12 : memref<1x30x128xi32, #tpu.memory_space<hbm>> -> memref<30x128xi32, #tpu.memory_space<hbm>>
      tpu.enqueue_dma source(%dma_start3A_13 : memref<30x128xi32, #tpu.memory_space<hbm>>) target(%arg5 : memref<30x128xi32, #tpu.memory_space<vmem>>) target_semaphore(%run_scoped3A : memref<!tpu.dma_semaphore, #tpu.memory_space<semaphore_mem>>)
      %dma_wait3A = arith.constant 0 : i32
      %dma_wait3A_14 = arith.constant 0 : i32
      %dma_wait3A_15 = tpu.memref_slice %arg3[%add3A, %dma_wait3A, %dma_wait3A_14] : memref<32x30x128xi32, #tpu.memory_space<hbm>> -> memref<1x30x128xi32, #tpu.memory_space<hbm>>
      %dma_wait3A_16 = tpu.memref_squeeze %dma_wait3A_15 : memref<1x30x128xi32, #tpu.memory_space<hbm>> -> memref<30x128xi32, #tpu.memory_space<hbm>>
      %dma_wait3A_17 = arith.constant 0 : i32
      %dma_wait3A_18 = arith.constant 0 : i32
      %dma_wait3A_19 = tpu.memref_slice %arg3[%add3A, %dma_wait3A_17, %dma_wait3A_18] : memref<32x30x128xi32, #tpu.memory_space<hbm>> -> memref<1x30x128xi32, #tpu.memory_space<hbm>>
      %dma_wait3A_20 = tpu.memref_squeeze %dma_wait3A_19 : memref<1x30x128xi32, #tpu.memory_space<hbm>> -> memref<30x128xi32, #tpu.memory_space<hbm>>
      tpu.wait_dma2 semaphore(%run_scoped3A : memref<!tpu.dma_semaphore, #tpu.memory_space<semaphore_mem>>) src(%dma_wait3A_20 : memref<30x128xi32, #tpu.memory_space<hbm>>) dst(%arg5 : memref<30x128xi32, #tpu.memory_space<vmem>>)
      tpu.yield
    }) : () -> ()
    %scan3A = arith.constant 0 : i32
    %scan3A_3 = arith.constant 30 : i32
    %scan3A_4 = arith.addi %scan3A, %scan3A_3 : i32
    %scan3A_5 = arith.constant 1 : i32
    scf.for %scan3A_7 = %scan3A to %scan3A_4 step %scan3A_5  : i32 {
      %mul3A_8 = arith.constant 1 : i32
      %mul3A_9 = arith.muli %scan3A_7, %mul3A_8 : i32
      %add3A_10 = arith.constant 0 : i32
      %add3A_11 = arith.addi %add3A_10, %mul3A_9 : i32
      %dma_start3A = arith.constant 0 : i32
      %dma_start3A_12 = tpu.memref_slice %arg5[%add3A_11, %dma_start3A] : memref<30x128xi32, #tpu.memory_space<vmem>> -> memref<1x128xi32, #tpu.memory_space<vmem>>
      %dma_start3A_13 = tpu.memref_squeeze %dma_start3A_12 : memref<1x128xi32, #tpu.memory_space<vmem>> -> memref<128xi32, #tpu.memory_space<vmem>>
      %dma_start3A_14 = arith.constant 0 : i32
      %dma_start3A_15 = arith.constant 0 : i32
      %dma_start3A_16 = tpu.memref_slice %arg2[%dma_start3A_14, %dma_start3A_15] : memref<100000x128xf32, #tpu.memory_space<hbm>> -> memref<100000x128xf32, #tpu.memory_space<hbm>>
      tpu.enqueue_indirect_dma source(%dma_start3A_16 : memref<100000x128xf32, #tpu.memory_space<hbm>>) target(%arg6 : memref<128x128xf32, #tpu.memory_space<vmem>>) offsets(%dma_start3A_13 : memref<128xi32, #tpu.memory_space<vmem>>) semaphore(%arg7 : memref<!tpu.dma_semaphore, #tpu.memory_space<semaphore_mem>>)
      %dma_wait3A = arith.constant 0 : i32
      %dma_wait3A_17 = tpu.memref_slice %arg5[%add3A_11, %dma_wait3A] : memref<30x128xi32, #tpu.memory_space<vmem>> -> memref<1x128xi32, #tpu.memory_space<vmem>>
      %dma_wait3A_18 = tpu.memref_squeeze %dma_wait3A_17 : memref<1x128xi32, #tpu.memory_space<vmem>> -> memref<128xi32, #tpu.memory_space<vmem>>
      %dma_wait3A_19 = arith.constant 0 : i32
      %dma_wait3A_20 = arith.constant 0 : i32
      %dma_wait3A_21 = tpu.memref_slice %arg2[%dma_wait3A_19, %dma_wait3A_20] : memref<100000x128xf32, #tpu.memory_space<hbm>> -> memref<100000x128xf32, #tpu.memory_space<hbm>>
      tpu.wait_indirect_dma semaphore(%arg7 : memref<!tpu.dma_semaphore, #tpu.memory_space<semaphore_mem>>) src(%dma_wait3A_21 : memref<100000x128xf32, #tpu.memory_space<hbm>>) dst(%arg6 : memref<128x128xf32, #tpu.memory_space<vmem>>)
      %mul3A_22 = arith.constant 128 : i32
      %mul3A_23 = arith.muli %add3A_11, %mul3A_22 : i32
      %add3A_24 = arith.addi %mul3A_2, %mul3A_23 : i32
      "tpu.region"() ({
        %run_scoped3A = tpu.sem_alloc : memref<!tpu.dma_semaphore, #tpu.memory_space<semaphore_mem>>
        %dma_start3A_25 = arith.constant 0 : i32
        %dma_start3A_26 = tpu.memref_slice %arg4[%add3A_24, %dma_start3A_25] : memref<122880x128xf32, #tpu.memory_space<hbm>> -> memref<128x128xf32, #tpu.memory_space<hbm>>
        %dma_start3A_27 = arith.constant 0 : i32
        %dma_start3A_28 = tpu.memref_slice %arg4[%add3A_24, %dma_start3A_27] : memref<122880x128xf32, #tpu.memory_space<hbm>> -> memref<128x128xf32, #tpu.memory_space<hbm>>
        tpu.enqueue_dma source(%arg6 : memref<128x128xf32, #tpu.memory_space<vmem>>) target(%dma_start3A_28 : memref<128x128xf32, #tpu.memory_space<hbm>>) target_semaphore(%run_scoped3A : memref<!tpu.dma_semaphore, #tpu.memory_space<semaphore_mem>>)
        %dma_wait3A_29 = arith.constant 0 : i32
        %dma_wait3A_30 = tpu.memref_slice %arg4[%add3A_24, %dma_wait3A_29] : memref<122880x128xf32, #tpu.memory_space<hbm>> -> memref<128x128xf32, #tpu.memory_space<hbm>>
        %dma_wait3A_31 = arith.constant 0 : i32
        %dma_wait3A_32 = tpu.memref_slice %arg4[%add3A_24, %dma_wait3A_31] : memref<122880x128xf32, #tpu.memory_space<hbm>> -> memref<128x128xf32, #tpu.memory_space<hbm>>
        tpu.wait_dma2 semaphore(%run_scoped3A : memref<!tpu.dma_semaphore, #tpu.memory_space<semaphore_mem>>) src(%arg6 : memref<128x128xf32, #tpu.memory_space<vmem>>) dst(%dma_wait3A_32 : memref<128x128xf32, #tpu.memory_space<hbm>>)
        tpu.yield
      }) : () -> ()
    }
    %scan3A_6 = arith.constant 30 : i32
    return
  }
}

#map = affine_map<(d0, d1) -> (0, 0)>
#map1 = affine_map<(d0, d1) -> (0, 0, 0)>
module attributes {stable_mosaic.version = 14 : i64} {
  func.func @_sc_gather_nbr_body(%arg0: i32, %arg1: i32, %arg2: memref<100000x128xf32, #tpu.memory_space<hbm>>, %arg3: memref<32x30x128xi32, #tpu.memory_space<hbm>>, %arg4: memref<122880x128xf32, #tpu.memory_space<hbm>>, %arg5: memref<30x128xi32, #tpu.memory_space<vmem>>, %arg6: memref<128x128xf32, #tpu.memory_space<vmem>>, %arg7: memref<!tpu.dma_semaphore, #tpu.memory_space<semaphore_mem>>) attributes {dimension_semantics = [#tpu.dimension_semantics<core_parallel>, #tpu.dimension_semantics<subcore_parallel>], iteration_bounds = array<i64: 2, 16>, scalar_prefetch = 0 : i64, scratch_operands = 3 : i64, tpu.core_type = #tpu.core_type<sc_vector_subcore>, window_params = [{transform_indices = #map}, {transform_indices = #map1}, {transform_indices = #map}]} {
    %mul3A = arith.constant 2 : i32
    %mul3A_0 = arith.muli %arg1, %mul3A : i32
    %add3A = arith.addi %mul3A_0, %arg0 : i32
    %mul3A_1 = arith.constant 3840 : i32
    %mul3A_2 = arith.muli %add3A, %mul3A_1 : i32
    "tpu.region"() ({
      %run_scoped3A = tpu.sem_alloc : memref<!tpu.dma_semaphore, #tpu.memory_space<semaphore_mem>>
      %dma_start3A = arith.constant 0 : i32
      %dma_start3A_7 = arith.constant 0 : i32
      %dma_start3A_8 = tpu.memref_slice %arg3[%add3A, %dma_start3A, %dma_start3A_7] : memref<32x30x128xi32, #tpu.memory_space<hbm>> -> memref<1x30x128xi32, #tpu.memory_space<hbm>>
      %dma_start3A_9 = tpu.memref_squeeze %dma_start3A_8 : memref<1x30x128xi32, #tpu.memory_space<hbm>> -> memref<30x128xi32, #tpu.memory_space<hbm>>
      %dma_start3A_10 = arith.constant 0 : i32
      %dma_start3A_11 = arith.constant 0 : i32
      %dma_start3A_12 = tpu.memref_slice %arg3[%add3A, %dma_start3A_10, %dma_start3A_11] : memref<32x30x128xi32, #tpu.memory_space<hbm>> -> memref<1x30x128xi32, #tpu.memory_space<hbm>>
      %dma_start3A_13 = tpu.memref_squeeze %dma_start3A_12 : memref<1x30x128xi32, #tpu.memory_space<hbm>> -> memref<30x128xi32, #tpu.memory_space<hbm>>
      tpu.enqueue_dma source(%dma_start3A_13 : memref<30x128xi32, #tpu.memory_space<hbm>>) target(%arg5 : memref<30x128xi32, #tpu.memory_space<vmem>>) target_semaphore(%run_scoped3A : memref<!tpu.dma_semaphore, #tpu.memory_space<semaphore_mem>>)
      %dma_wait3A = arith.constant 0 : i32
      %dma_wait3A_14 = arith.constant 0 : i32
      %dma_wait3A_15 = tpu.memref_slice %arg3[%add3A, %dma_wait3A, %dma_wait3A_14] : memref<32x30x128xi32, #tpu.memory_space<hbm>> -> memref<1x30x128xi32, #tpu.memory_space<hbm>>
      %dma_wait3A_16 = tpu.memref_squeeze %dma_wait3A_15 : memref<1x30x128xi32, #tpu.memory_space<hbm>> -> memref<30x128xi32, #tpu.memory_space<hbm>>
      %dma_wait3A_17 = arith.constant 0 : i32
      %dma_wait3A_18 = arith.constant 0 : i32
      %dma_wait3A_19 = tpu.memref_slice %arg3[%add3A, %dma_wait3A_17, %dma_wait3A_18] : memref<32x30x128xi32, #tpu.memory_space<hbm>> -> memref<1x30x128xi32, #tpu.memory_space<hbm>>
      %dma_wait3A_20 = tpu.memref_squeeze %dma_wait3A_19 : memref<1x30x128xi32, #tpu.memory_space<hbm>> -> memref<30x128xi32, #tpu.memory_space<hbm>>
      tpu.wait_dma2 semaphore(%run_scoped3A : memref<!tpu.dma_semaphore, #tpu.memory_space<semaphore_mem>>) src(%dma_wait3A_20 : memref<30x128xi32, #tpu.memory_space<hbm>>) dst(%arg5 : memref<30x128xi32, #tpu.memory_space<vmem>>)
      tpu.yield
    }) : () -> ()
    %scan3A = arith.constant 0 : i32
    %scan3A_3 = arith.constant 30 : i32
    %scan3A_4 = arith.addi %scan3A, %scan3A_3 : i32
    %scan3A_5 = arith.constant 1 : i32
    scf.for %scan3A_7 = %scan3A to %scan3A_4 step %scan3A_5  : i32 {
      %mul3A_8 = arith.constant 1 : i32
      %mul3A_9 = arith.muli %scan3A_7, %mul3A_8 : i32
      %add3A_10 = arith.constant 0 : i32
      %add3A_11 = arith.addi %add3A_10, %mul3A_9 : i32
      %dma_start3A = arith.constant 0 : i32
      %dma_start3A_12 = tpu.memref_slice %arg5[%add3A_11, %dma_start3A] : memref<30x128xi32, #tpu.memory_space<vmem>> -> memref<1x128xi32, #tpu.memory_space<vmem>>
      %dma_start3A_13 = tpu.memref_squeeze %dma_start3A_12 : memref<1x128xi32, #tpu.memory_space<vmem>> -> memref<128xi32, #tpu.memory_space<vmem>>
      %dma_start3A_14 = arith.constant 0 : i32
      %dma_start3A_15 = arith.constant 0 : i32
      %dma_start3A_16 = tpu.memref_slice %arg2[%dma_start3A_14, %dma_start3A_15] : memref<100000x128xf32, #tpu.memory_space<hbm>> -> memref<100000x128xf32, #tpu.memory_space<hbm>>
      tpu.enqueue_indirect_dma source(%dma_start3A_16 : memref<100000x128xf32, #tpu.memory_space<hbm>>) target(%arg6 : memref<128x128xf32, #tpu.memory_space<vmem>>) offsets(%dma_start3A_13 : memref<128xi32, #tpu.memory_space<vmem>>) semaphore(%arg7 : memref<!tpu.dma_semaphore, #tpu.memory_space<semaphore_mem>>)
      %dma_wait3A = arith.constant 0 : i32
      %dma_wait3A_17 = tpu.memref_slice %arg5[%add3A_11, %dma_wait3A] : memref<30x128xi32, #tpu.memory_space<vmem>> -> memref<1x128xi32, #tpu.memory_space<vmem>>
      %dma_wait3A_18 = tpu.memref_squeeze %dma_wait3A_17 : memref<1x128xi32, #tpu.memory_space<vmem>> -> memref<128xi32, #tpu.memory_space<vmem>>
      %dma_wait3A_19 = arith.constant 0 : i32
      %dma_wait3A_20 = arith.constant 0 : i32
      %dma_wait3A_21 = tpu.memref_slice %arg2[%dma_wait3A_19, %dma_wait3A_20] : memref<100000x128xf32, #tpu.memory_space<hbm>> -> memref<100000x128xf32, #tpu.memory_space<hbm>>
      tpu.wait_indirect_dma semaphore(%arg7 : memref<!tpu.dma_semaphore, #tpu.memory_space<semaphore_mem>>) src(%dma_wait3A_21 : memref<100000x128xf32, #tpu.memory_space<hbm>>) dst(%arg6 : memref<128x128xf32, #tpu.memory_space<vmem>>)
      %mul3A_22 = arith.constant 128 : i32
      %mul3A_23 = arith.muli %add3A_11, %mul3A_22 : i32
      %add3A_24 = arith.addi %mul3A_2, %mul3A_23 : i32
      "tpu.region"() ({
        %run_scoped3A = tpu.sem_alloc : memref<!tpu.dma_semaphore, #tpu.memory_space<semaphore_mem>>
        %dma_start3A_25 = arith.constant 0 : i32
        %dma_start3A_26 = tpu.memref_slice %arg4[%add3A_24, %dma_start3A_25] : memref<122880x128xf32, #tpu.memory_space<hbm>> -> memref<128x128xf32, #tpu.memory_space<hbm>>
        %dma_start3A_27 = arith.constant 0 : i32
        %dma_start3A_28 = tpu.memref_slice %arg4[%add3A_24, %dma_start3A_27] : memref<122880x128xf32, #tpu.memory_space<hbm>> -> memref<128x128xf32, #tpu.memory_space<hbm>>
        tpu.enqueue_dma source(%arg6 : memref<128x128xf32, #tpu.memory_space<vmem>>) target(%dma_start3A_28 : memref<128x128xf32, #tpu.memory_space<hbm>>) target_semaphore(%run_scoped3A : memref<!tpu.dma_semaphore, #tpu.memory_space<semaphore_mem>>)
        %dma_wait3A_29 = arith.constant 0 : i32
        %dma_wait3A_30 = tpu.memref_slice %arg4[%add3A_24, %dma_wait3A_29] : memref<122880x128xf32, #tpu.memory_space<hbm>> -> memref<128x128xf32, #tpu.memory_space<hbm>>
        %dma_wait3A_31 = arith.constant 0 : i32
        %dma_wait3A_32 = tpu.memref_slice %arg4[%add3A_24, %dma_wait3A_31] : memref<122880x128xf32, #tpu.memory_space<hbm>> -> memref<128x128xf32, #tpu.memory_space<hbm>>
        tpu.wait_dma2 semaphore(%run_scoped3A : memref<!tpu.dma_semaphore, #tpu.memory_space<semaphore_mem>>) src(%arg6 : memref<128x128xf32, #tpu.memory_space<vmem>>) dst(%dma_wait3A_32 : memref<128x128xf32, #tpu.memory_space<hbm>>)
        tpu.yield
      }) : () -> ()
    }
    %scan3A_6 = arith.constant 30 : i32
    return
  }
}

#map = affine_map<(d0, d1) -> (0, 0)>
#map1 = affine_map<(d0, d1) -> (0, 0, 0)>
module attributes {stable_mosaic.version = 14 : i64} {
  func.func @_sc_gather_small_body(%arg0: i32, %arg1: i32, %arg2: memref<100000x128xf32, #tpu.memory_space<hbm>>, %arg3: memref<32x5x128xi32, #tpu.memory_space<hbm>>, %arg4: memref<32x5x128xi32, #tpu.memory_space<hbm>>, %arg5: memref<20480x128xf32, #tpu.memory_space<hbm>>, %arg6: memref<20480x128xf32, #tpu.memory_space<hbm>>, %arg7: memref<5x128xi32, #tpu.memory_space<vmem>>, %arg8: memref<128x128xf32, #tpu.memory_space<vmem>>, %arg9: memref<!tpu.dma_semaphore, #tpu.memory_space<semaphore_mem>>) attributes {dimension_semantics = [#tpu.dimension_semantics<core_parallel>, #tpu.dimension_semantics<subcore_parallel>], iteration_bounds = array<i64: 2, 16>, scalar_prefetch = 0 : i64, scratch_operands = 3 : i64, tpu.core_type = #tpu.core_type<sc_vector_subcore>, window_params = [{transform_indices = #map}, {transform_indices = #map1}, {transform_indices = #map1}, {transform_indices = #map}, {transform_indices = #map}]} {
    %mul3A = arith.constant 2 : i32
    %mul3A_0 = arith.muli %arg1, %mul3A : i32
    %add3A = arith.addi %mul3A_0, %arg0 : i32
    %mul3A_1 = arith.constant 640 : i32
    %mul3A_2 = arith.muli %add3A, %mul3A_1 : i32
    "tpu.region"() ({
      %run_scoped3A = tpu.sem_alloc : memref<!tpu.dma_semaphore, #tpu.memory_space<semaphore_mem>>
      %dma_start3A_161 = arith.constant 0 : i32
      %dma_start3A_162 = arith.constant 0 : i32
      %dma_start3A_163 = tpu.memref_slice %arg3[%add3A, %dma_start3A_161, %dma_start3A_162] : memref<32x5x128xi32, #tpu.memory_space<hbm>> -> memref<1x5x128xi32, #tpu.memory_space<hbm>>
      %dma_start3A_164 = tpu.memref_squeeze %dma_start3A_163 : memref<1x5x128xi32, #tpu.memory_space<hbm>> -> memref<5x128xi32, #tpu.memory_space<hbm>>
      %dma_start3A_165 = arith.constant 0 : i32
      %dma_start3A_166 = arith.constant 0 : i32
      %dma_start3A_167 = tpu.memref_slice %arg3[%add3A, %dma_start3A_165, %dma_start3A_166] : memref<32x5x128xi32, #tpu.memory_space<hbm>> -> memref<1x5x128xi32, #tpu.memory_space<hbm>>
      %dma_start3A_168 = tpu.memref_squeeze %dma_start3A_167 : memref<1x5x128xi32, #tpu.memory_space<hbm>> -> memref<5x128xi32, #tpu.memory_space<hbm>>
      tpu.enqueue_dma source(%dma_start3A_168 : memref<5x128xi32, #tpu.memory_space<hbm>>) target(%arg7 : memref<5x128xi32, #tpu.memory_space<vmem>>) target_semaphore(%run_scoped3A : memref<!tpu.dma_semaphore, #tpu.memory_space<semaphore_mem>>)
      %dma_wait3A_169 = arith.constant 0 : i32
      %dma_wait3A_170 = arith.constant 0 : i32
      %dma_wait3A_171 = tpu.memref_slice %arg3[%add3A, %dma_wait3A_169, %dma_wait3A_170] : memref<32x5x128xi32, #tpu.memory_space<hbm>> -> memref<1x5x128xi32, #tpu.memory_space<hbm>>
      %dma_wait3A_172 = tpu.memref_squeeze %dma_wait3A_171 : memref<1x5x128xi32, #tpu.memory_space<hbm>> -> memref<5x128xi32, #tpu.memory_space<hbm>>
      %dma_wait3A_173 = arith.constant 0 : i32
      %dma_wait3A_174 = arith.constant 0 : i32
      %dma_wait3A_175 = tpu.memref_slice %arg3[%add3A, %dma_wait3A_173, %dma_wait3A_174] : memref<32x5x128xi32, #tpu.memory_space<hbm>> -> memref<1x5x128xi32, #tpu.memory_space<hbm>>
      %dma_wait3A_176 = tpu.memref_squeeze %dma_wait3A_175 : memref<1x5x128xi32, #tpu.memory_space<hbm>> -> memref<5x128xi32, #tpu.memory_space<hbm>>
      tpu.wait_dma2 semaphore(%run_scoped3A : memref<!tpu.dma_semaphore, #tpu.memory_space<semaphore_mem>>) src(%dma_wait3A_176 : memref<5x128xi32, #tpu.memory_space<hbm>>) dst(%arg7 : memref<5x128xi32, #tpu.memory_space<vmem>>)
      tpu.yield
    }) : () -> ()
    %dma_start3A = arith.constant 0 : i32
    %dma_start3A_3 = arith.constant 0 : i32
    %dma_start3A_4 = tpu.memref_slice %arg7[%dma_start3A, %dma_start3A_3] : memref<5x128xi32, #tpu.memory_space<vmem>> -> memref<1x128xi32, #tpu.memory_space<vmem>>
    %dma_start3A_5 = tpu.memref_squeeze %dma_start3A_4 : memref<1x128xi32, #tpu.memory_space<vmem>> -> memref<128xi32, #tpu.memory_space<vmem>>
    %dma_start3A_6 = arith.constant 0 : i32
    %dma_start3A_7 = arith.constant 0 : i32
    %dma_start3A_8 = tpu.memref_slice %arg2[%dma_start3A_6, %dma_start3A_7] : memref<100000x128xf32, #tpu.memory_space<hbm>> -> memref<100000x128xf32, #tpu.memory_space<hbm>>
    tpu.enqueue_indirect_dma source(%dma_start3A_8 : memref<100000x128xf32, #tpu.memory_space<hbm>>) target(%arg8 : memref<128x128xf32, #tpu.memory_space<vmem>>) offsets(%dma_start3A_5 : memref<128xi32, #tpu.memory_space<vmem>>) semaphore(%arg9 : memref<!tpu.dma_semaphore, #tpu.memory_space<semaphore_mem>>)
    %dma_wait3A = arith.constant 0 : i32
    %dma_wait3A_9 = arith.constant 0 : i32
    %dma_wait3A_10 = tpu.memref_slice %arg7[%dma_wait3A, %dma_wait3A_9] : memref<5x128xi32, #tpu.memory_space<vmem>> -> memref<1x128xi32, #tpu.memory_space<vmem>>
    %dma_wait3A_11 = tpu.memref_squeeze %dma_wait3A_10 : memref<1x128xi32, #tpu.memory_space<vmem>> -> memref<128xi32, #tpu.memory_space<vmem>>
    %dma_wait3A_12 = arith.constant 0 : i32
    %dma_wait3A_13 = arith.constant 0 : i32
    %dma_wait3A_14 = tpu.memref_slice %arg2[%dma_wait3A_12, %dma_wait3A_13] : memref<100000x128xf32, #tpu.memory_space<hbm>> -> memref<100000x128xf32, #tpu.memory_space<hbm>>
    tpu.wait_indirect_dma semaphore(%arg9 : memref<!tpu.dma_semaphore, #tpu.memory_space<semaphore_mem>>) src(%dma_wait3A_14 : memref<100000x128xf32, #tpu.memory_space<hbm>>) dst(%arg8 : memref<128x128xf32, #tpu.memory_space<vmem>>)
    %add3A_15 = arith.constant 0 : i32
    %add3A_16 = arith.addi %mul3A_2, %add3A_15 : i32
    "tpu.region"() ({
      %run_scoped3A = tpu.sem_alloc : memref<!tpu.dma_semaphore, #tpu.memory_space<semaphore_mem>>
      %dma_start3A_161 = arith.constant 0 : i32
      %dma_start3A_162 = tpu.memref_slice %arg5[%add3A_16, %dma_start3A_161] : memref<20480x128xf32, #tpu.memory_space<hbm>> -> memref<128x128xf32, #tpu.memory_space<hbm>>
      %dma_start3A_163 = arith.constant 0 : i32
      %dma_start3A_164 = tpu.memref_slice %arg5[%add3A_16, %dma_start3A_163] : memref<20480x128xf32, #tpu.memory_space<hbm>> -> memref<128x128xf32, #tpu.memory_space<hbm>>
      tpu.enqueue_dma source(%arg8 : memref<128x128xf32, #tpu.memory_space<vmem>>) target(%dma_start3A_164 : memref<128x128xf32, #tpu.memory_space<hbm>>) target_semaphore(%run_scoped3A : memref<!tpu.dma_semaphore, #tpu.memory_space<semaphore_mem>>)
      %dma_wait3A_165 = arith.constant 0 : i32
      %dma_wait3A_166 = tpu.memref_slice %arg5[%add3A_16, %dma_wait3A_165] : memref<20480x128xf32, #tpu.memory_space<hbm>> -> memref<128x128xf32, #tpu.memory_space<hbm>>
      %dma_wait3A_167 = arith.constant 0 : i32
      %dma_wait3A_168 = tpu.memref_slice %arg5[%add3A_16, %dma_wait3A_167] : memref<20480x128xf32, #tpu.memory_space<hbm>> -> memref<128x128xf32, #tpu.memory_space<hbm>>
      tpu.wait_dma2 semaphore(%run_scoped3A : memref<!tpu.dma_semaphore, #tpu.memory_space<semaphore_mem>>) src(%arg8 : memref<128x128xf32, #tpu.memory_space<vmem>>) dst(%dma_wait3A_168 : memref<128x128xf32, #tpu.memory_space<hbm>>)
      tpu.yield
    }) : () -> ()
    %dma_start3A_17 = arith.constant 1 : i32
    %dma_start3A_18 = arith.constant 0 : i32
    %dma_start3A_19 = tpu.memref_slice %arg7[%dma_start3A_17, %dma_start3A_18] : memref<5x128xi32, #tpu.memory_space<vmem>> -> memref<1x128xi32, #tpu.memory_space<vmem>>
    %dma_start3A_20 = tpu.memref_squeeze %dma_start3A_19 : memref<1x128xi32, #tpu.memory_space<vmem>> -> memref<128xi32, #tpu.memory_space<vmem>>
    %dma_start3A_21 = arith.constant 0 : i32
    %dma_start3A_22 = arith.constant 0 : i32
    %dma_start3A_23 = tpu.memref_slice %arg2[%dma_start3A_21, %dma_start3A_22] : memref<100000x128xf32, #tpu.memory_space<hbm>> -> memref<100000x128xf32, #tpu.memory_space<hbm>>
    tpu.enqueue_indirect_dma source(%dma_start3A_23 : memref<100000x128xf32, #tpu.memory_space<hbm>>) target(%arg8 : memref<128x128xf32, #tpu.memory_space<vmem>>) offsets(%dma_start3A_20 : memref<128xi32, #tpu.memory_space<vmem>>) semaphore(%arg9 : memref<!tpu.dma_semaphore, #tpu.memory_space<semaphore_mem>>)
    %dma_wait3A_24 = arith.constant 1 : i32
    %dma_wait3A_25 = arith.constant 0 : i32
    %dma_wait3A_26 = tpu.memref_slice %arg7[%dma_wait3A_24, %dma_wait3A_25] : memref<5x128xi32, #tpu.memory_space<vmem>> -> memref<1x128xi32, #tpu.memory_space<vmem>>
    %dma_wait3A_27 = tpu.memref_squeeze %dma_wait3A_26 : memref<1x128xi32, #tpu.memory_space<vmem>> -> memref<128xi32, #tpu.memory_space<vmem>>
    %dma_wait3A_28 = arith.constant 0 : i32
    %dma_wait3A_29 = arith.constant 0 : i32
    %dma_wait3A_30 = tpu.memref_slice %arg2[%dma_wait3A_28, %dma_wait3A_29] : memref<100000x128xf32, #tpu.memory_space<hbm>> -> memref<100000x128xf32, #tpu.memory_space<hbm>>
    tpu.wait_indirect_dma semaphore(%arg9 : memref<!tpu.dma_semaphore, #tpu.memory_space<semaphore_mem>>) src(%dma_wait3A_30 : memref<100000x128xf32, #tpu.memory_space<hbm>>) dst(%arg8 : memref<128x128xf32, #tpu.memory_space<vmem>>)
    %add3A_31 = arith.constant 128 : i32
    %add3A_32 = arith.addi %mul3A_2, %add3A_31 : i32
    "tpu.region"() ({
      %run_scoped3A = tpu.sem_alloc : memref<!tpu.dma_semaphore, #tpu.memory_space<semaphore_mem>>
      %dma_start3A_161 = arith.constant 0 : i32
      %dma_start3A_162 = tpu.memref_slice %arg5[%add3A_32, %dma_start3A_161] : memref<20480x128xf32, #tpu.memory_space<hbm>> -> memref<128x128xf32, #tpu.memory_space<hbm>>
      %dma_start3A_163 = arith.constant 0 : i32
      %dma_start3A_164 = tpu.memref_slice %arg5[%add3A_32, %dma_start3A_163] : memref<20480x128xf32, #tpu.memory_space<hbm>> -> memref<128x128xf32, #tpu.memory_space<hbm>>
      tpu.enqueue_dma source(%arg8 : memref<128x128xf32, #tpu.memory_space<vmem>>) target(%dma_start3A_164 : memref<128x128xf32, #tpu.memory_space<hbm>>) target_semaphore(%run_scoped3A : memref<!tpu.dma_semaphore, #tpu.memory_space<semaphore_mem>>)
      %dma_wait3A_165 = arith.constant 0 : i32
      %dma_wait3A_166 = tpu.memref_slice %arg5[%add3A_32, %dma_wait3A_165] : memref<20480x128xf32, #tpu.memory_space<hbm>> -> memref<128x128xf32, #tpu.memory_space<hbm>>
      %dma_wait3A_167 = arith.constant 0 : i32
      %dma_wait3A_168 = tpu.memref_slice %arg5[%add3A_32, %dma_wait3A_167] : memref<20480x128xf32, #tpu.memory_space<hbm>> -> memref<128x128xf32, #tpu.memory_space<hbm>>
      tpu.wait_dma2 semaphore(%run_scoped3A : memref<!tpu.dma_semaphore, #tpu.memory_space<semaphore_mem>>) src(%arg8 : memref<128x128xf32, #tpu.memory_space<vmem>>) dst(%dma_wait3A_168 : memref<128x128xf32, #tpu.memory_space<hbm>>)
      tpu.yield
    }) : () -> ()
    %dma_start3A_33 = arith.constant 2 : i32
    %dma_start3A_34 = arith.constant 0 : i32
    %dma_start3A_35 = tpu.memref_slice %arg7[%dma_start3A_33, %dma_start3A_34] : memref<5x128xi32, #tpu.memory_space<vmem>> -> memref<1x128xi32, #tpu.memory_space<vmem>>
    %dma_start3A_36 = tpu.memref_squeeze %dma_start3A_35 : memref<1x128xi32, #tpu.memory_space<vmem>> -> memref<128xi32, #tpu.memory_space<vmem>>
    %dma_start3A_37 = arith.constant 0 : i32
    %dma_start3A_38 = arith.constant 0 : i32
    %dma_start3A_39 = tpu.memref_slice %arg2[%dma_start3A_37, %dma_start3A_38] : memref<100000x128xf32, #tpu.memory_space<hbm>> -> memref<100000x128xf32, #tpu.memory_space<hbm>>
    tpu.enqueue_indirect_dma source(%dma_start3A_39 : memref<100000x128xf32, #tpu.memory_space<hbm>>) target(%arg8 : memref<128x128xf32, #tpu.memory_space<vmem>>) offsets(%dma_start3A_36 : memref<128xi32, #tpu.memory_space<vmem>>) semaphore(%arg9 : memref<!tpu.dma_semaphore, #tpu.memory_space<semaphore_mem>>)
    %dma_wait3A_40 = arith.constant 2 : i32
    %dma_wait3A_41 = arith.constant 0 : i32
    %dma_wait3A_42 = tpu.memref_slice %arg7[%dma_wait3A_40, %dma_wait3A_41] : memref<5x128xi32, #tpu.memory_space<vmem>> -> memref<1x128xi32, #tpu.memory_space<vmem>>
    %dma_wait3A_43 = tpu.memref_squeeze %dma_wait3A_42 : memref<1x128xi32, #tpu.memory_space<vmem>> -> memref<128xi32, #tpu.memory_space<vmem>>
    %dma_wait3A_44 = arith.constant 0 : i32
    %dma_wait3A_45 = arith.constant 0 : i32
    %dma_wait3A_46 = tpu.memref_slice %arg2[%dma_wait3A_44, %dma_wait3A_45] : memref<100000x128xf32, #tpu.memory_space<hbm>> -> memref<100000x128xf32, #tpu.memory_space<hbm>>
    tpu.wait_indirect_dma semaphore(%arg9 : memref<!tpu.dma_semaphore, #tpu.memory_space<semaphore_mem>>) src(%dma_wait3A_46 : memref<100000x128xf32, #tpu.memory_space<hbm>>) dst(%arg8 : memref<128x128xf32, #tpu.memory_space<vmem>>)
    %add3A_47 = arith.constant 256 : i32
    %add3A_48 = arith.addi %mul3A_2, %add3A_47 : i32
    "tpu.region"() ({
      %run_scoped3A = tpu.sem_alloc : memref<!tpu.dma_semaphore, #tpu.memory_space<semaphore_mem>>
      %dma_start3A_161 = arith.constant 0 : i32
      %dma_start3A_162 = tpu.memref_slice %arg5[%add3A_48, %dma_start3A_161] : memref<20480x128xf32, #tpu.memory_space<hbm>> -> memref<128x128xf32, #tpu.memory_space<hbm>>
      %dma_start3A_163 = arith.constant 0 : i32
      %dma_start3A_164 = tpu.memref_slice %arg5[%add3A_48, %dma_start3A_163] : memref<20480x128xf32, #tpu.memory_space<hbm>> -> memref<128x128xf32, #tpu.memory_space<hbm>>
      tpu.enqueue_dma source(%arg8 : memref<128x128xf32, #tpu.memory_space<vmem>>) target(%dma_start3A_164 : memref<128x128xf32, #tpu.memory_space<hbm>>) target_semaphore(%run_scoped3A : memref<!tpu.dma_semaphore, #tpu.memory_space<semaphore_mem>>)
      %dma_wait3A_165 = arith.constant 0 : i32
      %dma_wait3A_166 = tpu.memref_slice %arg5[%add3A_48, %dma_wait3A_165] : memref<20480x128xf32, #tpu.memory_space<hbm>> -> memref<128x128xf32, #tpu.memory_space<hbm>>
      %dma_wait3A_167 = arith.constant 0 : i32
      %dma_wait3A_168 = tpu.memref_slice %arg5[%add3A_48, %dma_wait3A_167] : memref<20480x128xf32, #tpu.memory_space<hbm>> -> memref<128x128xf32, #tpu.memory_space<hbm>>
      tpu.wait_dma2 semaphore(%run_scoped3A : memref<!tpu.dma_semaphore, #tpu.memory_space<semaphore_mem>>) src(%arg8 : memref<128x128xf32, #tpu.memory_space<vmem>>) dst(%dma_wait3A_168 : memref<128x128xf32, #tpu.memory_space<hbm>>)
      tpu.yield
    }) : () -> ()
    %dma_start3A_49 = arith.constant 3 : i32
    %dma_start3A_50 = arith.constant 0 : i32
    %dma_start3A_51 = tpu.memref_slice %arg7[%dma_start3A_49, %dma_start3A_50] : memref<5x128xi32, #tpu.memory_space<vmem>> -> memref<1x128xi32, #tpu.memory_space<vmem>>
    %dma_start3A_52 = tpu.memref_squeeze %dma_start3A_51 : memref<1x128xi32, #tpu.memory_space<vmem>> -> memref<128xi32, #tpu.memory_space<vmem>>
    %dma_start3A_53 = arith.constant 0 : i32
    %dma_start3A_54 = arith.constant 0 : i32
    %dma_start3A_55 = tpu.memref_slice %arg2[%dma_start3A_53, %dma_start3A_54] : memref<100000x128xf32, #tpu.memory_space<hbm>> -> memref<100000x128xf32, #tpu.memory_space<hbm>>
    tpu.enqueue_indirect_dma source(%dma_start3A_55 : memref<100000x128xf32, #tpu.memory_space<hbm>>) target(%arg8 : memref<128x128xf32, #tpu.memory_space<vmem>>) offsets(%dma_start3A_52 : memref<128xi32, #tpu.memory_space<vmem>>) semaphore(%arg9 : memref<!tpu.dma_semaphore, #tpu.memory_space<semaphore_mem>>)
    %dma_wait3A_56 = arith.constant 3 : i32
    %dma_wait3A_57 = arith.constant 0 : i32
    %dma_wait3A_58 = tpu.memref_slice %arg7[%dma_wait3A_56, %dma_wait3A_57] : memref<5x128xi32, #tpu.memory_space<vmem>> -> memref<1x128xi32, #tpu.memory_space<vmem>>
    %dma_wait3A_59 = tpu.memref_squeeze %dma_wait3A_58 : memref<1x128xi32, #tpu.memory_space<vmem>> -> memref<128xi32, #tpu.memory_space<vmem>>
    %dma_wait3A_60 = arith.constant 0 : i32
    %dma_wait3A_61 = arith.constant 0 : i32
    %dma_wait3A_62 = tpu.memref_slice %arg2[%dma_wait3A_60, %dma_wait3A_61] : memref<100000x128xf32, #tpu.memory_space<hbm>> -> memref<100000x128xf32, #tpu.memory_space<hbm>>
    tpu.wait_indirect_dma semaphore(%arg9 : memref<!tpu.dma_semaphore, #tpu.memory_space<semaphore_mem>>) src(%dma_wait3A_62 : memref<100000x128xf32, #tpu.memory_space<hbm>>) dst(%arg8 : memref<128x128xf32, #tpu.memory_space<vmem>>)
    %add3A_63 = arith.constant 384 : i32
    %add3A_64 = arith.addi %mul3A_2, %add3A_63 : i32
    "tpu.region"() ({
      %run_scoped3A = tpu.sem_alloc : memref<!tpu.dma_semaphore, #tpu.memory_space<semaphore_mem>>
      %dma_start3A_161 = arith.constant 0 : i32
      %dma_start3A_162 = tpu.memref_slice %arg5[%add3A_64, %dma_start3A_161] : memref<20480x128xf32, #tpu.memory_space<hbm>> -> memref<128x128xf32, #tpu.memory_space<hbm>>
      %dma_start3A_163 = arith.constant 0 : i32
      %dma_start3A_164 = tpu.memref_slice %arg5[%add3A_64, %dma_start3A_163] : memref<20480x128xf32, #tpu.memory_space<hbm>> -> memref<128x128xf32, #tpu.memory_space<hbm>>
      tpu.enqueue_dma source(%arg8 : memref<128x128xf32, #tpu.memory_space<vmem>>) target(%dma_start3A_164 : memref<128x128xf32, #tpu.memory_space<hbm>>) target_semaphore(%run_scoped3A : memref<!tpu.dma_semaphore, #tpu.memory_space<semaphore_mem>>)
      %dma_wait3A_165 = arith.constant 0 : i32
      %dma_wait3A_166 = tpu.memref_slice %arg5[%add3A_64, %dma_wait3A_165] : memref<20480x128xf32, #tpu.memory_space<hbm>> -> memref<128x128xf32, #tpu.memory_space<hbm>>
      %dma_wait3A_167 = arith.constant 0 : i32
      %dma_wait3A_168 = tpu.memref_slice %arg5[%add3A_64, %dma_wait3A_167] : memref<20480x128xf32, #tpu.memory_space<hbm>> -> memref<128x128xf32, #tpu.memory_space<hbm>>
      tpu.wait_dma2 semaphore(%run_scoped3A : memref<!tpu.dma_semaphore, #tpu.memory_space<semaphore_mem>>) src(%arg8 : memref<128x128xf32, #tpu.memory_space<vmem>>) dst(%dma_wait3A_168 : memref<128x128xf32, #tpu.memory_space<hbm>>)
      tpu.yield
    }) : () -> ()
    %dma_start3A_65 = arith.constant 4 : i32
    %dma_start3A_66 = arith.constant 0 : i32
    %dma_start3A_67 = tpu.memref_slice %arg7[%dma_start3A_65, %dma_start3A_66] : memref<5x128xi32, #tpu.memory_space<vmem>> -> memref<1x128xi32, #tpu.memory_space<vmem>>
    %dma_start3A_68 = tpu.memref_squeeze %dma_start3A_67 : memref<1x128xi32, #tpu.memory_space<vmem>> -> memref<128xi32, #tpu.memory_space<vmem>>
    %dma_start3A_69 = arith.constant 0 : i32
    %dma_start3A_70 = arith.constant 0 : i32
    %dma_start3A_71 = tpu.memref_slice %arg2[%dma_start3A_69, %dma_start3A_70] : memref<100000x128xf32, #tpu.memory_space<hbm>> -> memref<100000x128xf32, #tpu.memory_space<hbm>>
    tpu.enqueue_indirect_dma source(%dma_start3A_71 : memref<100000x128xf32, #tpu.memory_space<hbm>>) target(%arg8 : memref<128x128xf32, #tpu.memory_space<vmem>>) offsets(%dma_start3A_68 : memref<128xi32, #tpu.memory_space<vmem>>) semaphore(%arg9 : memref<!tpu.dma_semaphore, #tpu.memory_space<semaphore_mem>>)
    %dma_wait3A_72 = arith.constant 4 : i32
    %dma_wait3A_73 = arith.constant 0 : i32
    %dma_wait3A_74 = tpu.memref_slice %arg7[%dma_wait3A_72, %dma_wait3A_73] : memref<5x128xi32, #tpu.memory_space<vmem>> -> memref<1x128xi32, #tpu.memory_space<vmem>>
    %dma_wait3A_75 = tpu.memref_squeeze %dma_wait3A_74 : memref<1x128xi32, #tpu.memory_space<vmem>> -> memref<128xi32, #tpu.memory_space<vmem>>
    %dma_wait3A_76 = arith.constant 0 : i32
    %dma_wait3A_77 = arith.constant 0 : i32
    %dma_wait3A_78 = tpu.memref_slice %arg2[%dma_wait3A_76, %dma_wait3A_77] : memref<100000x128xf32, #tpu.memory_space<hbm>> -> memref<100000x128xf32, #tpu.memory_space<hbm>>
    tpu.wait_indirect_dma semaphore(%arg9 : memref<!tpu.dma_semaphore, #tpu.memory_space<semaphore_mem>>) src(%dma_wait3A_78 : memref<100000x128xf32, #tpu.memory_space<hbm>>) dst(%arg8 : memref<128x128xf32, #tpu.memory_space<vmem>>)
    %add3A_79 = arith.constant 512 : i32
    %add3A_80 = arith.addi %mul3A_2, %add3A_79 : i32
    "tpu.region"() ({
      %run_scoped3A = tpu.sem_alloc : memref<!tpu.dma_semaphore, #tpu.memory_space<semaphore_mem>>
      %dma_start3A_161 = arith.constant 0 : i32
      %dma_start3A_162 = tpu.memref_slice %arg5[%add3A_80, %dma_start3A_161] : memref<20480x128xf32, #tpu.memory_space<hbm>> -> memref<128x128xf32, #tpu.memory_space<hbm>>
      %dma_start3A_163 = arith.constant 0 : i32
      %dma_start3A_164 = tpu.memref_slice %arg5[%add3A_80, %dma_start3A_163] : memref<20480x128xf32, #tpu.memory_space<hbm>> -> memref<128x128xf32, #tpu.memory_space<hbm>>
      tpu.enqueue_dma source(%arg8 : memref<128x128xf32, #tpu.memory_space<vmem>>) target(%dma_start3A_164 : memref<128x128xf32, #tpu.memory_space<hbm>>) target_semaphore(%run_scoped3A : memref<!tpu.dma_semaphore, #tpu.memory_space<semaphore_mem>>)
      %dma_wait3A_165 = arith.constant 0 : i32
      %dma_wait3A_166 = tpu.memref_slice %arg5[%add3A_80, %dma_wait3A_165] : memref<20480x128xf32, #tpu.memory_space<hbm>> -> memref<128x128xf32, #tpu.memory_space<hbm>>
      %dma_wait3A_167 = arith.constant 0 : i32
      %dma_wait3A_168 = tpu.memref_slice %arg5[%add3A_80, %dma_wait3A_167] : memref<20480x128xf32, #tpu.memory_space<hbm>> -> memref<128x128xf32, #tpu.memory_space<hbm>>
      tpu.wait_dma2 semaphore(%run_scoped3A : memref<!tpu.dma_semaphore, #tpu.memory_space<semaphore_mem>>) src(%arg8 : memref<128x128xf32, #tpu.memory_space<vmem>>) dst(%dma_wait3A_168 : memref<128x128xf32, #tpu.memory_space<hbm>>)
      tpu.yield
    }) : () -> ()
    "tpu.region"() ({
      %run_scoped3A = tpu.sem_alloc : memref<!tpu.dma_semaphore, #tpu.memory_space<semaphore_mem>>
      %dma_start3A_161 = arith.constant 0 : i32
      %dma_start3A_162 = arith.constant 0 : i32
      %dma_start3A_163 = tpu.memref_slice %arg4[%add3A, %dma_start3A_161, %dma_start3A_162] : memref<32x5x128xi32, #tpu.memory_space<hbm>> -> memref<1x5x128xi32, #tpu.memory_space<hbm>>
      %dma_start3A_164 = tpu.memref_squeeze %dma_start3A_163 : memref<1x5x128xi32, #tpu.memory_space<hbm>> -> memref<5x128xi32, #tpu.memory_space<hbm>>
      %dma_start3A_165 = arith.constant 0 : i32
      %dma_start3A_166 = arith.constant 0 : i32
      %dma_start3A_167 = tpu.memref_slice %arg4[%add3A, %dma_start3A_165, %dma_start3A_166] : memref<32x5x128xi32, #tpu.memory_space<hbm>> -> memref<1x5x128xi32, #tpu.memory_space<hbm>>
      %dma_start3A_168 = tpu.memref_squeeze %dma_start3A_167 : memref<1x5x128xi32, #tpu.memory_space<hbm>> -> memref<5x128xi32, #tpu.memory_space<hbm>>
      tpu.enqueue_dma source(%dma_start3A_168 : memref<5x128xi32, #tpu.memory_space<hbm>>) target(%arg7 : memref<5x128xi32, #tpu.memory_space<vmem>>) target_semaphore(%run_scoped3A : memref<!tpu.dma_semaphore, #tpu.memory_space<semaphore_mem>>)
      %dma_wait3A_169 = arith.constant 0 : i32
      %dma_wait3A_170 = arith.constant 0 : i32
      %dma_wait3A_171 = tpu.memref_slice %arg4[%add3A, %dma_wait3A_169, %dma_wait3A_170] : memref<32x5x128xi32, #tpu.memory_space<hbm>> -> memref<1x5x128xi32, #tpu.memory_space<hbm>>
      %dma_wait3A_172 = tpu.memref_squeeze %dma_wait3A_171 : memref<1x5x128xi32, #tpu.memory_space<hbm>> -> memref<5x128xi32, #tpu.memory_space<hbm>>
      %dma_wait3A_173 = arith.constant 0 : i32
      %dma_wait3A_174 = arith.constant 0 : i32
      %dma_wait3A_175 = tpu.memref_slice %arg4[%add3A, %dma_wait3A_173, %dma_wait3A_174] : memref<32x5x128xi32, #tpu.memory_space<hbm>> -> memref<1x5x128xi32, #tpu.memory_space<hbm>>
      %dma_wait3A_176 = tpu.memref_squeeze %dma_wait3A_175 : memref<1x5x128xi32, #tpu.memory_space<hbm>> -> memref<5x128xi32, #tpu.memory_space<hbm>>
      tpu.wait_dma2 semaphore(%run_scoped3A : memref<!tpu.dma_semaphore, #tpu.memory_space<semaphore_mem>>) src(%dma_wait3A_176 : memref<5x128xi32, #tpu.memory_space<hbm>>) dst(%arg7 : memref<5x128xi32, #tpu.memory_space<vmem>>)
      tpu.yield
    }) : () -> ()
    %dma_start3A_81 = arith.constant 0 : i32
    %dma_start3A_82 = arith.constant 0 : i32
    %dma_start3A_83 = tpu.memref_slice %arg7[%dma_start3A_81, %dma_start3A_82] : memref<5x128xi32, #tpu.memory_space<vmem>> -> memref<1x128xi32, #tpu.memory_space<vmem>>
    %dma_start3A_84 = tpu.memref_squeeze %dma_start3A_83 : memref<1x128xi32, #tpu.memory_space<vmem>> -> memref<128xi32, #tpu.memory_space<vmem>>
    %dma_start3A_85 = arith.constant 0 : i32
    %dma_start3A_86 = arith.constant 0 : i32
    %dma_start3A_87 = tpu.memref_slice %arg2[%dma_start3A_85, %dma_start3A_86] : memref<100000x128xf32, #tpu.memory_space<hbm>> -> memref<100000x128xf32, #tpu.memory_space<hbm>>
    tpu.enqueue_indirect_dma source(%dma_start3A_87 : memref<100000x128xf32, #tpu.memory_space<hbm>>) target(%arg8 : memref<128x128xf32, #tpu.memory_space<vmem>>) offsets(%dma_start3A_84 : memref<128xi32, #tpu.memory_space<vmem>>) semaphore(%arg9 : memref<!tpu.dma_semaphore, #tpu.memory_space<semaphore_mem>>)
    %dma_wait3A_88 = arith.constant 0 : i32
    %dma_wait3A_89 = arith.constant 0 : i32
    %dma_wait3A_90 = tpu.memref_slice %arg7[%dma_wait3A_88, %dma_wait3A_89] : memref<5x128xi32, #tpu.memory_space<vmem>> -> memref<1x128xi32, #tpu.memory_space<vmem>>
    %dma_wait3A_91 = tpu.memref_squeeze %dma_wait3A_90 : memref<1x128xi32, #tpu.memory_space<vmem>> -> memref<128xi32, #tpu.memory_space<vmem>>
    %dma_wait3A_92 = arith.constant 0 : i32
    %dma_wait3A_93 = arith.constant 0 : i32
    %dma_wait3A_94 = tpu.memref_slice %arg2[%dma_wait3A_92, %dma_wait3A_93] : memref<100000x128xf32, #tpu.memory_space<hbm>> -> memref<100000x128xf32, #tpu.memory_space<hbm>>
    tpu.wait_indirect_dma semaphore(%arg9 : memref<!tpu.dma_semaphore, #tpu.memory_space<semaphore_mem>>) src(%dma_wait3A_94 : memref<100000x128xf32, #tpu.memory_space<hbm>>) dst(%arg8 : memref<128x128xf32, #tpu.memory_space<vmem>>)
    %add3A_95 = arith.constant 0 : i32
    %add3A_96 = arith.addi %mul3A_2, %add3A_95 : i32
    "tpu.region"() ({
      %run_scoped3A = tpu.sem_alloc : memref<!tpu.dma_semaphore, #tpu.memory_space<semaphore_mem>>
      %dma_start3A_161 = arith.constant 0 : i32
      %dma_start3A_162 = tpu.memref_slice %arg6[%add3A_96, %dma_start3A_161] : memref<20480x128xf32, #tpu.memory_space<hbm>> -> memref<128x128xf32, #tpu.memory_space<hbm>>
      %dma_start3A_163 = arith.constant 0 : i32
      %dma_start3A_164 = tpu.memref_slice %arg6[%add3A_96, %dma_start3A_163] : memref<20480x128xf32, #tpu.memory_space<hbm>> -> memref<128x128xf32, #tpu.memory_space<hbm>>
      tpu.enqueue_dma source(%arg8 : memref<128x128xf32, #tpu.memory_space<vmem>>) target(%dma_start3A_164 : memref<128x128xf32, #tpu.memory_space<hbm>>) target_semaphore(%run_scoped3A : memref<!tpu.dma_semaphore, #tpu.memory_space<semaphore_mem>>)
      %dma_wait3A_165 = arith.constant 0 : i32
      %dma_wait3A_166 = tpu.memref_slice %arg6[%add3A_96, %dma_wait3A_165] : memref<20480x128xf32, #tpu.memory_space<hbm>> -> memref<128x128xf32, #tpu.memory_space<hbm>>
      %dma_wait3A_167 = arith.constant 0 : i32
      %dma_wait3A_168 = tpu.memref_slice %arg6[%add3A_96, %dma_wait3A_167] : memref<20480x128xf32, #tpu.memory_space<hbm>> -> memref<128x128xf32, #tpu.memory_space<hbm>>
      tpu.wait_dma2 semaphore(%run_scoped3A : memref<!tpu.dma_semaphore, #tpu.memory_space<semaphore_mem>>) src(%arg8 : memref<128x128xf32, #tpu.memory_space<vmem>>) dst(%dma_wait3A_168 : memref<128x128xf32, #tpu.memory_space<hbm>>)
      tpu.yield
    }) : () -> ()
    %dma_start3A_97 = arith.constant 1 : i32
    %dma_start3A_98 = arith.constant 0 : i32
    %dma_start3A_99 = tpu.memref_slice %arg7[%dma_start3A_97, %dma_start3A_98] : memref<5x128xi32, #tpu.memory_space<vmem>> -> memref<1x128xi32, #tpu.memory_space<vmem>>
    %dma_start3A_100 = tpu.memref_squeeze %dma_start3A_99 : memref<1x128xi32, #tpu.memory_space<vmem>> -> memref<128xi32, #tpu.memory_space<vmem>>
    %dma_start3A_101 = arith.constant 0 : i32
    %dma_start3A_102 = arith.constant 0 : i32
    %dma_start3A_103 = tpu.memref_slice %arg2[%dma_start3A_101, %dma_start3A_102] : memref<100000x128xf32, #tpu.memory_space<hbm>> -> memref<100000x128xf32, #tpu.memory_space<hbm>>
    tpu.enqueue_indirect_dma source(%dma_start3A_103 : memref<100000x128xf32, #tpu.memory_space<hbm>>) target(%arg8 : memref<128x128xf32, #tpu.memory_space<vmem>>) offsets(%dma_start3A_100 : memref<128xi32, #tpu.memory_space<vmem>>) semaphore(%arg9 : memref<!tpu.dma_semaphore, #tpu.memory_space<semaphore_mem>>)
    %dma_wait3A_104 = arith.constant 1 : i32
    %dma_wait3A_105 = arith.constant 0 : i32
    %dma_wait3A_106 = tpu.memref_slice %arg7[%dma_wait3A_104, %dma_wait3A_105] : memref<5x128xi32, #tpu.memory_space<vmem>> -> memref<1x128xi32, #tpu.memory_space<vmem>>
    %dma_wait3A_107 = tpu.memref_squeeze %dma_wait3A_106 : memref<1x128xi32, #tpu.memory_space<vmem>> -> memref<128xi32, #tpu.memory_space<vmem>>
    %dma_wait3A_108 = arith.constant 0 : i32
    %dma_wait3A_109 = arith.constant 0 : i32
    %dma_wait3A_110 = tpu.memref_slice %arg2[%dma_wait3A_108, %dma_wait3A_109] : memref<100000x128xf32, #tpu.memory_space<hbm>> -> memref<100000x128xf32, #tpu.memory_space<hbm>>
    tpu.wait_indirect_dma semaphore(%arg9 : memref<!tpu.dma_semaphore, #tpu.memory_space<semaphore_mem>>) src(%dma_wait3A_110 : memref<100000x128xf32, #tpu.memory_space<hbm>>) dst(%arg8 : memref<128x128xf32, #tpu.memory_space<vmem>>)
    %add3A_111 = arith.constant 128 : i32
    %add3A_112 = arith.addi %mul3A_2, %add3A_111 : i32
    "tpu.region"() ({
      %run_scoped3A = tpu.sem_alloc : memref<!tpu.dma_semaphore, #tpu.memory_space<semaphore_mem>>
      %dma_start3A_161 = arith.constant 0 : i32
      %dma_start3A_162 = tpu.memref_slice %arg6[%add3A_112, %dma_start3A_161] : memref<20480x128xf32, #tpu.memory_space<hbm>> -> memref<128x128xf32, #tpu.memory_space<hbm>>
      %dma_start3A_163 = arith.constant 0 : i32
      %dma_start3A_164 = tpu.memref_slice %arg6[%add3A_112, %dma_start3A_163] : memref<20480x128xf32, #tpu.memory_space<hbm>> -> memref<128x128xf32, #tpu.memory_space<hbm>>
      tpu.enqueue_dma source(%arg8 : memref<128x128xf32, #tpu.memory_space<vmem>>) target(%dma_start3A_164 : memref<128x128xf32, #tpu.memory_space<hbm>>) target_semaphore(%run_scoped3A : memref<!tpu.dma_semaphore, #tpu.memory_space<semaphore_mem>>)
      %dma_wait3A_165 = arith.constant 0 : i32
      %dma_wait3A_166 = tpu.memref_slice %arg6[%add3A_112, %dma_wait3A_165] : memref<20480x128xf32, #tpu.memory_space<hbm>> -> memref<128x128xf32, #tpu.memory_space<hbm>>
      %dma_wait3A_167 = arith.constant 0 : i32
      %dma_wait3A_168 = tpu.memref_slice %arg6[%add3A_112, %dma_wait3A_167] : memref<20480x128xf32, #tpu.memory_space<hbm>> -> memref<128x128xf32, #tpu.memory_space<hbm>>
      tpu.wait_dma2 semaphore(%run_scoped3A : memref<!tpu.dma_semaphore, #tpu.memory_space<semaphore_mem>>) src(%arg8 : memref<128x128xf32, #tpu.memory_space<vmem>>) dst(%dma_wait3A_168 : memref<128x128xf32, #tpu.memory_space<hbm>>)
      tpu.yield
    }) : () -> ()
    %dma_start3A_113 = arith.constant 2 : i32
    %dma_start3A_114 = arith.constant 0 : i32
    %dma_start3A_115 = tpu.memref_slice %arg7[%dma_start3A_113, %dma_start3A_114] : memref<5x128xi32, #tpu.memory_space<vmem>> -> memref<1x128xi32, #tpu.memory_space<vmem>>
    %dma_start3A_116 = tpu.memref_squeeze %dma_start3A_115 : memref<1x128xi32, #tpu.memory_space<vmem>> -> memref<128xi32, #tpu.memory_space<vmem>>
    %dma_start3A_117 = arith.constant 0 : i32
    %dma_start3A_118 = arith.constant 0 : i32
    %dma_start3A_119 = tpu.memref_slice %arg2[%dma_start3A_117, %dma_start3A_118] : memref<100000x128xf32, #tpu.memory_space<hbm>> -> memref<100000x128xf32, #tpu.memory_space<hbm>>
    tpu.enqueue_indirect_dma source(%dma_start3A_119 : memref<100000x128xf32, #tpu.memory_space<hbm>>) target(%arg8 : memref<128x128xf32, #tpu.memory_space<vmem>>) offsets(%dma_start3A_116 : memref<128xi32, #tpu.memory_space<vmem>>) semaphore(%arg9 : memref<!tpu.dma_semaphore, #tpu.memory_space<semaphore_mem>>)
    %dma_wait3A_120 = arith.constant 2 : i32
    %dma_wait3A_121 = arith.constant 0 : i32
    %dma_wait3A_122 = tpu.memref_slice %arg7[%dma_wait3A_120, %dma_wait3A_121] : memref<5x128xi32, #tpu.memory_space<vmem>> -> memref<1x128xi32, #tpu.memory_space<vmem>>
    %dma_wait3A_123 = tpu.memref_squeeze %dma_wait3A_122 : memref<1x128xi32, #tpu.memory_space<vmem>> -> memref<128xi32, #tpu.memory_space<vmem>>
    %dma_wait3A_124 = arith.constant 0 : i32
    %dma_wait3A_125 = arith.constant 0 : i32
    %dma_wait3A_126 = tpu.memref_slice %arg2[%dma_wait3A_124, %dma_wait3A_125] : memref<100000x128xf32, #tpu.memory_space<hbm>> -> memref<100000x128xf32, #tpu.memory_space<hbm>>
    tpu.wait_indirect_dma semaphore(%arg9 : memref<!tpu.dma_semaphore, #tpu.memory_space<semaphore_mem>>) src(%dma_wait3A_126 : memref<100000x128xf32, #tpu.memory_space<hbm>>) dst(%arg8 : memref<128x128xf32, #tpu.memory_space<vmem>>)
    %add3A_127 = arith.constant 256 : i32
    %add3A_128 = arith.addi %mul3A_2, %add3A_127 : i32
    "tpu.region"() ({
      %run_scoped3A = tpu.sem_alloc : memref<!tpu.dma_semaphore, #tpu.memory_space<semaphore_mem>>
      %dma_start3A_161 = arith.constant 0 : i32
      %dma_start3A_162 = tpu.memref_slice %arg6[%add3A_128, %dma_start3A_161] : memref<20480x128xf32, #tpu.memory_space<hbm>> -> memref<128x128xf32, #tpu.memory_space<hbm>>
      %dma_start3A_163 = arith.constant 0 : i32
      %dma_start3A_164 = tpu.memref_slice %arg6[%add3A_128, %dma_start3A_163] : memref<20480x128xf32, #tpu.memory_space<hbm>> -> memref<128x128xf32, #tpu.memory_space<hbm>>
      tpu.enqueue_dma source(%arg8 : memref<128x128xf32, #tpu.memory_space<vmem>>) target(%dma_start3A_164 : memref<128x128xf32, #tpu.memory_space<hbm>>) target_semaphore(%run_scoped3A : memref<!tpu.dma_semaphore, #tpu.memory_space<semaphore_mem>>)
      %dma_wait3A_165 = arith.constant 0 : i32
      %dma_wait3A_166 = tpu.memref_slice %arg6[%add3A_128, %dma_wait3A_165] : memref<20480x128xf32, #tpu.memory_space<hbm>> -> memref<128x128xf32, #tpu.memory_space<hbm>>
      %dma_wait3A_167 = arith.constant 0 : i32
      %dma_wait3A_168 = tpu.memref_slice %arg6[%add3A_128, %dma_wait3A_167] : memref<20480x128xf32, #tpu.memory_space<hbm>> -> memref<128x128xf32, #tpu.memory_space<hbm>>
      tpu.wait_dma2 semaphore(%run_scoped3A : memref<!tpu.dma_semaphore, #tpu.memory_space<semaphore_mem>>) src(%arg8 : memref<128x128xf32, #tpu.memory_space<vmem>>) dst(%dma_wait3A_168 : memref<128x128xf32, #tpu.memory_space<hbm>>)
      tpu.yield
    }) : () -> ()
    %dma_start3A_129 = arith.constant 3 : i32
    %dma_start3A_130 = arith.constant 0 : i32
    %dma_start3A_131 = tpu.memref_slice %arg7[%dma_start3A_129, %dma_start3A_130] : memref<5x128xi32, #tpu.memory_space<vmem>> -> memref<1x128xi32, #tpu.memory_space<vmem>>
    %dma_start3A_132 = tpu.memref_squeeze %dma_start3A_131 : memref<1x128xi32, #tpu.memory_space<vmem>> -> memref<128xi32, #tpu.memory_space<vmem>>
    %dma_start3A_133 = arith.constant 0 : i32
    %dma_start3A_134 = arith.constant 0 : i32
    %dma_start3A_135 = tpu.memref_slice %arg2[%dma_start3A_133, %dma_start3A_134] : memref<100000x128xf32, #tpu.memory_space<hbm>> -> memref<100000x128xf32, #tpu.memory_space<hbm>>
    tpu.enqueue_indirect_dma source(%dma_start3A_135 : memref<100000x128xf32, #tpu.memory_space<hbm>>) target(%arg8 : memref<128x128xf32, #tpu.memory_space<vmem>>) offsets(%dma_start3A_132 : memref<128xi32, #tpu.memory_space<vmem>>) semaphore(%arg9 : memref<!tpu.dma_semaphore, #tpu.memory_space<semaphore_mem>>)
    %dma_wait3A_136 = arith.constant 3 : i32
    %dma_wait3A_137 = arith.constant 0 : i32
    %dma_wait3A_138 = tpu.memref_slice %arg7[%dma_wait3A_136, %dma_wait3A_137] : memref<5x128xi32, #tpu.memory_space<vmem>> -> memref<1x128xi32, #tpu.memory_space<vmem>>
    %dma_wait3A_139 = tpu.memref_squeeze %dma_wait3A_138 : memref<1x128xi32, #tpu.memory_space<vmem>> -> memref<128xi32, #tpu.memory_space<vmem>>
    %dma_wait3A_140 = arith.constant 0 : i32
    %dma_wait3A_141 = arith.constant 0 : i32
    %dma_wait3A_142 = tpu.memref_slice %arg2[%dma_wait3A_140, %dma_wait3A_141] : memref<100000x128xf32, #tpu.memory_space<hbm>> -> memref<100000x128xf32, #tpu.memory_space<hbm>>
    tpu.wait_indirect_dma semaphore(%arg9 : memref<!tpu.dma_semaphore, #tpu.memory_space<semaphore_mem>>) src(%dma_wait3A_142 : memref<100000x128xf32, #tpu.memory_space<hbm>>) dst(%arg8 : memref<128x128xf32, #tpu.memory_space<vmem>>)
    %add3A_143 = arith.constant 384 : i32
    %add3A_144 = arith.addi %mul3A_2, %add3A_143 : i32
    "tpu.region"() ({
      %run_scoped3A = tpu.sem_alloc : memref<!tpu.dma_semaphore, #tpu.memory_space<semaphore_mem>>
      %dma_start3A_161 = arith.constant 0 : i32
      %dma_start3A_162 = tpu.memref_slice %arg6[%add3A_144, %dma_start3A_161] : memref<20480x128xf32, #tpu.memory_space<hbm>> -> memref<128x128xf32, #tpu.memory_space<hbm>>
      %dma_start3A_163 = arith.constant 0 : i32
      %dma_start3A_164 = tpu.memref_slice %arg6[%add3A_144, %dma_start3A_163] : memref<20480x128xf32, #tpu.memory_space<hbm>> -> memref<128x128xf32, #tpu.memory_space<hbm>>
      tpu.enqueue_dma source(%arg8 : memref<128x128xf32, #tpu.memory_space<vmem>>) target(%dma_start3A_164 : memref<128x128xf32, #tpu.memory_space<hbm>>) target_semaphore(%run_scoped3A : memref<!tpu.dma_semaphore, #tpu.memory_space<semaphore_mem>>)
      %dma_wait3A_165 = arith.constant 0 : i32
      %dma_wait3A_166 = tpu.memref_slice %arg6[%add3A_144, %dma_wait3A_165] : memref<20480x128xf32, #tpu.memory_space<hbm>> -> memref<128x128xf32, #tpu.memory_space<hbm>>
      %dma_wait3A_167 = arith.constant 0 : i32
      %dma_wait3A_168 = tpu.memref_slice %arg6[%add3A_144, %dma_wait3A_167] : memref<20480x128xf32, #tpu.memory_space<hbm>> -> memref<128x128xf32, #tpu.memory_space<hbm>>
      tpu.wait_dma2 semaphore(%run_scoped3A : memref<!tpu.dma_semaphore, #tpu.memory_space<semaphore_mem>>) src(%arg8 : memref<128x128xf32, #tpu.memory_space<vmem>>) dst(%dma_wait3A_168 : memref<128x128xf32, #tpu.memory_space<hbm>>)
      tpu.yield
    }) : () -> ()
    %dma_start3A_145 = arith.constant 4 : i32
    %dma_start3A_146 = arith.constant 0 : i32
    %dma_start3A_147 = tpu.memref_slice %arg7[%dma_start3A_145, %dma_start3A_146] : memref<5x128xi32, #tpu.memory_space<vmem>> -> memref<1x128xi32, #tpu.memory_space<vmem>>
    %dma_start3A_148 = tpu.memref_squeeze %dma_start3A_147 : memref<1x128xi32, #tpu.memory_space<vmem>> -> memref<128xi32, #tpu.memory_space<vmem>>
    %dma_start3A_149 = arith.constant 0 : i32
    %dma_start3A_150 = arith.constant 0 : i32
    %dma_start3A_151 = tpu.memref_slice %arg2[%dma_start3A_149, %dma_start3A_150] : memref<100000x128xf32, #tpu.memory_space<hbm>> -> memref<100000x128xf32, #tpu.memory_space<hbm>>
    tpu.enqueue_indirect_dma source(%dma_start3A_151 : memref<100000x128xf32, #tpu.memory_space<hbm>>) target(%arg8 : memref<128x128xf32, #tpu.memory_space<vmem>>) offsets(%dma_start3A_148 : memref<128xi32, #tpu.memory_space<vmem>>) semaphore(%arg9 : memref<!tpu.dma_semaphore, #tpu.memory_space<semaphore_mem>>)
    %dma_wait3A_152 = arith.constant 4 : i32
    %dma_wait3A_153 = arith.constant 0 : i32
    %dma_wait3A_154 = tpu.memref_slice %arg7[%dma_wait3A_152, %dma_wait3A_153] : memref<5x128xi32, #tpu.memory_space<vmem>> -> memref<1x128xi32, #tpu.memory_space<vmem>>
    %dma_wait3A_155 = tpu.memref_squeeze %dma_wait3A_154 : memref<1x128xi32, #tpu.memory_space<vmem>> -> memref<128xi32, #tpu.memory_space<vmem>>
    %dma_wait3A_156 = arith.constant 0 : i32
    %dma_wait3A_157 = arith.constant 0 : i32
    %dma_wait3A_158 = tpu.memref_slice %arg2[%dma_wait3A_156, %dma_wait3A_157] : memref<100000x128xf32, #tpu.memory_space<hbm>> -> memref<100000x128xf32, #tpu.memory_space<hbm>>
    tpu.wait_indirect_dma semaphore(%arg9 : memref<!tpu.dma_semaphore, #tpu.memory_space<semaphore_mem>>) src(%dma_wait3A_158 : memref<100000x128xf32, #tpu.memory_space<hbm>>) dst(%arg8 : memref<128x128xf32, #tpu.memory_space<vmem>>)
    %add3A_159 = arith.constant 512 : i32
    %add3A_160 = arith.addi %mul3A_2, %add3A_159 : i32
    "tpu.region"() ({
      %run_scoped3A = tpu.sem_alloc : memref<!tpu.dma_semaphore, #tpu.memory_space<semaphore_mem>>
      %dma_start3A_161 = arith.constant 0 : i32
      %dma_start3A_162 = tpu.memref_slice %arg6[%add3A_160, %dma_start3A_161] : memref<20480x128xf32, #tpu.memory_space<hbm>> -> memref<128x128xf32, #tpu.memory_space<hbm>>
      %dma_start3A_163 = arith.constant 0 : i32
      %dma_start3A_164 = tpu.memref_slice %arg6[%add3A_160, %dma_start3A_163] : memref<20480x128xf32, #tpu.memory_space<hbm>> -> memref<128x128xf32, #tpu.memory_space<hbm>>
      tpu.enqueue_dma source(%arg8 : memref<128x128xf32, #tpu.memory_space<vmem>>) target(%dma_start3A_164 : memref<128x128xf32, #tpu.memory_space<hbm>>) target_semaphore(%run_scoped3A : memref<!tpu.dma_semaphore, #tpu.memory_space<semaphore_mem>>)
      %dma_wait3A_165 = arith.constant 0 : i32
      %dma_wait3A_166 = tpu.memref_slice %arg6[%add3A_160, %dma_wait3A_165] : memref<20480x128xf32, #tpu.memory_space<hbm>> -> memref<128x128xf32, #tpu.memory_space<hbm>>
      %dma_wait3A_167 = arith.constant 0 : i32
      %dma_wait3A_168 = tpu.memref_slice %arg6[%add3A_160, %dma_wait3A_167] : memref<20480x128xf32, #tpu.memory_space<hbm>> -> memref<128x128xf32, #tpu.memory_space<hbm>>
      tpu.wait_dma2 semaphore(%run_scoped3A : memref<!tpu.dma_semaphore, #tpu.memory_space<semaphore_mem>>) src(%arg8 : memref<128x128xf32, #tpu.memory_space<vmem>>) dst(%dma_wait3A_168 : memref<128x128xf32, #tpu.memory_space<hbm>>)
      tpu.yield
    }) : () -> ()
    return
  }
}

#map = affine_map<(d0, d1) -> (0, 0)>
#map1 = affine_map<(d0, d1) -> (0, 0, 0)>
module attributes {stable_mosaic.version = 14 : i64} {
  func.func @_sc_gather_tab_body(%arg0: i32, %arg1: i32, %arg2: memref<100000x32xi32, #tpu.memory_space<hbm>>, %arg3: memref<32x5x128xi32, #tpu.memory_space<hbm>>, %arg4: memref<20480x32xi32, #tpu.memory_space<hbm>>, %arg5: memref<5x128xi32, #tpu.memory_space<vmem>>, %arg6: memref<128x32xi32, #tpu.memory_space<vmem>>, %arg7: memref<!tpu.dma_semaphore, #tpu.memory_space<semaphore_mem>>) attributes {dimension_semantics = [#tpu.dimension_semantics<core_parallel>, #tpu.dimension_semantics<subcore_parallel>], iteration_bounds = array<i64: 2, 16>, scalar_prefetch = 0 : i64, scratch_operands = 3 : i64, tpu.core_type = #tpu.core_type<sc_vector_subcore>, window_params = [{transform_indices = #map}, {transform_indices = #map1}, {transform_indices = #map}]} {
    %mul3A = arith.constant 2 : i32
    %mul3A_0 = arith.muli %arg1, %mul3A : i32
    %add3A = arith.addi %mul3A_0, %arg0 : i32
    %mul3A_1 = arith.constant 640 : i32
    %mul3A_2 = arith.muli %add3A, %mul3A_1 : i32
    "tpu.region"() ({
      %run_scoped3A = tpu.sem_alloc : memref<!tpu.dma_semaphore, #tpu.memory_space<semaphore_mem>>
      %dma_start3A_81 = arith.constant 0 : i32
      %dma_start3A_82 = arith.constant 0 : i32
      %dma_start3A_83 = tpu.memref_slice %arg3[%add3A, %dma_start3A_81, %dma_start3A_82] : memref<32x5x128xi32, #tpu.memory_space<hbm>> -> memref<1x5x128xi32, #tpu.memory_space<hbm>>
      %dma_start3A_84 = tpu.memref_squeeze %dma_start3A_83 : memref<1x5x128xi32, #tpu.memory_space<hbm>> -> memref<5x128xi32, #tpu.memory_space<hbm>>
      %dma_start3A_85 = arith.constant 0 : i32
      %dma_start3A_86 = arith.constant 0 : i32
      %dma_start3A_87 = tpu.memref_slice %arg3[%add3A, %dma_start3A_85, %dma_start3A_86] : memref<32x5x128xi32, #tpu.memory_space<hbm>> -> memref<1x5x128xi32, #tpu.memory_space<hbm>>
      %dma_start3A_88 = tpu.memref_squeeze %dma_start3A_87 : memref<1x5x128xi32, #tpu.memory_space<hbm>> -> memref<5x128xi32, #tpu.memory_space<hbm>>
      tpu.enqueue_dma source(%dma_start3A_88 : memref<5x128xi32, #tpu.memory_space<hbm>>) target(%arg5 : memref<5x128xi32, #tpu.memory_space<vmem>>) target_semaphore(%run_scoped3A : memref<!tpu.dma_semaphore, #tpu.memory_space<semaphore_mem>>)
      %dma_wait3A_89 = arith.constant 0 : i32
      %dma_wait3A_90 = arith.constant 0 : i32
      %dma_wait3A_91 = tpu.memref_slice %arg3[%add3A, %dma_wait3A_89, %dma_wait3A_90] : memref<32x5x128xi32, #tpu.memory_space<hbm>> -> memref<1x5x128xi32, #tpu.memory_space<hbm>>
      %dma_wait3A_92 = tpu.memref_squeeze %dma_wait3A_91 : memref<1x5x128xi32, #tpu.memory_space<hbm>> -> memref<5x128xi32, #tpu.memory_space<hbm>>
      %dma_wait3A_93 = arith.constant 0 : i32
      %dma_wait3A_94 = arith.constant 0 : i32
      %dma_wait3A_95 = tpu.memref_slice %arg3[%add3A, %dma_wait3A_93, %dma_wait3A_94] : memref<32x5x128xi32, #tpu.memory_space<hbm>> -> memref<1x5x128xi32, #tpu.memory_space<hbm>>
      %dma_wait3A_96 = tpu.memref_squeeze %dma_wait3A_95 : memref<1x5x128xi32, #tpu.memory_space<hbm>> -> memref<5x128xi32, #tpu.memory_space<hbm>>
      tpu.wait_dma2 semaphore(%run_scoped3A : memref<!tpu.dma_semaphore, #tpu.memory_space<semaphore_mem>>) src(%dma_wait3A_96 : memref<5x128xi32, #tpu.memory_space<hbm>>) dst(%arg5 : memref<5x128xi32, #tpu.memory_space<vmem>>)
      tpu.yield
    }) : () -> ()
    %dma_start3A = arith.constant 0 : i32
    %dma_start3A_3 = arith.constant 0 : i32
    %dma_start3A_4 = tpu.memref_slice %arg5[%dma_start3A, %dma_start3A_3] : memref<5x128xi32, #tpu.memory_space<vmem>> -> memref<1x128xi32, #tpu.memory_space<vmem>>
    %dma_start3A_5 = tpu.memref_squeeze %dma_start3A_4 : memref<1x128xi32, #tpu.memory_space<vmem>> -> memref<128xi32, #tpu.memory_space<vmem>>
    %dma_start3A_6 = arith.constant 0 : i32
    %dma_start3A_7 = arith.constant 0 : i32
    %dma_start3A_8 = tpu.memref_slice %arg2[%dma_start3A_6, %dma_start3A_7] : memref<100000x32xi32, #tpu.memory_space<hbm>> -> memref<100000x32xi32, #tpu.memory_space<hbm>>
    tpu.enqueue_indirect_dma source(%dma_start3A_8 : memref<100000x32xi32, #tpu.memory_space<hbm>>) target(%arg6 : memref<128x32xi32, #tpu.memory_space<vmem>>) offsets(%dma_start3A_5 : memref<128xi32, #tpu.memory_space<vmem>>) semaphore(%arg7 : memref<!tpu.dma_semaphore, #tpu.memory_space<semaphore_mem>>)
    %dma_wait3A = arith.constant 0 : i32
    %dma_wait3A_9 = arith.constant 0 : i32
    %dma_wait3A_10 = tpu.memref_slice %arg5[%dma_wait3A, %dma_wait3A_9] : memref<5x128xi32, #tpu.memory_space<vmem>> -> memref<1x128xi32, #tpu.memory_space<vmem>>
    %dma_wait3A_11 = tpu.memref_squeeze %dma_wait3A_10 : memref<1x128xi32, #tpu.memory_space<vmem>> -> memref<128xi32, #tpu.memory_space<vmem>>
    %dma_wait3A_12 = arith.constant 0 : i32
    %dma_wait3A_13 = arith.constant 0 : i32
    %dma_wait3A_14 = tpu.memref_slice %arg2[%dma_wait3A_12, %dma_wait3A_13] : memref<100000x32xi32, #tpu.memory_space<hbm>> -> memref<100000x32xi32, #tpu.memory_space<hbm>>
    tpu.wait_indirect_dma semaphore(%arg7 : memref<!tpu.dma_semaphore, #tpu.memory_space<semaphore_mem>>) src(%dma_wait3A_14 : memref<100000x32xi32, #tpu.memory_space<hbm>>) dst(%arg6 : memref<128x32xi32, #tpu.memory_space<vmem>>)
    %add3A_15 = arith.constant 0 : i32
    %add3A_16 = arith.addi %mul3A_2, %add3A_15 : i32
    "tpu.region"() ({
      %run_scoped3A = tpu.sem_alloc : memref<!tpu.dma_semaphore, #tpu.memory_space<semaphore_mem>>
      %dma_start3A_81 = arith.constant 0 : i32
      %dma_start3A_82 = tpu.memref_slice %arg4[%add3A_16, %dma_start3A_81] : memref<20480x32xi32, #tpu.memory_space<hbm>> -> memref<128x32xi32, #tpu.memory_space<hbm>>
      %dma_start3A_83 = arith.constant 0 : i32
      %dma_start3A_84 = tpu.memref_slice %arg4[%add3A_16, %dma_start3A_83] : memref<20480x32xi32, #tpu.memory_space<hbm>> -> memref<128x32xi32, #tpu.memory_space<hbm>>
      tpu.enqueue_dma source(%arg6 : memref<128x32xi32, #tpu.memory_space<vmem>>) target(%dma_start3A_84 : memref<128x32xi32, #tpu.memory_space<hbm>>) target_semaphore(%run_scoped3A : memref<!tpu.dma_semaphore, #tpu.memory_space<semaphore_mem>>)
      %dma_wait3A_85 = arith.constant 0 : i32
      %dma_wait3A_86 = tpu.memref_slice %arg4[%add3A_16, %dma_wait3A_85] : memref<20480x32xi32, #tpu.memory_space<hbm>> -> memref<128x32xi32, #tpu.memory_space<hbm>>
      %dma_wait3A_87 = arith.constant 0 : i32
      %dma_wait3A_88 = tpu.memref_slice %arg4[%add3A_16, %dma_wait3A_87] : memref<20480x32xi32, #tpu.memory_space<hbm>> -> memref<128x32xi32, #tpu.memory_space<hbm>>
      tpu.wait_dma2 semaphore(%run_scoped3A : memref<!tpu.dma_semaphore, #tpu.memory_space<semaphore_mem>>) src(%arg6 : memref<128x32xi32, #tpu.memory_space<vmem>>) dst(%dma_wait3A_88 : memref<128x32xi32, #tpu.memory_space<hbm>>)
      tpu.yield
    }) : () -> ()
    %dma_start3A_17 = arith.constant 1 : i32
    %dma_start3A_18 = arith.constant 0 : i32
    %dma_start3A_19 = tpu.memref_slice %arg5[%dma_start3A_17, %dma_start3A_18] : memref<5x128xi32, #tpu.memory_space<vmem>> -> memref<1x128xi32, #tpu.memory_space<vmem>>
    %dma_start3A_20 = tpu.memref_squeeze %dma_start3A_19 : memref<1x128xi32, #tpu.memory_space<vmem>> -> memref<128xi32, #tpu.memory_space<vmem>>
    %dma_start3A_21 = arith.constant 0 : i32
    %dma_start3A_22 = arith.constant 0 : i32
    %dma_start3A_23 = tpu.memref_slice %arg2[%dma_start3A_21, %dma_start3A_22] : memref<100000x32xi32, #tpu.memory_space<hbm>> -> memref<100000x32xi32, #tpu.memory_space<hbm>>
    tpu.enqueue_indirect_dma source(%dma_start3A_23 : memref<100000x32xi32, #tpu.memory_space<hbm>>) target(%arg6 : memref<128x32xi32, #tpu.memory_space<vmem>>) offsets(%dma_start3A_20 : memref<128xi32, #tpu.memory_space<vmem>>) semaphore(%arg7 : memref<!tpu.dma_semaphore, #tpu.memory_space<semaphore_mem>>)
    %dma_wait3A_24 = arith.constant 1 : i32
    %dma_wait3A_25 = arith.constant 0 : i32
    %dma_wait3A_26 = tpu.memref_slice %arg5[%dma_wait3A_24, %dma_wait3A_25] : memref<5x128xi32, #tpu.memory_space<vmem>> -> memref<1x128xi32, #tpu.memory_space<vmem>>
    %dma_wait3A_27 = tpu.memref_squeeze %dma_wait3A_26 : memref<1x128xi32, #tpu.memory_space<vmem>> -> memref<128xi32, #tpu.memory_space<vmem>>
    %dma_wait3A_28 = arith.constant 0 : i32
    %dma_wait3A_29 = arith.constant 0 : i32
    %dma_wait3A_30 = tpu.memref_slice %arg2[%dma_wait3A_28, %dma_wait3A_29] : memref<100000x32xi32, #tpu.memory_space<hbm>> -> memref<100000x32xi32, #tpu.memory_space<hbm>>
    tpu.wait_indirect_dma semaphore(%arg7 : memref<!tpu.dma_semaphore, #tpu.memory_space<semaphore_mem>>) src(%dma_wait3A_30 : memref<100000x32xi32, #tpu.memory_space<hbm>>) dst(%arg6 : memref<128x32xi32, #tpu.memory_space<vmem>>)
    %add3A_31 = arith.constant 128 : i32
    %add3A_32 = arith.addi %mul3A_2, %add3A_31 : i32
    "tpu.region"() ({
      %run_scoped3A = tpu.sem_alloc : memref<!tpu.dma_semaphore, #tpu.memory_space<semaphore_mem>>
      %dma_start3A_81 = arith.constant 0 : i32
      %dma_start3A_82 = tpu.memref_slice %arg4[%add3A_32, %dma_start3A_81] : memref<20480x32xi32, #tpu.memory_space<hbm>> -> memref<128x32xi32, #tpu.memory_space<hbm>>
      %dma_start3A_83 = arith.constant 0 : i32
      %dma_start3A_84 = tpu.memref_slice %arg4[%add3A_32, %dma_start3A_83] : memref<20480x32xi32, #tpu.memory_space<hbm>> -> memref<128x32xi32, #tpu.memory_space<hbm>>
      tpu.enqueue_dma source(%arg6 : memref<128x32xi32, #tpu.memory_space<vmem>>) target(%dma_start3A_84 : memref<128x32xi32, #tpu.memory_space<hbm>>) target_semaphore(%run_scoped3A : memref<!tpu.dma_semaphore, #tpu.memory_space<semaphore_mem>>)
      %dma_wait3A_85 = arith.constant 0 : i32
      %dma_wait3A_86 = tpu.memref_slice %arg4[%add3A_32, %dma_wait3A_85] : memref<20480x32xi32, #tpu.memory_space<hbm>> -> memref<128x32xi32, #tpu.memory_space<hbm>>
      %dma_wait3A_87 = arith.constant 0 : i32
      %dma_wait3A_88 = tpu.memref_slice %arg4[%add3A_32, %dma_wait3A_87] : memref<20480x32xi32, #tpu.memory_space<hbm>> -> memref<128x32xi32, #tpu.memory_space<hbm>>
      tpu.wait_dma2 semaphore(%run_scoped3A : memref<!tpu.dma_semaphore, #tpu.memory_space<semaphore_mem>>) src(%arg6 : memref<128x32xi32, #tpu.memory_space<vmem>>) dst(%dma_wait3A_88 : memref<128x32xi32, #tpu.memory_space<hbm>>)
      tpu.yield
    }) : () -> ()
    %dma_start3A_33 = arith.constant 2 : i32
    %dma_start3A_34 = arith.constant 0 : i32
    %dma_start3A_35 = tpu.memref_slice %arg5[%dma_start3A_33, %dma_start3A_34] : memref<5x128xi32, #tpu.memory_space<vmem>> -> memref<1x128xi32, #tpu.memory_space<vmem>>
    %dma_start3A_36 = tpu.memref_squeeze %dma_start3A_35 : memref<1x128xi32, #tpu.memory_space<vmem>> -> memref<128xi32, #tpu.memory_space<vmem>>
    %dma_start3A_37 = arith.constant 0 : i32
    %dma_start3A_38 = arith.constant 0 : i32
    %dma_start3A_39 = tpu.memref_slice %arg2[%dma_start3A_37, %dma_start3A_38] : memref<100000x32xi32, #tpu.memory_space<hbm>> -> memref<100000x32xi32, #tpu.memory_space<hbm>>
    tpu.enqueue_indirect_dma source(%dma_start3A_39 : memref<100000x32xi32, #tpu.memory_space<hbm>>) target(%arg6 : memref<128x32xi32, #tpu.memory_space<vmem>>) offsets(%dma_start3A_36 : memref<128xi32, #tpu.memory_space<vmem>>) semaphore(%arg7 : memref<!tpu.dma_semaphore, #tpu.memory_space<semaphore_mem>>)
    %dma_wait3A_40 = arith.constant 2 : i32
    %dma_wait3A_41 = arith.constant 0 : i32
    %dma_wait3A_42 = tpu.memref_slice %arg5[%dma_wait3A_40, %dma_wait3A_41] : memref<5x128xi32, #tpu.memory_space<vmem>> -> memref<1x128xi32, #tpu.memory_space<vmem>>
    %dma_wait3A_43 = tpu.memref_squeeze %dma_wait3A_42 : memref<1x128xi32, #tpu.memory_space<vmem>> -> memref<128xi32, #tpu.memory_space<vmem>>
    %dma_wait3A_44 = arith.constant 0 : i32
    %dma_wait3A_45 = arith.constant 0 : i32
    %dma_wait3A_46 = tpu.memref_slice %arg2[%dma_wait3A_44, %dma_wait3A_45] : memref<100000x32xi32, #tpu.memory_space<hbm>> -> memref<100000x32xi32, #tpu.memory_space<hbm>>
    tpu.wait_indirect_dma semaphore(%arg7 : memref<!tpu.dma_semaphore, #tpu.memory_space<semaphore_mem>>) src(%dma_wait3A_46 : memref<100000x32xi32, #tpu.memory_space<hbm>>) dst(%arg6 : memref<128x32xi32, #tpu.memory_space<vmem>>)
    %add3A_47 = arith.constant 256 : i32
    %add3A_48 = arith.addi %mul3A_2, %add3A_47 : i32
    "tpu.region"() ({
      %run_scoped3A = tpu.sem_alloc : memref<!tpu.dma_semaphore, #tpu.memory_space<semaphore_mem>>
      %dma_start3A_81 = arith.constant 0 : i32
      %dma_start3A_82 = tpu.memref_slice %arg4[%add3A_48, %dma_start3A_81] : memref<20480x32xi32, #tpu.memory_space<hbm>> -> memref<128x32xi32, #tpu.memory_space<hbm>>
      %dma_start3A_83 = arith.constant 0 : i32
      %dma_start3A_84 = tpu.memref_slice %arg4[%add3A_48, %dma_start3A_83] : memref<20480x32xi32, #tpu.memory_space<hbm>> -> memref<128x32xi32, #tpu.memory_space<hbm>>
      tpu.enqueue_dma source(%arg6 : memref<128x32xi32, #tpu.memory_space<vmem>>) target(%dma_start3A_84 : memref<128x32xi32, #tpu.memory_space<hbm>>) target_semaphore(%run_scoped3A : memref<!tpu.dma_semaphore, #tpu.memory_space<semaphore_mem>>)
      %dma_wait3A_85 = arith.constant 0 : i32
      %dma_wait3A_86 = tpu.memref_slice %arg4[%add3A_48, %dma_wait3A_85] : memref<20480x32xi32, #tpu.memory_space<hbm>> -> memref<128x32xi32, #tpu.memory_space<hbm>>
      %dma_wait3A_87 = arith.constant 0 : i32
      %dma_wait3A_88 = tpu.memref_slice %arg4[%add3A_48, %dma_wait3A_87] : memref<20480x32xi32, #tpu.memory_space<hbm>> -> memref<128x32xi32, #tpu.memory_space<hbm>>
      tpu.wait_dma2 semaphore(%run_scoped3A : memref<!tpu.dma_semaphore, #tpu.memory_space<semaphore_mem>>) src(%arg6 : memref<128x32xi32, #tpu.memory_space<vmem>>) dst(%dma_wait3A_88 : memref<128x32xi32, #tpu.memory_space<hbm>>)
      tpu.yield
    }) : () -> ()
    %dma_start3A_49 = arith.constant 3 : i32
    %dma_start3A_50 = arith.constant 0 : i32
    %dma_start3A_51 = tpu.memref_slice %arg5[%dma_start3A_49, %dma_start3A_50] : memref<5x128xi32, #tpu.memory_space<vmem>> -> memref<1x128xi32, #tpu.memory_space<vmem>>
    %dma_start3A_52 = tpu.memref_squeeze %dma_start3A_51 : memref<1x128xi32, #tpu.memory_space<vmem>> -> memref<128xi32, #tpu.memory_space<vmem>>
    %dma_start3A_53 = arith.constant 0 : i32
    %dma_start3A_54 = arith.constant 0 : i32
    %dma_start3A_55 = tpu.memref_slice %arg2[%dma_start3A_53, %dma_start3A_54] : memref<100000x32xi32, #tpu.memory_space<hbm>> -> memref<100000x32xi32, #tpu.memory_space<hbm>>
    tpu.enqueue_indirect_dma source(%dma_start3A_55 : memref<100000x32xi32, #tpu.memory_space<hbm>>) target(%arg6 : memref<128x32xi32, #tpu.memory_space<vmem>>) offsets(%dma_start3A_52 : memref<128xi32, #tpu.memory_space<vmem>>) semaphore(%arg7 : memref<!tpu.dma_semaphore, #tpu.memory_space<semaphore_mem>>)
    %dma_wait3A_56 = arith.constant 3 : i32
    %dma_wait3A_57 = arith.constant 0 : i32
    %dma_wait3A_58 = tpu.memref_slice %arg5[%dma_wait3A_56, %dma_wait3A_57] : memref<5x128xi32, #tpu.memory_space<vmem>> -> memref<1x128xi32, #tpu.memory_space<vmem>>
    %dma_wait3A_59 = tpu.memref_squeeze %dma_wait3A_58 : memref<1x128xi32, #tpu.memory_space<vmem>> -> memref<128xi32, #tpu.memory_space<vmem>>
    %dma_wait3A_60 = arith.constant 0 : i32
    %dma_wait3A_61 = arith.constant 0 : i32
    %dma_wait3A_62 = tpu.memref_slice %arg2[%dma_wait3A_60, %dma_wait3A_61] : memref<100000x32xi32, #tpu.memory_space<hbm>> -> memref<100000x32xi32, #tpu.memory_space<hbm>>
    tpu.wait_indirect_dma semaphore(%arg7 : memref<!tpu.dma_semaphore, #tpu.memory_space<semaphore_mem>>) src(%dma_wait3A_62 : memref<100000x32xi32, #tpu.memory_space<hbm>>) dst(%arg6 : memref<128x32xi32, #tpu.memory_space<vmem>>)
    %add3A_63 = arith.constant 384 : i32
    %add3A_64 = arith.addi %mul3A_2, %add3A_63 : i32
    "tpu.region"() ({
      %run_scoped3A = tpu.sem_alloc : memref<!tpu.dma_semaphore, #tpu.memory_space<semaphore_mem>>
      %dma_start3A_81 = arith.constant 0 : i32
      %dma_start3A_82 = tpu.memref_slice %arg4[%add3A_64, %dma_start3A_81] : memref<20480x32xi32, #tpu.memory_space<hbm>> -> memref<128x32xi32, #tpu.memory_space<hbm>>
      %dma_start3A_83 = arith.constant 0 : i32
      %dma_start3A_84 = tpu.memref_slice %arg4[%add3A_64, %dma_start3A_83] : memref<20480x32xi32, #tpu.memory_space<hbm>> -> memref<128x32xi32, #tpu.memory_space<hbm>>
      tpu.enqueue_dma source(%arg6 : memref<128x32xi32, #tpu.memory_space<vmem>>) target(%dma_start3A_84 : memref<128x32xi32, #tpu.memory_space<hbm>>) target_semaphore(%run_scoped3A : memref<!tpu.dma_semaphore, #tpu.memory_space<semaphore_mem>>)
      %dma_wait3A_85 = arith.constant 0 : i32
      %dma_wait3A_86 = tpu.memref_slice %arg4[%add3A_64, %dma_wait3A_85] : memref<20480x32xi32, #tpu.memory_space<hbm>> -> memref<128x32xi32, #tpu.memory_space<hbm>>
      %dma_wait3A_87 = arith.constant 0 : i32
      %dma_wait3A_88 = tpu.memref_slice %arg4[%add3A_64, %dma_wait3A_87] : memref<20480x32xi32, #tpu.memory_space<hbm>> -> memref<128x32xi32, #tpu.memory_space<hbm>>
      tpu.wait_dma2 semaphore(%run_scoped3A : memref<!tpu.dma_semaphore, #tpu.memory_space<semaphore_mem>>) src(%arg6 : memref<128x32xi32, #tpu.memory_space<vmem>>) dst(%dma_wait3A_88 : memref<128x32xi32, #tpu.memory_space<hbm>>)
      tpu.yield
    }) : () -> ()
    %dma_start3A_65 = arith.constant 4 : i32
    %dma_start3A_66 = arith.constant 0 : i32
    %dma_start3A_67 = tpu.memref_slice %arg5[%dma_start3A_65, %dma_start3A_66] : memref<5x128xi32, #tpu.memory_space<vmem>> -> memref<1x128xi32, #tpu.memory_space<vmem>>
    %dma_start3A_68 = tpu.memref_squeeze %dma_start3A_67 : memref<1x128xi32, #tpu.memory_space<vmem>> -> memref<128xi32, #tpu.memory_space<vmem>>
    %dma_start3A_69 = arith.constant 0 : i32
    %dma_start3A_70 = arith.constant 0 : i32
    %dma_start3A_71 = tpu.memref_slice %arg2[%dma_start3A_69, %dma_start3A_70] : memref<100000x32xi32, #tpu.memory_space<hbm>> -> memref<100000x32xi32, #tpu.memory_space<hbm>>
    tpu.enqueue_indirect_dma source(%dma_start3A_71 : memref<100000x32xi32, #tpu.memory_space<hbm>>) target(%arg6 : memref<128x32xi32, #tpu.memory_space<vmem>>) offsets(%dma_start3A_68 : memref<128xi32, #tpu.memory_space<vmem>>) semaphore(%arg7 : memref<!tpu.dma_semaphore, #tpu.memory_space<semaphore_mem>>)
    %dma_wait3A_72 = arith.constant 4 : i32
    %dma_wait3A_73 = arith.constant 0 : i32
    %dma_wait3A_74 = tpu.memref_slice %arg5[%dma_wait3A_72, %dma_wait3A_73] : memref<5x128xi32, #tpu.memory_space<vmem>> -> memref<1x128xi32, #tpu.memory_space<vmem>>
    %dma_wait3A_75 = tpu.memref_squeeze %dma_wait3A_74 : memref<1x128xi32, #tpu.memory_space<vmem>> -> memref<128xi32, #tpu.memory_space<vmem>>
    %dma_wait3A_76 = arith.constant 0 : i32
    %dma_wait3A_77 = arith.constant 0 : i32
    %dma_wait3A_78 = tpu.memref_slice %arg2[%dma_wait3A_76, %dma_wait3A_77] : memref<100000x32xi32, #tpu.memory_space<hbm>> -> memref<100000x32xi32, #tpu.memory_space<hbm>>
    tpu.wait_indirect_dma semaphore(%arg7 : memref<!tpu.dma_semaphore, #tpu.memory_space<semaphore_mem>>) src(%dma_wait3A_78 : memref<100000x32xi32, #tpu.memory_space<hbm>>) dst(%arg6 : memref<128x32xi32, #tpu.memory_space<vmem>>)
    %add3A_79 = arith.constant 512 : i32
    %add3A_80 = arith.addi %mul3A_2, %add3A_79 : i32
    "tpu.region"() ({
      %run_scoped3A = tpu.sem_alloc : memref<!tpu.dma_semaphore, #tpu.memory_space<semaphore_mem>>
      %dma_start3A_81 = arith.constant 0 : i32
      %dma_start3A_82 = tpu.memref_slice %arg4[%add3A_80, %dma_start3A_81] : memref<20480x32xi32, #tpu.memory_space<hbm>> -> memref<128x32xi32, #tpu.memory_space<hbm>>
      %dma_start3A_83 = arith.constant 0 : i32
      %dma_start3A_84 = tpu.memref_slice %arg4[%add3A_80, %dma_start3A_83] : memref<20480x32xi32, #tpu.memory_space<hbm>> -> memref<128x32xi32, #tpu.memory_space<hbm>>
      tpu.enqueue_dma source(%arg6 : memref<128x32xi32, #tpu.memory_space<vmem>>) target(%dma_start3A_84 : memref<128x32xi32, #tpu.memory_space<hbm>>) target_semaphore(%run_scoped3A : memref<!tpu.dma_semaphore, #tpu.memory_space<semaphore_mem>>)
      %dma_wait3A_85 = arith.constant 0 : i32
      %dma_wait3A_86 = tpu.memref_slice %arg4[%add3A_80, %dma_wait3A_85] : memref<20480x32xi32, #tpu.memory_space<hbm>> -> memref<128x32xi32, #tpu.memory_space<hbm>>
      %dma_wait3A_87 = arith.constant 0 : i32
      %dma_wait3A_88 = tpu.memref_slice %arg4[%add3A_80, %dma_wait3A_87] : memref<20480x32xi32, #tpu.memory_space<hbm>> -> memref<128x32xi32, #tpu.memory_space<hbm>>
      tpu.wait_dma2 semaphore(%run_scoped3A : memref<!tpu.dma_semaphore, #tpu.memory_space<semaphore_mem>>) src(%arg6 : memref<128x32xi32, #tpu.memory_space<vmem>>) dst(%dma_wait3A_88 : memref<128x32xi32, #tpu.memory_space<hbm>>)
      tpu.yield
    }) : () -> ()
    return
  }
}

module attributes {stable_mosaic.version = 14 : i64} {
  func.func @_tc_local_body(%arg0: i32, %arg1: memref<320x128xf32, #tpu.memory_space<vmem>>, %arg2: memref<320x128xf32, #tpu.memory_space<vmem>>, %arg3: memref<16x20xf32, #tpu.memory_space<vmem>>, %arg4: memref<320x20xi32, #tpu.memory_space<vmem>>, %arg5: memref<4x128xbf16, #tpu.memory_space<vmem>>, %arg6: memref<320x128xbf16, #tpu.memory_space<vmem>>, %arg7: memref<320x128xbf16, #tpu.memory_space<vmem>>) attributes {dimension_semantics = [#tpu.dimension_semantics<arbitrary>], iteration_bounds = array<i64: 64>, scalar_prefetch = 0 : i64, scratch_operands = 0 : i64, tpu.core_type = #tpu.core_type<tc>, window_params = [{transform_indices = @transform_0, window_bounds = array<i64: 320, 128>}, {transform_indices = @transform_1, window_bounds = array<i64: 320, 128>}, {transform_indices = @transform_2, window_bounds = array<i64: 16, 20>}, {transform_indices = @transform_3, window_bounds = array<i64: 320, 20>}, {pipeline_mode = #tpu.pipeline_mode<synchronous>, transform_indices = @transform_4, window_bounds = array<i64: 4, 128>}, {transform_indices = @transform_5, window_bounds = array<i64: 320, 128>}, {transform_indices = @transform_6, window_bounds = array<i64: 320, 128>}]} {
    %get3A = arith.constant 0 : index
    %get3A_0 = arith.constant 0 : index
    %get3A_1 = vector.load %arg5[%get3A, %get3A_0] : memref<4x128xbf16, #tpu.memory_space<vmem>>, vector<4x128xbf16>
    %get3A_2 = arith.constant 0 : index
    %get3A_3 = arith.constant 0 : index
    %get3A_4 = vector.load %arg3[%get3A_2, %get3A_3] : memref<16x20xf32, #tpu.memory_space<vmem>>, vector<16x20xf32>
    %concatenate3A = tpu.concatenate %get3A_4, %get3A_4, %get3A_4, %get3A_4, %get3A_4, %get3A_4, %get3A_4, %get3A_4, %get3A_4, %get3A_4, %get3A_4, %get3A_4, %get3A_4, %get3A_4, %get3A_4, %get3A_4 in 1 : vector<16x20xf32>, vector<16x20xf32>, vector<16x20xf32>, vector<16x20xf32>, vector<16x20xf32>, vector<16x20xf32>, vector<16x20xf32>, vector<16x20xf32>, vector<16x20xf32>, vector<16x20xf32>, vector<16x20xf32>, vector<16x20xf32>, vector<16x20xf32>, vector<16x20xf32>, vector<16x20xf32>, vector<16x20xf32> -> vector<16x320xf32>
    %iota3A = tpu.iota {dimensions = array<i32: 1>} : vector<16x320xi32>
    %jit3A = arith.constant 20 : i32
    %div3A = vector.broadcast %jit3A : i32 to vector<16x320xi32>
    %div3A_5 = arith.divsi %iota3A, %div3A : vector<16x320xi32>
    %sign3A = arith.constant 0 : i32
    %sign3A_6 = vector.broadcast %sign3A : i32 to vector<16x320xi32>
    %sign3A_7 = arith.cmpi sgt, %iota3A, %sign3A_6 : vector<16x320xi32>
    %sign3A_8 = arith.extui %sign3A_7 : vector<16x320xi1> to vector<16x320xi32>
    %sign3A_9 = arith.constant 0 : i32
    %sign3A_10 = vector.broadcast %sign3A_9 : i32 to vector<16x320xi32>
    %sign3A_11 = arith.cmpi slt, %iota3A, %sign3A_10 : vector<16x320xi32>
    %sign3A_12 = arith.extui %sign3A_11 : vector<16x320xi1> to vector<16x320xi32>
    %sign3A_13 = arith.subi %sign3A_8, %sign3A_12 : vector<16x320xi32>
    %sign3A_14 = arith.constant 0 : i32
    %sign3A_15 = arith.cmpi sgt, %jit3A, %sign3A_14 : i32
    %sign3A_16 = arith.extui %sign3A_15 : i1 to i32
    %sign3A_17 = arith.constant 0 : i32
    %sign3A_18 = arith.cmpi slt, %jit3A, %sign3A_17 : i32
    %sign3A_19 = arith.extui %sign3A_18 : i1 to i32
    %sign3A_20 = arith.subi %sign3A_16, %sign3A_19 : i32
    %ne3A = vector.broadcast %sign3A_20 : i32 to vector<16x320xi32>
    %ne3A_21 = arith.cmpi ne, %sign3A_13, %ne3A : vector<16x320xi32>
    %rem3A = vector.broadcast %jit3A : i32 to vector<16x320xi32>
    %rem3A_22 = arith.remsi %iota3A, %rem3A : vector<16x320xi32>
    %ne3A_23 = arith.constant 0 : i32
    %ne3A_24 = vector.broadcast %ne3A_23 : i32 to vector<16x320xi32>
    %ne3A_25 = arith.cmpi ne, %rem3A_22, %ne3A_24 : vector<16x320xi32>
    %and3A = arith.andi %ne3A_21, %ne3A_25 : vector<16x320xi1>
    %sub3A = arith.constant 1 : i32
    %sub3A_26 = vector.broadcast %sub3A : i32 to vector<16x320xi32>
    %sub3A_27 = arith.subi %div3A_5, %sub3A_26 : vector<16x320xi32>
    %select_n3A = arith.select %and3A, %sub3A_27, %div3A_5 : vector<16x320xi1>, vector<16x320xi32>
    %iota3A_28 = tpu.iota {dimensions = array<i32: 0>} : vector<16x320xi32>
    %eq3A = arith.cmpi eq, %select_n3A, %iota3A_28 : vector<16x320xi32>
    %jit3A_29 = arith.constant 0.000000e+00 : f32
    %broadcast_in_dim3A = vector.broadcast %jit3A_29 : f32 to vector<16x320xf32>
    %select_n3A_30 = arith.select %eq3A, %concatenate3A, %broadcast_in_dim3A : vector<16x320xi1>, vector<16x320xf32>
    %convert_element_type3A = arith.truncf %select_n3A_30 : vector<16x320xf32> to vector<16x320xbf16>
    %get3A_31 = arith.constant 0 : index
    %get3A_32 = arith.constant 0 : index
    %get3A_33 = vector.load %arg2[%get3A_31, %get3A_32] : memref<320x128xf32, #tpu.memory_space<vmem>>, vector<320x128xf32>
    %convert_element_type3A_34 = arith.truncf %get3A_33 : vector<320x128xf32> to vector<320x128xbf16>
    %dot_general3A = arith.constant dense<0.000000e+00> : vector<16x128xf32>
    %dot_general3A_35 = tpu.matmul %convert_element_type3A, %convert_element_type3A_34, %dot_general3A {dimension_numbers = #tpu.dot_dimension_numbers<[1], [0], [0], [1], [0, 0, 1, 1], [], []>, transpose_lhs_hint = false} : vector<16x320xbf16>, vector<320x128xbf16>, vector<16x128xf32> -> vector<16x128xf32>
    %reduce_sum3A = arith.constant dense<0.000000e+00> : vector<16xf32>
    %reduce_sum3A_36 = vector.multi_reduction <add>, %get3A_4, %reduce_sum3A [1] : vector<16x20xf32> to vector<16xf32>
    %broadcast_in_dim3A_37 = vector.shape_cast %reduce_sum3A_36 : vector<16xf32> to vector<16x1xf32>
    %div3A_38 = vector.broadcast %broadcast_in_dim3A_37 : vector<16x1xf32> to vector<16x128xf32>
    %div3A_39 = arith.divf %dot_general3A_35, %div3A_38 : vector<16x128xf32>
    %broadcast_in_dim3A_40 = vector.shape_cast %div3A_39 : vector<16x128xf32> to vector<16x1x128xf32>
    %broadcast_in_dim3A_41 = vector.shape_cast %broadcast_in_dim3A_40 : vector<16x1x128xf32> to vector<16x1x128xf32>
    %broadcast_in_dim3A_42 = vector.broadcast %broadcast_in_dim3A_41 : vector<16x1x128xf32> to vector<16x20x128xf32>
    %reshape3A = vector.shape_cast %broadcast_in_dim3A_42 : vector<16x20x128xf32> to vector<320x128xf32>
    %convert_element_type3A_43 = arith.truncf %reshape3A : vector<320x128xf32> to vector<320x128xbf16>
    %swap3A = arith.constant 0 : index
    %swap3A_44 = arith.constant 0 : index
    %swap3A_45 = vector.load %arg7[%swap3A, %swap3A_44] : memref<320x128xbf16, #tpu.memory_space<vmem>>, vector<320x128xbf16>
    tpu.vector_store %arg7[%swap3A, %swap3A_44], %convert_element_type3A_43 {strides = array<i32>} : memref<320x128xbf16, #tpu.memory_space<vmem>>, vector<320x128xbf16>,
    %get3A_46 = arith.constant 0 : index
    %get3A_47 = arith.constant 0 : index
    %get3A_48 = vector.load %arg1[%get3A_46, %get3A_47] : memref<320x128xf32, #tpu.memory_space<vmem>>, vector<320x128xf32>
    %convert_element_type3A_49 = arith.truncf %get3A_48 : vector<320x128xf32> to vector<320x128xbf16>
    %get3A_50 = arith.constant 0 : index
    %get3A_51 = arith.constant 0 : index
    %get3A_52 = vector.load %arg4[%get3A_50, %get3A_51] : memref<320x20xi32, #tpu.memory_space<vmem>>, vector<320x20xi32>
    %concatenate3A_53 = tpu.concatenate %get3A_52, %get3A_52, %get3A_52, %get3A_52, %get3A_52, %get3A_52, %get3A_52, %get3A_52, %get3A_52, %get3A_52, %get3A_52, %get3A_52, %get3A_52, %get3A_52, %get3A_52, %get3A_52 in 1 : vector<320x20xi32>, vector<320x20xi32>, vector<320x20xi32>, vector<320x20xi32>, vector<320x20xi32>, vector<320x20xi32>, vector<320x20xi32>, vector<320x20xi32>, vector<320x20xi32>, vector<320x20xi32>, vector<320x20xi32>, vector<320x20xi32>, vector<320x20xi32>, vector<320x20xi32>, vector<320x20xi32>, vector<320x20xi32> -> vector<320x320xi32>
    %iota3A_54 = tpu.iota {dimensions = array<i32: 1>} : vector<320x320xi32>
    %jit3A_55 = arith.constant 20 : i32
    %div3A_56 = vector.broadcast %jit3A_55 : i32 to vector<320x320xi32>
    %div3A_57 = arith.divsi %iota3A_54, %div3A_56 : vector<320x320xi32>
    %sign3A_58 = arith.constant 0 : i32
    %sign3A_59 = vector.broadcast %sign3A_58 : i32 to vector<320x320xi32>
    %sign3A_60 = arith.cmpi sgt, %iota3A_54, %sign3A_59 : vector<320x320xi32>
    %sign3A_61 = arith.extui %sign3A_60 : vector<320x320xi1> to vector<320x320xi32>
    %sign3A_62 = arith.constant 0 : i32
    %sign3A_63 = vector.broadcast %sign3A_62 : i32 to vector<320x320xi32>
    %sign3A_64 = arith.cmpi slt, %iota3A_54, %sign3A_63 : vector<320x320xi32>
    %sign3A_65 = arith.extui %sign3A_64 : vector<320x320xi1> to vector<320x320xi32>
    %sign3A_66 = arith.subi %sign3A_61, %sign3A_65 : vector<320x320xi32>
    %sign3A_67 = arith.constant 0 : i32
    %sign3A_68 = arith.cmpi sgt, %jit3A_55, %sign3A_67 : i32
    %sign3A_69 = arith.extui %sign3A_68 : i1 to i32
    %sign3A_70 = arith.constant 0 : i32
    %sign3A_71 = arith.cmpi slt, %jit3A_55, %sign3A_70 : i32
    %sign3A_72 = arith.extui %sign3A_71 : i1 to i32
    %sign3A_73 = arith.subi %sign3A_69, %sign3A_72 : i32
    %ne3A_74 = vector.broadcast %sign3A_73 : i32 to vector<320x320xi32>
    %ne3A_75 = arith.cmpi ne, %sign3A_66, %ne3A_74 : vector<320x320xi32>
    %rem3A_76 = vector.broadcast %jit3A_55 : i32 to vector<320x320xi32>
    %rem3A_77 = arith.remsi %iota3A_54, %rem3A_76 : vector<320x320xi32>
    %ne3A_78 = arith.constant 0 : i32
    %ne3A_79 = vector.broadcast %ne3A_78 : i32 to vector<320x320xi32>
    %ne3A_80 = arith.cmpi ne, %rem3A_77, %ne3A_79 : vector<320x320xi32>
    %and3A_81 = arith.andi %ne3A_75, %ne3A_80 : vector<320x320xi1>
    %sub3A_82 = arith.constant 1 : i32
    %sub3A_83 = vector.broadcast %sub3A_82 : i32 to vector<320x320xi32>
    %sub3A_84 = arith.subi %div3A_57, %sub3A_83 : vector<320x320xi32>
    %select_n3A_85 = arith.select %and3A_81, %sub3A_84, %div3A_57 : vector<320x320xi1>, vector<320x320xi32>
    %iota3A_86 = tpu.iota {dimensions = array<i32: 0>} : vector<320x320xi32>
    %jit3A_87 = arith.constant 20 : i32
    %div3A_88 = vector.broadcast %jit3A_87 : i32 to vector<320x320xi32>
    %div3A_89 = arith.divsi %iota3A_86, %div3A_88 : vector<320x320xi32>
    %sign3A_90 = arith.constant 0 : i32
    %sign3A_91 = vector.broadcast %sign3A_90 : i32 to vector<320x320xi32>
    %sign3A_92 = arith.cmpi sgt, %iota3A_86, %sign3A_91 : vector<320x320xi32>
    %sign3A_93 = arith.extui %sign3A_92 : vector<320x320xi1> to vector<320x320xi32>
    %sign3A_94 = arith.constant 0 : i32
    %sign3A_95 = vector.broadcast %sign3A_94 : i32 to vector<320x320xi32>
    %sign3A_96 = arith.cmpi slt, %iota3A_86, %sign3A_95 : vector<320x320xi32>
    %sign3A_97 = arith.extui %sign3A_96 : vector<320x320xi1> to vector<320x320xi32>
    %sign3A_98 = arith.subi %sign3A_93, %sign3A_97 : vector<320x320xi32>
    %sign3A_99 = arith.constant 0 : i32
    %sign3A_100 = arith.cmpi sgt, %jit3A_87, %sign3A_99 : i32
    %sign3A_101 = arith.extui %sign3A_100 : i1 to i32
    %sign3A_102 = arith.constant 0 : i32
    %sign3A_103 = arith.cmpi slt, %jit3A_87, %sign3A_102 : i32
    %sign3A_104 = arith.extui %sign3A_103 : i1 to i32
    %sign3A_105 = arith.subi %sign3A_101, %sign3A_104 : i32
    %ne3A_106 = vector.broadcast %sign3A_105 : i32 to vector<320x320xi32>
    %ne3A_107 = arith.cmpi ne, %sign3A_98, %ne3A_106 : vector<320x320xi32>
    %rem3A_108 = vector.broadcast %jit3A_87 : i32 to vector<320x320xi32>
    %rem3A_109 = arith.remsi %iota3A_86, %rem3A_108 : vector<320x320xi32>
    %ne3A_110 = arith.constant 0 : i32
    %ne3A_111 = vector.broadcast %ne3A_110 : i32 to vector<320x320xi32>
    %ne3A_112 = arith.cmpi ne, %rem3A_109, %ne3A_111 : vector<320x320xi32>
    %and3A_113 = arith.andi %ne3A_107, %ne3A_112 : vector<320x320xi1>
    %sub3A_114 = arith.constant 1 : i32
    %sub3A_115 = vector.broadcast %sub3A_114 : i32 to vector<320x320xi32>
    %sub3A_116 = arith.subi %div3A_89, %sub3A_115 : vector<320x320xi32>
    %select_n3A_117 = arith.select %and3A_113, %sub3A_116, %div3A_89 : vector<320x320xi1>, vector<320x320xi32>
    %eq3A_118 = arith.cmpi eq, %select_n3A_85, %select_n3A_117 : vector<320x320xi32>
    %slice3A = vector.extract_strided_slice %get3A_1 {offsets = [0, 0], sizes = [1, 128], strides = [1, 1]} : vector<4x128xbf16> to vector<1x128xbf16>
    %mul3A = vector.broadcast %slice3A : vector<1x128xbf16> to vector<320x128xbf16>
    %mul3A_119 = arith.mulf %convert_element_type3A_49, %mul3A : vector<320x128xbf16>
    %dot_general3A_120 = arith.constant dense<0.000000e+00> : vector<320x320xf32>
    %dot_general3A_121 = tpu.matmul %mul3A_119, %convert_element_type3A_49, %dot_general3A_120 {dimension_numbers = #tpu.dot_dimension_numbers<[1], [1], [0], [0], [0, 0, 1, 0], [], []>, transpose_lhs_hint = false} : vector<320x128xbf16>, vector<320x128xbf16>, vector<320x320xf32> -> vector<320x320xf32>
    %ge3A = arith.constant 0.000000e+00 : f32
    %ge3A_122 = vector.broadcast %ge3A : f32 to vector<320x320xf32>
    %ge3A_123 = arith.cmpf oge, %dot_general3A_121, %ge3A_122 : vector<320x320xf32>
    %mul3A_124 = arith.constant 2.000000e-01 : f32
    %mul3A_125 = vector.broadcast %mul3A_124 : f32 to vector<320x320xf32>
    %mul3A_126 = arith.mulf %mul3A_125, %dot_general3A_121 : vector<320x320xf32>
    %select_n3A_127 = arith.select %ge3A_123, %dot_general3A_121, %mul3A_126 : vector<320x320xi1>, vector<320x320xf32>
    %slice3A_128 = vector.extract_strided_slice %get3A_1 {offsets = [1, 0], sizes = [1, 128], strides = [1, 1]} : vector<4x128xbf16> to vector<1x128xbf16>
    %mul3A_129 = vector.broadcast %slice3A_128 : vector<1x128xbf16> to vector<320x128xbf16>
    %mul3A_130 = arith.mulf %convert_element_type3A_49, %mul3A_129 : vector<320x128xbf16>
    %dot_general3A_131 = arith.constant dense<0.000000e+00> : vector<320x320xf32>
    %dot_general3A_132 = tpu.matmul %mul3A_130, %convert_element_type3A_49, %dot_general3A_131 {dimension_numbers = #tpu.dot_dimension_numbers<[1], [1], [0], [0], [0, 0, 1, 0], [], []>, transpose_lhs_hint = false} : vector<320x128xbf16>, vector<320x128xbf16>, vector<320x320xf32> -> vector<320x320xf32>
    %ge3A_133 = arith.constant 0.000000e+00 : f32
    %ge3A_134 = vector.broadcast %ge3A_133 : f32 to vector<320x320xf32>
    %ge3A_135 = arith.cmpf oge, %dot_general3A_132, %ge3A_134 : vector<320x320xf32>
    %mul3A_136 = arith.constant 2.000000e-01 : f32
    %mul3A_137 = vector.broadcast %mul3A_136 : f32 to vector<320x320xf32>
    %mul3A_138 = arith.mulf %mul3A_137, %dot_general3A_132 : vector<320x320xf32>
    %select_n3A_139 = arith.select %ge3A_135, %dot_general3A_132, %mul3A_138 : vector<320x320xi1>, vector<320x320xf32>
    %slice3A_140 = vector.extract_strided_slice %get3A_1 {offsets = [2, 0], sizes = [1, 128], strides = [1, 1]} : vector<4x128xbf16> to vector<1x128xbf16>
    %mul3A_141 = vector.broadcast %slice3A_140 : vector<1x128xbf16> to vector<320x128xbf16>
    %mul3A_142 = arith.mulf %convert_element_type3A_49, %mul3A_141 : vector<320x128xbf16>
    %dot_general3A_143 = arith.constant dense<0.000000e+00> : vector<320x320xf32>
    %dot_general3A_144 = tpu.matmul %mul3A_142, %convert_element_type3A_49, %dot_general3A_143 {dimension_numbers = #tpu.dot_dimension_numbers<[1], [1], [0], [0], [0, 0, 1, 0], [], []>, transpose_lhs_hint = false} : vector<320x128xbf16>, vector<320x128xbf16>, vector<320x320xf32> -> vector<320x320xf32>
    %ge3A_145 = arith.constant 0.000000e+00 : f32
    %ge3A_146 = vector.broadcast %ge3A_145 : f32 to vector<320x320xf32>
    %ge3A_147 = arith.cmpf oge, %dot_general3A_144, %ge3A_146 : vector<320x320xf32>
    %mul3A_148 = arith.constant 2.000000e-01 : f32
    %mul3A_149 = vector.broadcast %mul3A_148 : f32 to vector<320x320xf32>
    %mul3A_150 = arith.mulf %mul3A_149, %dot_general3A_144 : vector<320x320xf32>
    %select_n3A_151 = arith.select %ge3A_147, %dot_general3A_144, %mul3A_150 : vector<320x320xi1>, vector<320x320xf32>
    %slice3A_152 = vector.extract_strided_slice %get3A_1 {offsets = [3, 0], sizes = [1, 128], strides = [1, 1]} : vector<4x128xbf16> to vector<1x128xbf16>
    %mul3A_153 = vector.broadcast %slice3A_152 : vector<1x128xbf16> to vector<320x128xbf16>
    %mul3A_154 = arith.mulf %convert_element_type3A_49, %mul3A_153 : vector<320x128xbf16>
    %dot_general3A_155 = arith.constant dense<0.000000e+00> : vector<320x320xf32>
    %dot_general3A_156 = tpu.matmul %mul3A_154, %convert_element_type3A_49, %dot_general3A_155 {dimension_numbers = #tpu.dot_dimension_numbers<[1], [1], [0], [0], [0, 0, 1, 0], [], []>, transpose_lhs_hint = false} : vector<320x128xbf16>, vector<320x128xbf16>, vector<320x320xf32> -> vector<320x320xf32>
    %ge3A_157 = arith.constant 0.000000e+00 : f32
    %ge3A_158 = vector.broadcast %ge3A_157 : f32 to vector<320x320xf32>
    %ge3A_159 = arith.cmpf oge, %dot_general3A_156, %ge3A_158 : vector<320x320xf32>
    %mul3A_160 = arith.constant 2.000000e-01 : f32
    %mul3A_161 = vector.broadcast %mul3A_160 : f32 to vector<320x320xf32>
    %mul3A_162 = arith.mulf %mul3A_161, %dot_general3A_156 : vector<320x320xf32>
    %select_n3A_163 = arith.select %ge3A_159, %dot_general3A_156, %mul3A_162 : vector<320x320xi1>, vector<320x320xf32>
    %broadcast_in_dim3A_164 = arith.constant -9.000000e+15 : f32
    %broadcast_in_dim3A_165 = vector.broadcast %broadcast_in_dim3A_164 : f32 to vector<320x320xf32>
    %eq3A_166 = arith.constant 1 : i32
    %eq3A_167 = vector.broadcast %eq3A_166 : i32 to vector<320x320xi32>
    %eq3A_168 = arith.cmpi eq, %concatenate3A_53, %eq3A_167 : vector<320x320xi32>
    %select_n3A_169 = arith.select %eq3A_168, %select_n3A_127, %broadcast_in_dim3A_165 : vector<320x320xi1>, vector<320x320xf32>
    %eq3A_170 = arith.constant 2 : i32
    %eq3A_171 = vector.broadcast %eq3A_170 : i32 to vector<320x320xi32>
    %eq3A_172 = arith.cmpi eq, %concatenate3A_53, %eq3A_171 : vector<320x320xi32>
    %select_n3A_173 = arith.select %eq3A_172, %select_n3A_139, %select_n3A_169 : vector<320x320xi1>, vector<320x320xf32>
    %eq3A_174 = arith.constant 3 : i32
    %eq3A_175 = vector.broadcast %eq3A_174 : i32 to vector<320x320xi32>
    %eq3A_176 = arith.cmpi eq, %concatenate3A_53, %eq3A_175 : vector<320x320xi32>
    %select_n3A_177 = arith.select %eq3A_176, %select_n3A_151, %select_n3A_173 : vector<320x320xi1>, vector<320x320xf32>
    %eq3A_178 = arith.constant 4 : i32
    %eq3A_179 = vector.broadcast %eq3A_178 : i32 to vector<320x320xi32>
    %eq3A_180 = arith.cmpi eq, %concatenate3A_53, %eq3A_179 : vector<320x320xi32>
    %select_n3A_181 = arith.select %eq3A_180, %select_n3A_163, %select_n3A_177 : vector<320x320xi1>, vector<320x320xf32>
    %jit3A_182 = arith.constant -1.800000e+16 : f32
    %broadcast_in_dim3A_183 = vector.broadcast %jit3A_182 : f32 to vector<320x320xf32>
    %select_n3A_184 = arith.select %eq3A_118, %select_n3A_181, %broadcast_in_dim3A_183 : vector<320x320xi1>, vector<320x320xf32>
    %reduce_max3A = arith.constant dense<0xFF800000> : vector<320xf32>
    %reduce_max3A_185 = vector.multi_reduction <maximumf>, %select_n3A_184, %reduce_max3A [1] : vector<320x320xf32> to vector<320xf32>
    %broadcast_in_dim3A_186 = vector.shape_cast %reduce_max3A_185 : vector<320xf32> to vector<320x1xf32>
    %sub3A_187 = vector.broadcast %broadcast_in_dim3A_186 : vector<320x1xf32> to vector<320x320xf32>
    %sub3A_188 = arith.subf %select_n3A_184, %sub3A_187 : vector<320x320xf32>
    %exp3A = math.exp %sub3A_188 : vector<320x320xf32>
    %reduce_sum3A_189 = arith.constant dense<0.000000e+00> : vector<320xf32>
    %reduce_sum3A_190 = vector.multi_reduction <add>, %exp3A, %reduce_sum3A_189 [1] : vector<320x320xf32> to vector<320xf32>
    %broadcast_in_dim3A_191 = vector.shape_cast %reduce_sum3A_190 : vector<320xf32> to vector<320x1xf32>
    %div3A_192 = vector.broadcast %broadcast_in_dim3A_191 : vector<320x1xf32> to vector<320x320xf32>
    %div3A_193 = arith.divf %exp3A, %div3A_192 : vector<320x320xf32>
    %convert_element_type3A_194 = arith.truncf %div3A_193 : vector<320x320xf32> to vector<320x320xbf16>
    %dot_general3A_195 = arith.constant dense<0.000000e+00> : vector<320x128xf32>
    %dot_general3A_196 = tpu.matmul %convert_element_type3A_194, %convert_element_type3A_49, %dot_general3A_195 {dimension_numbers = #tpu.dot_dimension_numbers<[1], [0], [0], [1], [0, 0, 1, 1], [], []>, transpose_lhs_hint = false} : vector<320x320xbf16>, vector<320x128xbf16>, vector<320x128xf32> -> vector<320x128xf32>
    %convert_element_type3A_197 = arith.truncf %dot_general3A_196 : vector<320x128xf32> to vector<320x128xbf16>
    %swap3A_198 = arith.constant 0 : index
    %swap3A_199 = arith.constant 0 : index
    %swap3A_200 = vector.load %arg6[%swap3A_198, %swap3A_199] : memref<320x128xbf16, #tpu.memory_space<vmem>>, vector<320x128xbf16>
    tpu.vector_store %arg6[%swap3A_198, %swap3A_199], %convert_element_type3A_197 {strides = array<i32>} : memref<320x128xbf16, #tpu.memory_space<vmem>>, vector<320x128xbf16>,
    return
  }
  func.func @transform_0(%arg0: i32) -> (i32, i32) {
    %c0_i32 = arith.constant 0 : i32
    %c0_i32_0 = arith.constant 0 : i32
    return %arg0, %c0_i32 : i32, i32
  }
  func.func @transform_1(%arg0: i32) -> (i32, i32) {
    %c0_i32 = arith.constant 0 : i32
    %c0_i32_0 = arith.constant 0 : i32
    return %arg0, %c0_i32 : i32, i32
  }
  func.func @transform_2(%arg0: i32) -> (i32, i32) {
    %c0_i32 = arith.constant 0 : i32
    %c0_i32_0 = arith.constant 0 : i32
    return %arg0, %c0_i32 : i32, i32
  }
  func.func @transform_3(%arg0: i32) -> (i32, i32) {
    %c0_i32 = arith.constant 0 : i32
    %c0_i32_0 = arith.constant 0 : i32
    return %arg0, %c0_i32 : i32, i32
  }
  func.func @transform_4(%arg0: i32) -> (i32, i32) {
    %c0_i32 = arith.constant 0 : i32
    %c0_i32_0 = arith.constant 0 : i32
    %c0_i32_1 = arith.constant 0 : i32
    return %c0_i32, %c0_i32_0 : i32, i32
  }
  func.func @transform_5(%arg0: i32) -> (i32, i32) {
    %c0_i32 = arith.constant 0 : i32
    %c0_i32_0 = arith.constant 0 : i32
    return %arg0, %c0_i32 : i32, i32
  }
  func.func @transform_6(%arg0: i32) -> (i32, i32) {
    %c0_i32 = arith.constant 0 : i32
    %c0_i32_0 = arith.constant 0 : i32
    return %arg0, %c0_i32 : i32, i32
  }
}

module attributes {stable_mosaic.version = 14 : i64} {
  func.func @_tc_global_body(%arg0: i32, %arg1: memref<320x128xf32, #tpu.memory_space<vmem>>, %arg2: memref<320x128xbf16, #tpu.memory_space<vmem>>, %arg3: memref<320x128xbf16, #tpu.memory_space<vmem>>, %arg4: memref<320x12xf32, #tpu.memory_space<vmem>>, %arg5: memref<12x320x128xf32, #tpu.memory_space<vmem>>, %arg6: memref<128x128xbf16, #tpu.memory_space<vmem>>, %arg7: memref<1x128xf32, #tpu.memory_space<vmem>>, %arg8: memref<1x128xf32, #tpu.memory_space<vmem>>, %arg9: memref<256x128xbf16, #tpu.memory_space<vmem>>, %arg10: memref<1x128xf32, #tpu.memory_space<vmem>>, %arg11: memref<320x128xf32, #tpu.memory_space<vmem>>) attributes {dimension_semantics = [#tpu.dimension_semantics<arbitrary>], iteration_bounds = array<i64: 32>, scalar_prefetch = 0 : i64, scratch_operands = 0 : i64, tpu.core_type = #tpu.core_type<tc>, window_params = [{transform_indices = @transform_0, window_bounds = array<i64: 320, 128>}, {transform_indices = @transform_1, window_bounds = array<i64: 320, 128>}, {transform_indices = @transform_2, window_bounds = array<i64: 320, 128>}, {transform_indices = @transform_3, window_bounds = array<i64: 320, 12>}, {transform_indices = @transform_4, window_bounds = array<i64: 12, 320, 128>}, {pipeline_mode = #tpu.pipeline_mode<synchronous>, transform_indices = @transform_5, window_bounds = array<i64: 128, 128>}, {pipeline_mode = #tpu.pipeline_mode<synchronous>, transform_indices = @transform_6, window_bounds = array<i64: 1, 128>}, {pipeline_mode = #tpu.pipeline_mode<synchronous>, transform_indices = @transform_7, window_bounds = array<i64: 1, 128>}, {pipeline_mode = #tpu.pipeline_mode<synchronous>, transform_indices = @transform_8, window_bounds = array<i64: 256, 128>}, {pipeline_mode = #tpu.pipeline_mode<synchronous>, transform_indices = @transform_9, window_bounds = array<i64: 1, 128>}, {transform_indices = @transform_10, window_bounds = array<i64: 320, 128>}]} {
    %get3A = arith.constant 0 : index
    %get3A_0 = arith.constant 0 : index
    %get3A_1 = vector.load %arg2[%get3A, %get3A_0] : memref<320x128xbf16, #tpu.memory_space<vmem>>, vector<320x128xbf16>
    %get3A_2 = arith.constant 0 : index
    %get3A_3 = arith.constant 0 : index
    %get3A_4 = vector.load %arg7[%get3A_2, %get3A_3] : memref<1x128xf32, #tpu.memory_space<vmem>>, vector<1x128xf32>
    %get3A_5 = arith.constant 0 : index
    %get3A_6 = arith.constant 0 : index
    %get3A_7 = vector.load %arg8[%get3A_5, %get3A_6] : memref<1x128xf32, #tpu.memory_space<vmem>>, vector<1x128xf32>
    %get3A_8 = arith.constant 0 : index
    %get3A_9 = arith.constant 0 : index
    %get3A_10 = arith.constant 0 : index
    %get3A_11 = vector.load %arg5[%get3A_8, %get3A_9, %get3A_10] : memref<12x320x128xf32, #tpu.memory_space<vmem>>, vector<12x320x128xf32>
    %broadcast_in_dim3A = vector.shape_cast %get3A_1 : vector<320x128xbf16> to vector<1x320x128xbf16>
    %convert_element_type3A = arith.truncf %get3A_11 : vector<12x320x128xf32> to vector<12x320x128xbf16>
    %mul3A = vector.broadcast %broadcast_in_dim3A : vector<1x320x128xbf16> to vector<12x320x128xbf16>
    %mul3A_12 = arith.mulf %mul3A, %convert_element_type3A : vector<12x320x128xbf16>
    %reshape3A = vector.shape_cast %mul3A_12 : vector<12x320x128xbf16> to vector<3840x128xbf16>
    %get3A_13 = arith.constant 0 : index
    %get3A_14 = arith.constant 0 : index
    %get3A_15 = vector.load %arg6[%get3A_13, %get3A_14] : memref<128x128xbf16, #tpu.memory_space<vmem>>, vector<128x128xbf16>
    %dot_general3A = arith.constant dense<0.000000e+00> : vector<3840x128xf32>
    %dot_general3A_16 = tpu.matmul %reshape3A, %get3A_15, %dot_general3A {dimension_numbers = #tpu.dot_dimension_numbers<[1], [0], [0], [1], [0, 0, 1, 1], [], []>, transpose_lhs_hint = false} : vector<3840x128xbf16>, vector<128x128xbf16>, vector<3840x128xf32> -> vector<3840x128xf32>
    %reshape3A_17 = vector.shape_cast %dot_general3A_16 : vector<3840x128xf32> to vector<12x320x128xf32>
    %slice3A = vector.extract_strided_slice %reshape3A_17 {offsets = [0, 0, 0], sizes = [1, 320, 128], strides = [1, 1, 1]} : vector<12x320x128xf32> to vector<1x320x128xf32>
    %squeeze3A = vector.shape_cast %slice3A : vector<1x320x128xf32> to vector<320x128xf32>
    %get3A_18 = arith.constant 0 : index
    %get3A_19 = arith.constant 0 : index
    %get3A_20 = vector.load %arg4[%get3A_18, %get3A_19] : memref<320x12xf32, #tpu.memory_space<vmem>>, vector<320x1xf32>
    %mul3A_21 = vector.broadcast %get3A_20 : vector<320x1xf32> to vector<320x128xf32>
    %mul3A_22 = vector.broadcast %get3A_4 : vector<1x128xf32> to vector<320x128xf32>
    %mul3A_23 = arith.mulf %mul3A_21, %mul3A_22 : vector<320x128xf32>
    %add3A = arith.addf %squeeze3A, %mul3A_23 : vector<320x128xf32>
    %ge3A = arith.constant 0.000000e+00 : f32
    %ge3A_24 = vector.broadcast %ge3A : f32 to vector<320x128xf32>
    %ge3A_25 = arith.cmpf oge, %add3A, %ge3A_24 : vector<320x128xf32>
    %mul3A_26 = arith.constant 2.000000e-01 : f32
    %mul3A_27 = vector.broadcast %mul3A_26 : f32 to vector<320x128xf32>
    %mul3A_28 = arith.mulf %mul3A_27, %add3A : vector<320x128xf32>
    %select_n3A = arith.select %ge3A_25, %add3A, %mul3A_28 : vector<320x128xi1>, vector<320x128xf32>
    %mul3A_29 = vector.broadcast %get3A_7 : vector<1x128xf32> to vector<320x128xf32>
    %mul3A_30 = arith.mulf %select_n3A, %mul3A_29 : vector<320x128xf32>
    %reduce_sum3A = arith.constant dense<0.000000e+00> : vector<320xf32>
    %reduce_sum3A_31 = vector.multi_reduction <add>, %mul3A_30, %reduce_sum3A [1] : vector<320x128xf32> to vector<320xf32>
    %broadcast_in_dim3A_32 = vector.shape_cast %reduce_sum3A_31 : vector<320xf32> to vector<320x1xf32>
    %slice3A_33 = vector.extract_strided_slice %reshape3A_17 {offsets = [1, 0, 0], sizes = [1, 320, 128], strides = [1, 1, 1]} : vector<12x320x128xf32> to vector<1x320x128xf32>
    %squeeze3A_34 = vector.shape_cast %slice3A_33 : vector<1x320x128xf32> to vector<320x128xf32>
    %get3A_35 = arith.constant 0 : index
    %get3A_36 = arith.constant 1 : index
    %get3A_37 = vector.load %arg4[%get3A_35, %get3A_36] : memref<320x12xf32, #tpu.memory_space<vmem>>, vector<320x1xf32>
    %mul3A_38 = vector.broadcast %get3A_37 : vector<320x1xf32> to vector<320x128xf32>
    %mul3A_39 = vector.broadcast %get3A_4 : vector<1x128xf32> to vector<320x128xf32>
    %mul3A_40 = arith.mulf %mul3A_38, %mul3A_39 : vector<320x128xf32>
    %add3A_41 = arith.addf %squeeze3A_34, %mul3A_40 : vector<320x128xf32>
    %ge3A_42 = arith.constant 0.000000e+00 : f32
    %ge3A_43 = vector.broadcast %ge3A_42 : f32 to vector<320x128xf32>
    %ge3A_44 = arith.cmpf oge, %add3A_41, %ge3A_43 : vector<320x128xf32>
    %mul3A_45 = arith.constant 2.000000e-01 : f32
    %mul3A_46 = vector.broadcast %mul3A_45 : f32 to vector<320x128xf32>
    %mul3A_47 = arith.mulf %mul3A_46, %add3A_41 : vector<320x128xf32>
    %select_n3A_48 = arith.select %ge3A_44, %add3A_41, %mul3A_47 : vector<320x128xi1>, vector<320x128xf32>
    %mul3A_49 = vector.broadcast %get3A_7 : vector<1x128xf32> to vector<320x128xf32>
    %mul3A_50 = arith.mulf %select_n3A_48, %mul3A_49 : vector<320x128xf32>
    %reduce_sum3A_51 = arith.constant dense<0.000000e+00> : vector<320xf32>
    %reduce_sum3A_52 = vector.multi_reduction <add>, %mul3A_50, %reduce_sum3A_51 [1] : vector<320x128xf32> to vector<320xf32>
    %broadcast_in_dim3A_53 = vector.shape_cast %reduce_sum3A_52 : vector<320xf32> to vector<320x1xf32>
    %slice3A_54 = vector.extract_strided_slice %reshape3A_17 {offsets = [2, 0, 0], sizes = [1, 320, 128], strides = [1, 1, 1]} : vector<12x320x128xf32> to vector<1x320x128xf32>
    %squeeze3A_55 = vector.shape_cast %slice3A_54 : vector<1x320x128xf32> to vector<320x128xf32>
    %get3A_56 = arith.constant 0 : index
    %get3A_57 = arith.constant 2 : index
    %get3A_58 = vector.load %arg4[%get3A_56, %get3A_57] : memref<320x12xf32, #tpu.memory_space<vmem>>, vector<320x1xf32>
    %mul3A_59 = vector.broadcast %get3A_58 : vector<320x1xf32> to vector<320x128xf32>
    %mul3A_60 = vector.broadcast %get3A_4 : vector<1x128xf32> to vector<320x128xf32>
    %mul3A_61 = arith.mulf %mul3A_59, %mul3A_60 : vector<320x128xf32>
    %add3A_62 = arith.addf %squeeze3A_55, %mul3A_61 : vector<320x128xf32>
    %ge3A_63 = arith.constant 0.000000e+00 : f32
    %ge3A_64 = vector.broadcast %ge3A_63 : f32 to vector<320x128xf32>
    %ge3A_65 = arith.cmpf oge, %add3A_62, %ge3A_64 : vector<320x128xf32>
    %mul3A_66 = arith.constant 2.000000e-01 : f32
    %mul3A_67 = vector.broadcast %mul3A_66 : f32 to vector<320x128xf32>
    %mul3A_68 = arith.mulf %mul3A_67, %add3A_62 : vector<320x128xf32>
    %select_n3A_69 = arith.select %ge3A_65, %add3A_62, %mul3A_68 : vector<320x128xi1>, vector<320x128xf32>
    %mul3A_70 = vector.broadcast %get3A_7 : vector<1x128xf32> to vector<320x128xf32>
    %mul3A_71 = arith.mulf %select_n3A_69, %mul3A_70 : vector<320x128xf32>
    %reduce_sum3A_72 = arith.constant dense<0.000000e+00> : vector<320xf32>
    %reduce_sum3A_73 = vector.multi_reduction <add>, %mul3A_71, %reduce_sum3A_72 [1] : vector<320x128xf32> to vector<320xf32>
    %broadcast_in_dim3A_74 = vector.shape_cast %reduce_sum3A_73 : vector<320xf32> to vector<320x1xf32>
    %slice3A_75 = vector.extract_strided_slice %reshape3A_17 {offsets = [3, 0, 0], sizes = [1, 320, 128], strides = [1, 1, 1]} : vector<12x320x128xf32> to vector<1x320x128xf32>
    %squeeze3A_76 = vector.shape_cast %slice3A_75 : vector<1x320x128xf32> to vector<320x128xf32>
    %get3A_77 = arith.constant 0 : index
    %get3A_78 = arith.constant 3 : index
    %get3A_79 = vector.load %arg4[%get3A_77, %get3A_78] : memref<320x12xf32, #tpu.memory_space<vmem>>, vector<320x1xf32>
    %mul3A_80 = vector.broadcast %get3A_79 : vector<320x1xf32> to vector<320x128xf32>
    %mul3A_81 = vector.broadcast %get3A_4 : vector<1x128xf32> to vector<320x128xf32>
    %mul3A_82 = arith.mulf %mul3A_80, %mul3A_81 : vector<320x128xf32>
    %add3A_83 = arith.addf %squeeze3A_76, %mul3A_82 : vector<320x128xf32>
    %ge3A_84 = arith.constant 0.000000e+00 : f32
    %ge3A_85 = vector.broadcast %ge3A_84 : f32 to vector<320x128xf32>
    %ge3A_86 = arith.cmpf oge, %add3A_83, %ge3A_85 : vector<320x128xf32>
    %mul3A_87 = arith.constant 2.000000e-01 : f32
    %mul3A_88 = vector.broadcast %mul3A_87 : f32 to vector<320x128xf32>
    %mul3A_89 = arith.mulf %mul3A_88, %add3A_83 : vector<320x128xf32>
    %select_n3A_90 = arith.select %ge3A_86, %add3A_83, %mul3A_89 : vector<320x128xi1>, vector<320x128xf32>
    %mul3A_91 = vector.broadcast %get3A_7 : vector<1x128xf32> to vector<320x128xf32>
    %mul3A_92 = arith.mulf %select_n3A_90, %mul3A_91 : vector<320x128xf32>
    %reduce_sum3A_93 = arith.constant dense<0.000000e+00> : vector<320xf32>
    %reduce_sum3A_94 = vector.multi_reduction <add>, %mul3A_92, %reduce_sum3A_93 [1] : vector<320x128xf32> to vector<320xf32>
    %broadcast_in_dim3A_95 = vector.shape_cast %reduce_sum3A_94 : vector<320xf32> to vector<320x1xf32>
    %slice3A_96 = vector.extract_strided_slice %reshape3A_17 {offsets = [4, 0, 0], sizes = [1, 320, 128], strides = [1, 1, 1]} : vector<12x320x128xf32> to vector<1x320x128xf32>
    %squeeze3A_97 = vector.shape_cast %slice3A_96 : vector<1x320x128xf32> to vector<320x128xf32>
    %get3A_98 = arith.constant 0 : index
    %get3A_99 = arith.constant 4 : index
    %get3A_100 = vector.load %arg4[%get3A_98, %get3A_99] : memref<320x12xf32, #tpu.memory_space<vmem>>, vector<320x1xf32>
    %mul3A_101 = vector.broadcast %get3A_100 : vector<320x1xf32> to vector<320x128xf32>
    %mul3A_102 = vector.broadcast %get3A_4 : vector<1x128xf32> to vector<320x128xf32>
    %mul3A_103 = arith.mulf %mul3A_101, %mul3A_102 : vector<320x128xf32>
    %add3A_104 = arith.addf %squeeze3A_97, %mul3A_103 : vector<320x128xf32>
    %ge3A_105 = arith.constant 0.000000e+00 : f32
    %ge3A_106 = vector.broadcast %ge3A_105 : f32 to vector<320x128xf32>
    %ge3A_107 = arith.cmpf oge, %add3A_104, %ge3A_106 : vector<320x128xf32>
    %mul3A_108 = arith.constant 2.000000e-01 : f32
    %mul3A_109 = vector.broadcast %mul3A_108 : f32 to vector<320x128xf32>
    %mul3A_110 = arith.mulf %mul3A_109, %add3A_104 : vector<320x128xf32>
    %select_n3A_111 = arith.select %ge3A_107, %add3A_104, %mul3A_110 : vector<320x128xi1>, vector<320x128xf32>
    %mul3A_112 = vector.broadcast %get3A_7 : vector<1x128xf32> to vector<320x128xf32>
    %mul3A_113 = arith.mulf %select_n3A_111, %mul3A_112 : vector<320x128xf32>
    %reduce_sum3A_114 = arith.constant dense<0.000000e+00> : vector<320xf32>
    %reduce_sum3A_115 = vector.multi_reduction <add>, %mul3A_113, %reduce_sum3A_114 [1] : vector<320x128xf32> to vector<320xf32>
    %broadcast_in_dim3A_116 = vector.shape_cast %reduce_sum3A_115 : vector<320xf32> to vector<320x1xf32>
    %slice3A_117 = vector.extract_strided_slice %reshape3A_17 {offsets = [5, 0, 0], sizes = [1, 320, 128], strides = [1, 1, 1]} : vector<12x320x128xf32> to vector<1x320x128xf32>
    %squeeze3A_118 = vector.shape_cast %slice3A_117 : vector<1x320x128xf32> to vector<320x128xf32>
    %get3A_119 = arith.constant 0 : index
    %get3A_120 = arith.constant 5 : index
    %get3A_121 = vector.load %arg4[%get3A_119, %get3A_120] : memref<320x12xf32, #tpu.memory_space<vmem>>, vector<320x1xf32>
    %mul3A_122 = vector.broadcast %get3A_121 : vector<320x1xf32> to vector<320x128xf32>
    %mul3A_123 = vector.broadcast %get3A_4 : vector<1x128xf32> to vector<320x128xf32>
    %mul3A_124 = arith.mulf %mul3A_122, %mul3A_123 : vector<320x128xf32>
    %add3A_125 = arith.addf %squeeze3A_118, %mul3A_124 : vector<320x128xf32>
    %ge3A_126 = arith.constant 0.000000e+00 : f32
    %ge3A_127 = vector.broadcast %ge3A_126 : f32 to vector<320x128xf32>
    %ge3A_128 = arith.cmpf oge, %add3A_125, %ge3A_127 : vector<320x128xf32>
    %mul3A_129 = arith.constant 2.000000e-01 : f32
    %mul3A_130 = vector.broadcast %mul3A_129 : f32 to vector<320x128xf32>
    %mul3A_131 = arith.mulf %mul3A_130, %add3A_125 : vector<320x128xf32>
    %select_n3A_132 = arith.select %ge3A_128, %add3A_125, %mul3A_131 : vector<320x128xi1>, vector<320x128xf32>
    %mul3A_133 = vector.broadcast %get3A_7 : vector<1x128xf32> to vector<320x128xf32>
    %mul3A_134 = arith.mulf %select_n3A_132, %mul3A_133 : vector<320x128xf32>
    %reduce_sum3A_135 = arith.constant dense<0.000000e+00> : vector<320xf32>
    %reduce_sum3A_136 = vector.multi_reduction <add>, %mul3A_134, %reduce_sum3A_135 [1] : vector<320x128xf32> to vector<320xf32>
    %broadcast_in_dim3A_137 = vector.shape_cast %reduce_sum3A_136 : vector<320xf32> to vector<320x1xf32>
    %slice3A_138 = vector.extract_strided_slice %reshape3A_17 {offsets = [6, 0, 0], sizes = [1, 320, 128], strides = [1, 1, 1]} : vector<12x320x128xf32> to vector<1x320x128xf32>
    %squeeze3A_139 = vector.shape_cast %slice3A_138 : vector<1x320x128xf32> to vector<320x128xf32>
    %get3A_140 = arith.constant 0 : index
    %get3A_141 = arith.constant 6 : index
    %get3A_142 = vector.load %arg4[%get3A_140, %get3A_141] : memref<320x12xf32, #tpu.memory_space<vmem>>, vector<320x1xf32>
    %mul3A_143 = vector.broadcast %get3A_142 : vector<320x1xf32> to vector<320x128xf32>
    %mul3A_144 = vector.broadcast %get3A_4 : vector<1x128xf32> to vector<320x128xf32>
    %mul3A_145 = arith.mulf %mul3A_143, %mul3A_144 : vector<320x128xf32>
    %add3A_146 = arith.addf %squeeze3A_139, %mul3A_145 : vector<320x128xf32>
    %ge3A_147 = arith.constant 0.000000e+00 : f32
    %ge3A_148 = vector.broadcast %ge3A_147 : f32 to vector<320x128xf32>
    %ge3A_149 = arith.cmpf oge, %add3A_146, %ge3A_148 : vector<320x128xf32>
    %mul3A_150 = arith.constant 2.000000e-01 : f32
    %mul3A_151 = vector.broadcast %mul3A_150 : f32 to vector<320x128xf32>
    %mul3A_152 = arith.mulf %mul3A_151, %add3A_146 : vector<320x128xf32>
    %select_n3A_153 = arith.select %ge3A_149, %add3A_146, %mul3A_152 : vector<320x128xi1>, vector<320x128xf32>
    %mul3A_154 = vector.broadcast %get3A_7 : vector<1x128xf32> to vector<320x128xf32>
    %mul3A_155 = arith.mulf %select_n3A_153, %mul3A_154 : vector<320x128xf32>
    %reduce_sum3A_156 = arith.constant dense<0.000000e+00> : vector<320xf32>
    %reduce_sum3A_157 = vector.multi_reduction <add>, %mul3A_155, %reduce_sum3A_156 [1] : vector<320x128xf32> to vector<320xf32>
    %broadcast_in_dim3A_158 = vector.shape_cast %reduce_sum3A_157 : vector<320xf32> to vector<320x1xf32>
    %slice3A_159 = vector.extract_strided_slice %reshape3A_17 {offsets = [7, 0, 0], sizes = [1, 320, 128], strides = [1, 1, 1]} : vector<12x320x128xf32> to vector<1x320x128xf32>
    %squeeze3A_160 = vector.shape_cast %slice3A_159 : vector<1x320x128xf32> to vector<320x128xf32>
    %get3A_161 = arith.constant 0 : index
    %get3A_162 = arith.constant 7 : index
    %get3A_163 = vector.load %arg4[%get3A_161, %get3A_162] : memref<320x12xf32, #tpu.memory_space<vmem>>, vector<320x1xf32>
    %mul3A_164 = vector.broadcast %get3A_163 : vector<320x1xf32> to vector<320x128xf32>
    %mul3A_165 = vector.broadcast %get3A_4 : vector<1x128xf32> to vector<320x128xf32>
    %mul3A_166 = arith.mulf %mul3A_164, %mul3A_165 : vector<320x128xf32>
    %add3A_167 = arith.addf %squeeze3A_160, %mul3A_166 : vector<320x128xf32>
    %ge3A_168 = arith.constant 0.000000e+00 : f32
    %ge3A_169 = vector.broadcast %ge3A_168 : f32 to vector<320x128xf32>
    %ge3A_170 = arith.cmpf oge, %add3A_167, %ge3A_169 : vector<320x128xf32>
    %mul3A_171 = arith.constant 2.000000e-01 : f32
    %mul3A_172 = vector.broadcast %mul3A_171 : f32 to vector<320x128xf32>
    %mul3A_173 = arith.mulf %mul3A_172, %add3A_167 : vector<320x128xf32>
    %select_n3A_174 = arith.select %ge3A_170, %add3A_167, %mul3A_173 : vector<320x128xi1>, vector<320x128xf32>
    %mul3A_175 = vector.broadcast %get3A_7 : vector<1x128xf32> to vector<320x128xf32>
    %mul3A_176 = arith.mulf %select_n3A_174, %mul3A_175 : vector<320x128xf32>
    %reduce_sum3A_177 = arith.constant dense<0.000000e+00> : vector<320xf32>
    %reduce_sum3A_178 = vector.multi_reduction <add>, %mul3A_176, %reduce_sum3A_177 [1] : vector<320x128xf32> to vector<320xf32>
    %broadcast_in_dim3A_179 = vector.shape_cast %reduce_sum3A_178 : vector<320xf32> to vector<320x1xf32>
    %slice3A_180 = vector.extract_strided_slice %reshape3A_17 {offsets = [8, 0, 0], sizes = [1, 320, 128], strides = [1, 1, 1]} : vector<12x320x128xf32> to vector<1x320x128xf32>
    %squeeze3A_181 = vector.shape_cast %slice3A_180 : vector<1x320x128xf32> to vector<320x128xf32>
    %get3A_182 = arith.constant 0 : index
    %get3A_183 = arith.constant 8 : index
    %get3A_184 = vector.load %arg4[%get3A_182, %get3A_183] : memref<320x12xf32, #tpu.memory_space<vmem>>, vector<320x1xf32>
    %mul3A_185 = vector.broadcast %get3A_184 : vector<320x1xf32> to vector<320x128xf32>
    %mul3A_186 = vector.broadcast %get3A_4 : vector<1x128xf32> to vector<320x128xf32>
    %mul3A_187 = arith.mulf %mul3A_185, %mul3A_186 : vector<320x128xf32>
    %add3A_188 = arith.addf %squeeze3A_181, %mul3A_187 : vector<320x128xf32>
    %ge3A_189 = arith.constant 0.000000e+00 : f32
    %ge3A_190 = vector.broadcast %ge3A_189 : f32 to vector<320x128xf32>
    %ge3A_191 = arith.cmpf oge, %add3A_188, %ge3A_190 : vector<320x128xf32>
    %mul3A_192 = arith.constant 2.000000e-01 : f32
    %mul3A_193 = vector.broadcast %mul3A_192 : f32 to vector<320x128xf32>
    %mul3A_194 = arith.mulf %mul3A_193, %add3A_188 : vector<320x128xf32>
    %select_n3A_195 = arith.select %ge3A_191, %add3A_188, %mul3A_194 : vector<320x128xi1>, vector<320x128xf32>
    %mul3A_196 = vector.broadcast %get3A_7 : vector<1x128xf32> to vector<320x128xf32>
    %mul3A_197 = arith.mulf %select_n3A_195, %mul3A_196 : vector<320x128xf32>
    %reduce_sum3A_198 = arith.constant dense<0.000000e+00> : vector<320xf32>
    %reduce_sum3A_199 = vector.multi_reduction <add>, %mul3A_197, %reduce_sum3A_198 [1] : vector<320x128xf32> to vector<320xf32>
    %broadcast_in_dim3A_200 = vector.shape_cast %reduce_sum3A_199 : vector<320xf32> to vector<320x1xf32>
    %slice3A_201 = vector.extract_strided_slice %reshape3A_17 {offsets = [9, 0, 0], sizes = [1, 320, 128], strides = [1, 1, 1]} : vector<12x320x128xf32> to vector<1x320x128xf32>
    %squeeze3A_202 = vector.shape_cast %slice3A_201 : vector<1x320x128xf32> to vector<320x128xf32>
    %get3A_203 = arith.constant 0 : index
    %get3A_204 = arith.constant 9 : index
    %get3A_205 = vector.load %arg4[%get3A_203, %get3A_204] : memref<320x12xf32, #tpu.memory_space<vmem>>, vector<320x1xf32>
    %mul3A_206 = vector.broadcast %get3A_205 : vector<320x1xf32> to vector<320x128xf32>
    %mul3A_207 = vector.broadcast %get3A_4 : vector<1x128xf32> to vector<320x128xf32>
    %mul3A_208 = arith.mulf %mul3A_206, %mul3A_207 : vector<320x128xf32>
    %add3A_209 = arith.addf %squeeze3A_202, %mul3A_208 : vector<320x128xf32>
    %ge3A_210 = arith.constant 0.000000e+00 : f32
    %ge3A_211 = vector.broadcast %ge3A_210 : f32 to vector<320x128xf32>
    %ge3A_212 = arith.cmpf oge, %add3A_209, %ge3A_211 : vector<320x128xf32>
    %mul3A_213 = arith.constant 2.000000e-01 : f32
    %mul3A_214 = vector.broadcast %mul3A_213 : f32 to vector<320x128xf32>
    %mul3A_215 = arith.mulf %mul3A_214, %add3A_209 : vector<320x128xf32>
    %select_n3A_216 = arith.select %ge3A_212, %add3A_209, %mul3A_215 : vector<320x128xi1>, vector<320x128xf32>
    %mul3A_217 = vector.broadcast %get3A_7 : vector<1x128xf32> to vector<320x128xf32>
    %mul3A_218 = arith.mulf %select_n3A_216, %mul3A_217 : vector<320x128xf32>
    %reduce_sum3A_219 = arith.constant dense<0.000000e+00> : vector<320xf32>
    %reduce_sum3A_220 = vector.multi_reduction <add>, %mul3A_218, %reduce_sum3A_219 [1] : vector<320x128xf32> to vector<320xf32>
    %broadcast_in_dim3A_221 = vector.shape_cast %reduce_sum3A_220 : vector<320xf32> to vector<320x1xf32>
    %slice3A_222 = vector.extract_strided_slice %reshape3A_17 {offsets = [10, 0, 0], sizes = [1, 320, 128], strides = [1, 1, 1]} : vector<12x320x128xf32> to vector<1x320x128xf32>
    %squeeze3A_223 = vector.shape_cast %slice3A_222 : vector<1x320x128xf32> to vector<320x128xf32>
    %get3A_224 = arith.constant 0 : index
    %get3A_225 = arith.constant 10 : index
    %get3A_226 = vector.load %arg4[%get3A_224, %get3A_225] : memref<320x12xf32, #tpu.memory_space<vmem>>, vector<320x1xf32>
    %mul3A_227 = vector.broadcast %get3A_226 : vector<320x1xf32> to vector<320x128xf32>
    %mul3A_228 = vector.broadcast %get3A_4 : vector<1x128xf32> to vector<320x128xf32>
    %mul3A_229 = arith.mulf %mul3A_227, %mul3A_228 : vector<320x128xf32>
    %add3A_230 = arith.addf %squeeze3A_223, %mul3A_229 : vector<320x128xf32>
    %ge3A_231 = arith.constant 0.000000e+00 : f32
    %ge3A_232 = vector.broadcast %ge3A_231 : f32 to vector<320x128xf32>
    %ge3A_233 = arith.cmpf oge, %add3A_230, %ge3A_232 : vector<320x128xf32>
    %mul3A_234 = arith.constant 2.000000e-01 : f32
    %mul3A_235 = vector.broadcast %mul3A_234 : f32 to vector<320x128xf32>
    %mul3A_236 = arith.mulf %mul3A_235, %add3A_230 : vector<320x128xf32>
    %select_n3A_237 = arith.select %ge3A_233, %add3A_230, %mul3A_236 : vector<320x128xi1>, vector<320x128xf32>
    %mul3A_238 = vector.broadcast %get3A_7 : vector<1x128xf32> to vector<320x128xf32>
    %mul3A_239 = arith.mulf %select_n3A_237, %mul3A_238 : vector<320x128xf32>
    %reduce_sum3A_240 = arith.constant dense<0.000000e+00> : vector<320xf32>
    %reduce_sum3A_241 = vector.multi_reduction <add>, %mul3A_239, %reduce_sum3A_240 [1] : vector<320x128xf32> to vector<320xf32>
    %broadcast_in_dim3A_242 = vector.shape_cast %reduce_sum3A_241 : vector<320xf32> to vector<320x1xf32>
    %slice3A_243 = vector.extract_strided_slice %reshape3A_17 {offsets = [11, 0, 0], sizes = [1, 320, 128], strides = [1, 1, 1]} : vector<12x320x128xf32> to vector<1x320x128xf32>
    %squeeze3A_244 = vector.shape_cast %slice3A_243 : vector<1x320x128xf32> to vector<320x128xf32>
    %get3A_245 = arith.constant 0 : index
    %get3A_246 = arith.constant 11 : index
    %get3A_247 = vector.load %arg4[%get3A_245, %get3A_246] : memref<320x12xf32, #tpu.memory_space<vmem>>, vector<320x1xf32>
    %mul3A_248 = vector.broadcast %get3A_247 : vector<320x1xf32> to vector<320x128xf32>
    %mul3A_249 = vector.broadcast %get3A_4 : vector<1x128xf32> to vector<320x128xf32>
    %mul3A_250 = arith.mulf %mul3A_248, %mul3A_249 : vector<320x128xf32>
    %add3A_251 = arith.addf %squeeze3A_244, %mul3A_250 : vector<320x128xf32>
    %ge3A_252 = arith.constant 0.000000e+00 : f32
    %ge3A_253 = vector.broadcast %ge3A_252 : f32 to vector<320x128xf32>
    %ge3A_254 = arith.cmpf oge, %add3A_251, %ge3A_253 : vector<320x128xf32>
    %mul3A_255 = arith.constant 2.000000e-01 : f32
    %mul3A_256 = vector.broadcast %mul3A_255 : f32 to vector<320x128xf32>
    %mul3A_257 = arith.mulf %mul3A_256, %add3A_251 : vector<320x128xf32>
    %select_n3A_258 = arith.select %ge3A_254, %add3A_251, %mul3A_257 : vector<320x128xi1>, vector<320x128xf32>
    %mul3A_259 = vector.broadcast %get3A_7 : vector<1x128xf32> to vector<320x128xf32>
    %mul3A_260 = arith.mulf %select_n3A_258, %mul3A_259 : vector<320x128xf32>
    %reduce_sum3A_261 = arith.constant dense<0.000000e+00> : vector<320xf32>
    %reduce_sum3A_262 = vector.multi_reduction <add>, %mul3A_260, %reduce_sum3A_261 [1] : vector<320x128xf32> to vector<320xf32>
    %broadcast_in_dim3A_263 = vector.shape_cast %reduce_sum3A_262 : vector<320xf32> to vector<320x1xf32>
    %max3A = arith.maximumf %broadcast_in_dim3A_32, %broadcast_in_dim3A_53 : vector<320x1xf32>
    %max3A_264 = arith.maximumf %max3A, %broadcast_in_dim3A_74 : vector<320x1xf32>
    %max3A_265 = arith.maximumf %max3A_264, %broadcast_in_dim3A_95 : vector<320x1xf32>
    %max3A_266 = arith.maximumf %max3A_265, %broadcast_in_dim3A_116 : vector<320x1xf32>
    %max3A_267 = arith.maximumf %max3A_266, %broadcast_in_dim3A_137 : vector<320x1xf32>
    %max3A_268 = arith.maximumf %max3A_267, %broadcast_in_dim3A_158 : vector<320x1xf32>
    %max3A_269 = arith.maximumf %max3A_268, %broadcast_in_dim3A_179 : vector<320x1xf32>
    %max3A_270 = arith.maximumf %max3A_269, %broadcast_in_dim3A_200 : vector<320x1xf32>
    %max3A_271 = arith.maximumf %max3A_270, %broadcast_in_dim3A_221 : vector<320x1xf32>
    %max3A_272 = arith.maximumf %max3A_271, %broadcast_in_dim3A_242 : vector<320x1xf32>
    %max3A_273 = arith.maximumf %max3A_272, %broadcast_in_dim3A_263 : vector<320x1xf32>
    %sub3A = arith.subf %broadcast_in_dim3A_32, %max3A_273 : vector<320x1xf32>
    %exp3A = math.exp %sub3A : vector<320x1xf32>
    %sub3A_274 = arith.subf %broadcast_in_dim3A_53, %max3A_273 : vector<320x1xf32>
    %exp3A_275 = math.exp %sub3A_274 : vector<320x1xf32>
    %sub3A_276 = arith.subf %broadcast_in_dim3A_74, %max3A_273 : vector<320x1xf32>
    %exp3A_277 = math.exp %sub3A_276 : vector<320x1xf32>
    %sub3A_278 = arith.subf %broadcast_in_dim3A_95, %max3A_273 : vector<320x1xf32>
    %exp3A_279 = math.exp %sub3A_278 : vector<320x1xf32>
    %sub3A_280 = arith.subf %broadcast_in_dim3A_116, %max3A_273 : vector<320x1xf32>
    %exp3A_281 = math.exp %sub3A_280 : vector<320x1xf32>
    %sub3A_282 = arith.subf %broadcast_in_dim3A_137, %max3A_273 : vector<320x1xf32>
    %exp3A_283 = math.exp %sub3A_282 : vector<320x1xf32>
    %sub3A_284 = arith.subf %broadcast_in_dim3A_158, %max3A_273 : vector<320x1xf32>
    %exp3A_285 = math.exp %sub3A_284 : vector<320x1xf32>
    %sub3A_286 = arith.subf %broadcast_in_dim3A_179, %max3A_273 : vector<320x1xf32>
    %exp3A_287 = math.exp %sub3A_286 : vector<320x1xf32>
    %sub3A_288 = arith.subf %broadcast_in_dim3A_200, %max3A_273 : vector<320x1xf32>
    %exp3A_289 = math.exp %sub3A_288 : vector<320x1xf32>
    %sub3A_290 = arith.subf %broadcast_in_dim3A_221, %max3A_273 : vector<320x1xf32>
    %exp3A_291 = math.exp %sub3A_290 : vector<320x1xf32>
    %sub3A_292 = arith.subf %broadcast_in_dim3A_242, %max3A_273 : vector<320x1xf32>
    %exp3A_293 = math.exp %sub3A_292 : vector<320x1xf32>
    %sub3A_294 = arith.subf %broadcast_in_dim3A_263, %max3A_273 : vector<320x1xf32>
    %exp3A_295 = math.exp %sub3A_294 : vector<320x1xf32>
    %add3A_296 = arith.addf %exp3A, %exp3A_275 : vector<320x1xf32>
    %add3A_297 = arith.addf %add3A_296, %exp3A_277 : vector<320x1xf32>
    %add3A_298 = arith.addf %add3A_297, %exp3A_279 : vector<320x1xf32>
    %add3A_299 = arith.addf %add3A_298, %exp3A_281 : vector<320x1xf32>
    %add3A_300 = arith.addf %add3A_299, %exp3A_283 : vector<320x1xf32>
    %add3A_301 = arith.addf %add3A_300, %exp3A_285 : vector<320x1xf32>
    %add3A_302 = arith.addf %add3A_301, %exp3A_287 : vector<320x1xf32>
    %add3A_303 = arith.addf %add3A_302, %exp3A_289 : vector<320x1xf32>
    %add3A_304 = arith.addf %add3A_303, %exp3A_291 : vector<320x1xf32>
    %add3A_305 = arith.addf %add3A_304, %exp3A_293 : vector<320x1xf32>
    %add3A_306 = arith.addf %add3A_305, %exp3A_295 : vector<320x1xf32>
    %div3A = arith.constant 1.000000e+00 : f32
    %div3A_307 = vector.broadcast %div3A : f32 to vector<320x1xf32>
    %div3A_308 = arith.divf %div3A_307, %add3A_306 : vector<320x1xf32>
    %mul3A_309 = arith.mulf %exp3A, %div3A_308 : vector<320x1xf32>
    %slice3A_310 = vector.extract_strided_slice %get3A_11 {offsets = [0, 0, 0], sizes = [1, 320, 128], strides = [1, 1, 1]} : vector<12x320x128xf32> to vector<1x320x128xf32>
    %squeeze3A_311 = vector.shape_cast %slice3A_310 : vector<1x320x128xf32> to vector<320x128xf32>
    %mul3A_312 = vector.broadcast %mul3A_309 : vector<320x1xf32> to vector<320x128xf32>
    %mul3A_313 = arith.mulf %mul3A_312, %squeeze3A_311 : vector<320x128xf32>
    %mul3A_314 = arith.mulf %exp3A_275, %div3A_308 : vector<320x1xf32>
    %slice3A_315 = vector.extract_strided_slice %get3A_11 {offsets = [1, 0, 0], sizes = [1, 320, 128], strides = [1, 1, 1]} : vector<12x320x128xf32> to vector<1x320x128xf32>
    %squeeze3A_316 = vector.shape_cast %slice3A_315 : vector<1x320x128xf32> to vector<320x128xf32>
    %mul3A_317 = vector.broadcast %mul3A_314 : vector<320x1xf32> to vector<320x128xf32>
    %mul3A_318 = arith.mulf %mul3A_317, %squeeze3A_316 : vector<320x128xf32>
    %add3A_319 = arith.addf %mul3A_313, %mul3A_318 : vector<320x128xf32>
    %mul3A_320 = arith.mulf %exp3A_277, %div3A_308 : vector<320x1xf32>
    %slice3A_321 = vector.extract_strided_slice %get3A_11 {offsets = [2, 0, 0], sizes = [1, 320, 128], strides = [1, 1, 1]} : vector<12x320x128xf32> to vector<1x320x128xf32>
    %squeeze3A_322 = vector.shape_cast %slice3A_321 : vector<1x320x128xf32> to vector<320x128xf32>
    %mul3A_323 = vector.broadcast %mul3A_320 : vector<320x1xf32> to vector<320x128xf32>
    %mul3A_324 = arith.mulf %mul3A_323, %squeeze3A_322 : vector<320x128xf32>
    %add3A_325 = arith.addf %add3A_319, %mul3A_324 : vector<320x128xf32>
    %mul3A_326 = arith.mulf %exp3A_279, %div3A_308 : vector<320x1xf32>
    %slice3A_327 = vector.extract_strided_slice %get3A_11 {offsets = [3, 0, 0], sizes = [1, 320, 128], strides = [1, 1, 1]} : vector<12x320x128xf32> to vector<1x320x128xf32>
    %squeeze3A_328 = vector.shape_cast %slice3A_327 : vector<1x320x128xf32> to vector<320x128xf32>
    %mul3A_329 = vector.broadcast %mul3A_326 : vector<320x1xf32> to vector<320x128xf32>
    %mul3A_330 = arith.mulf %mul3A_329, %squeeze3A_328 : vector<320x128xf32>
    %add3A_331 = arith.addf %add3A_325, %mul3A_330 : vector<320x128xf32>
    %mul3A_332 = arith.mulf %exp3A_281, %div3A_308 : vector<320x1xf32>
    %slice3A_333 = vector.extract_strided_slice %get3A_11 {offsets = [4, 0, 0], sizes = [1, 320, 128], strides = [1, 1, 1]} : vector<12x320x128xf32> to vector<1x320x128xf32>
    %squeeze3A_334 = vector.shape_cast %slice3A_333 : vector<1x320x128xf32> to vector<320x128xf32>
    %mul3A_335 = vector.broadcast %mul3A_332 : vector<320x1xf32> to vector<320x128xf32>
    %mul3A_336 = arith.mulf %mul3A_335, %squeeze3A_334 : vector<320x128xf32>
    %add3A_337 = arith.addf %add3A_331, %mul3A_336 : vector<320x128xf32>
    %mul3A_338 = arith.mulf %exp3A_283, %div3A_308 : vector<320x1xf32>
    %slice3A_339 = vector.extract_strided_slice %get3A_11 {offsets = [5, 0, 0], sizes = [1, 320, 128], strides = [1, 1, 1]} : vector<12x320x128xf32> to vector<1x320x128xf32>
    %squeeze3A_340 = vector.shape_cast %slice3A_339 : vector<1x320x128xf32> to vector<320x128xf32>
    %mul3A_341 = vector.broadcast %mul3A_338 : vector<320x1xf32> to vector<320x128xf32>
    %mul3A_342 = arith.mulf %mul3A_341, %squeeze3A_340 : vector<320x128xf32>
    %add3A_343 = arith.addf %add3A_337, %mul3A_342 : vector<320x128xf32>
    %mul3A_344 = arith.mulf %exp3A_285, %div3A_308 : vector<320x1xf32>
    %slice3A_345 = vector.extract_strided_slice %get3A_11 {offsets = [6, 0, 0], sizes = [1, 320, 128], strides = [1, 1, 1]} : vector<12x320x128xf32> to vector<1x320x128xf32>
    %squeeze3A_346 = vector.shape_cast %slice3A_345 : vector<1x320x128xf32> to vector<320x128xf32>
    %mul3A_347 = vector.broadcast %mul3A_344 : vector<320x1xf32> to vector<320x128xf32>
    %mul3A_348 = arith.mulf %mul3A_347, %squeeze3A_346 : vector<320x128xf32>
    %add3A_349 = arith.addf %add3A_343, %mul3A_348 : vector<320x128xf32>
    %mul3A_350 = arith.mulf %exp3A_287, %div3A_308 : vector<320x1xf32>
    %slice3A_351 = vector.extract_strided_slice %get3A_11 {offsets = [7, 0, 0], sizes = [1, 320, 128], strides = [1, 1, 1]} : vector<12x320x128xf32> to vector<1x320x128xf32>
    %squeeze3A_352 = vector.shape_cast %slice3A_351 : vector<1x320x128xf32> to vector<320x128xf32>
    %mul3A_353 = vector.broadcast %mul3A_350 : vector<320x1xf32> to vector<320x128xf32>
    %mul3A_354 = arith.mulf %mul3A_353, %squeeze3A_352 : vector<320x128xf32>
    %add3A_355 = arith.addf %add3A_349, %mul3A_354 : vector<320x128xf32>
    %mul3A_356 = arith.mulf %exp3A_289, %div3A_308 : vector<320x1xf32>
    %slice3A_357 = vector.extract_strided_slice %get3A_11 {offsets = [8, 0, 0], sizes = [1, 320, 128], strides = [1, 1, 1]} : vector<12x320x128xf32> to vector<1x320x128xf32>
    %squeeze3A_358 = vector.shape_cast %slice3A_357 : vector<1x320x128xf32> to vector<320x128xf32>
    %mul3A_359 = vector.broadcast %mul3A_356 : vector<320x1xf32> to vector<320x128xf32>
    %mul3A_360 = arith.mulf %mul3A_359, %squeeze3A_358 : vector<320x128xf32>
    %add3A_361 = arith.addf %add3A_355, %mul3A_360 : vector<320x128xf32>
    %mul3A_362 = arith.mulf %exp3A_291, %div3A_308 : vector<320x1xf32>
    %slice3A_363 = vector.extract_strided_slice %get3A_11 {offsets = [9, 0, 0], sizes = [1, 320, 128], strides = [1, 1, 1]} : vector<12x320x128xf32> to vector<1x320x128xf32>
    %squeeze3A_364 = vector.shape_cast %slice3A_363 : vector<1x320x128xf32> to vector<320x128xf32>
    %mul3A_365 = vector.broadcast %mul3A_362 : vector<320x1xf32> to vector<320x128xf32>
    %mul3A_366 = arith.mulf %mul3A_365, %squeeze3A_364 : vector<320x128xf32>
    %add3A_367 = arith.addf %add3A_361, %mul3A_366 : vector<320x128xf32>
    %mul3A_368 = arith.mulf %exp3A_293, %div3A_308 : vector<320x1xf32>
    %slice3A_369 = vector.extract_strided_slice %get3A_11 {offsets = [10, 0, 0], sizes = [1, 320, 128], strides = [1, 1, 1]} : vector<12x320x128xf32> to vector<1x320x128xf32>
    %squeeze3A_370 = vector.shape_cast %slice3A_369 : vector<1x320x128xf32> to vector<320x128xf32>
    %mul3A_371 = vector.broadcast %mul3A_368 : vector<320x1xf32> to vector<320x128xf32>
    %mul3A_372 = arith.mulf %mul3A_371, %squeeze3A_370 : vector<320x128xf32>
    %add3A_373 = arith.addf %add3A_367, %mul3A_372 : vector<320x128xf32>
    %mul3A_374 = arith.mulf %exp3A_295, %div3A_308 : vector<320x1xf32>
    %slice3A_375 = vector.extract_strided_slice %get3A_11 {offsets = [11, 0, 0], sizes = [1, 320, 128], strides = [1, 1, 1]} : vector<12x320x128xf32> to vector<1x320x128xf32>
    %squeeze3A_376 = vector.shape_cast %slice3A_375 : vector<1x320x128xf32> to vector<320x128xf32>
    %mul3A_377 = vector.broadcast %mul3A_374 : vector<320x1xf32> to vector<320x128xf32>
    %mul3A_378 = arith.mulf %mul3A_377, %squeeze3A_376 : vector<320x128xf32>
    %add3A_379 = arith.addf %add3A_373, %mul3A_378 : vector<320x128xf32>
    %get3A_380 = arith.constant 0 : index
    %get3A_381 = arith.constant 0 : index
    %get3A_382 = vector.load %arg1[%get3A_380, %get3A_381] : memref<320x128xf32, #tpu.memory_space<vmem>>, vector<320x128xf32>
    %concatenate3A = tpu.concatenate %get3A_382, %add3A_379 in 1 : vector<320x128xf32>, vector<320x128xf32> -> vector<320x256xf32>
    %convert_element_type3A_383 = arith.truncf %concatenate3A : vector<320x256xf32> to vector<320x256xbf16>
    %get3A_384 = arith.constant 0 : index
    %get3A_385 = arith.constant 0 : index
    %get3A_386 = vector.load %arg9[%get3A_384, %get3A_385] : memref<256x128xbf16, #tpu.memory_space<vmem>>, vector<256x128xbf16>
    %dot_general3A_387 = arith.constant dense<0.000000e+00> : vector<320x128xf32>
    %dot_general3A_388 = tpu.matmul %convert_element_type3A_383, %get3A_386, %dot_general3A_387 {dimension_numbers = #tpu.dot_dimension_numbers<[1], [0], [0], [1], [0, 0, 1, 1], [], []>, transpose_lhs_hint = false} : vector<320x256xbf16>, vector<256x128xbf16>, vector<320x128xf32> -> vector<320x128xf32>
    %get3A_389 = arith.constant 0 : index
    %get3A_390 = arith.constant 0 : index
    %get3A_391 = vector.load %arg10[%get3A_389, %get3A_390] : memref<1x128xf32, #tpu.memory_space<vmem>>, vector<1x128xf32>
    %add3A_392 = vector.broadcast %get3A_391 : vector<1x128xf32> to vector<320x128xf32>
    %add3A_393 = arith.addf %dot_general3A_388, %add3A_392 : vector<320x128xf32>
    %max3A_394 = arith.constant 0.000000e+00 : f32
    %max3A_395 = vector.broadcast %max3A_394 : f32 to vector<320x128xf32>
    %max3A_396 = arith.maximumf %add3A_393, %max3A_395 : vector<320x128xf32>
    %get3A_397 = arith.constant 0 : index
    %get3A_398 = arith.constant 0 : index
    %get3A_399 = vector.load %arg3[%get3A_397, %get3A_398] : memref<320x128xbf16, #tpu.memory_space<vmem>>, vector<320x128xbf16>
    %convert_element_type3A_400 = arith.extf %get3A_399 : vector<320x128xbf16> to vector<320x128xf32>
    %add3A_401 = arith.addf %convert_element_type3A_400, %max3A_396 : vector<320x128xf32>
    %swap3A = arith.constant 0 : index
    %swap3A_402 = arith.constant 0 : index
    %swap3A_403 = vector.load %arg11[%swap3A, %swap3A_402] : memref<320x128xf32, #tpu.memory_space<vmem>>, vector<320x128xf32>
    tpu.vector_store %arg11[%swap3A, %swap3A_402], %add3A_401 {strides = array<i32>} : memref<320x128xf32, #tpu.memory_space<vmem>>, vector<320x128xf32>,
    return
  }
  func.func @transform_0(%arg0: i32) -> (i32, i32) {
    %c0_i32 = arith.constant 0 : i32
    %c0_i32_0 = arith.constant 0 : i32
    return %arg0, %c0_i32 : i32, i32
  }
  func.func @transform_1(%arg0: i32) -> (i32, i32) {
    %c0_i32 = arith.constant 0 : i32
    %c0_i32_0 = arith.constant 0 : i32
    return %arg0, %c0_i32 : i32, i32
  }
  func.func @transform_2(%arg0: i32) -> (i32, i32) {
    %c0_i32 = arith.constant 0 : i32
    %c0_i32_0 = arith.constant 0 : i32
    return %arg0, %c0_i32 : i32, i32
  }
  func.func @transform_3(%arg0: i32) -> (i32, i32) {
    %c0_i32 = arith.constant 0 : i32
    %c0_i32_0 = arith.constant 0 : i32
    return %arg0, %c0_i32 : i32, i32
  }
  func.func @transform_4(%arg0: i32) -> (i32, i32, i32) {
    %c0_i32 = arith.constant 0 : i32
    %c0_i32_0 = arith.constant 0 : i32
    %c0_i32_1 = arith.constant 0 : i32
    return %c0_i32, %arg0, %c0_i32_0 : i32, i32, i32
  }
  func.func @transform_5(%arg0: i32) -> (i32, i32) {
    %c0_i32 = arith.constant 0 : i32
    %c0_i32_0 = arith.constant 0 : i32
    %c0_i32_1 = arith.constant 0 : i32
    return %c0_i32, %c0_i32_0 : i32, i32
  }
  func.func @transform_6(%arg0: i32) -> (i32, i32) {
    %c0_i32 = arith.constant 0 : i32
    %c0_i32_0 = arith.constant 0 : i32
    %c0_i32_1 = arith.constant 0 : i32
    return %c0_i32, %c0_i32_0 : i32, i32
  }
  func.func @transform_7(%arg0: i32) -> (i32, i32) {
    %c0_i32 = arith.constant 0 : i32
    %c0_i32_0 = arith.constant 0 : i32
    %c0_i32_1 = arith.constant 0 : i32
    return %c0_i32, %c0_i32_0 : i32, i32
  }
  func.func @transform_8(%arg0: i32) -> (i32, i32) {
    %c0_i32 = arith.constant 0 : i32
    %c0_i32_0 = arith.constant 0 : i32
    %c0_i32_1 = arith.constant 0 : i32
    return %c0_i32, %c0_i32_0 : i32, i32
  }
  func.func @transform_9(%arg0: i32) -> (i32, i32) {
    %c0_i32 = arith.constant 0 : i32
    %c0_i32_0 = arith.constant 0 : i32
    %c0_i32_1 = arith.constant 0 : i32
    return %c0_i32, %c0_i32_0 : i32, i32
  }
  func.func @transform_10(%arg0: i32) -> (i32, i32) {
    %c0_i32 = arith.constant 0 : i32
    %c0_i32_0 = arith.constant 0 : i32
    return %arg0, %c0_i32 : i32, i32
  }
}

</mosaic_0001>

<sc_bundles>
// kernel: kernel.12.cloned.1.call-start
scs
__scs_entry_jumppad:
0x0: {  	(pc) =	sbr.rel $0x88, $3  }
0x1: {  	(tag) =	ssettag $0x0;
	lr =	simm.s32 $0x1  }
0x2: {  	[smem:$0x3F92] =	sst lr;
	_ =	strace $0xD0000000  }
0x3: {  	_ = 	snop  }
0x4: {  	_ = 	snop  }
0x5: {  	_ = 	snop  }
0x6: {  	_ = 	snop  }
0x7: {  	_ = 	snop  }
__scs_overlays_trampoline_lowered:
0x8: {  	[smem:$0x3FA1] =	sst s0  }
0x9: {  	[smem:$0x3FA2] =	sst s1  }
0xa: {  	[smem:$0x3FA3] =	sst s2  }
0xb: {  	[smem:$0x3FA4] =	sst s3  }
0xc: {  	[smem:$0x3FA5] =	sst s4  }
0xd: {  	[smem:$0x3FA6] =	sst s5  }
0xe: {  	[smem:$0x3FA7] =	sst s6  }
0xf: {  	[smem:$0x3FA8] =	sst s7  }
0x10: {  	[smem:$0x3FA9] =	sst s8  }
0x11: {  	[smem:$0x3FAA] =	sst s9;
	s0 =	simm.s32 @!p0 $0x0  }
0x12: {  	s1 =	sld [smem:$0x3F90];
	s0 =	simm.s32 @p0 $0x1  }
0x13: {  	[smem:$0x3FAB] =	sst s0;
	s0 =	simm.s32 @!p1 $0x0  }
0x14: {  	s2 =	sld [smem:$0x3F8F];
	s0 =	simm.s32 @p1 $0x1  }
0x15: {  	[smem:$0x3FAC] =	sst s0;
	s0 =	simm.s32 @!p2 $0x0  }
0x16: {  	s3 =	sld [smem:$0x3FDB];
	s0 =	simm.s32 @p2 $0x1  }
0x17: {  	s4 =	simm.s32 $0x1BF5;
	[smem:$0x3FAE] =	sst s0  }
0x18: {  	s0 =	sld [smem:$0x3F91];
	_ =	swait.ge [sflag:s4], $0x0  }
0x19: {  	s7 =	sld [smem:$0x3F92]  }
0x1a: {  	s8 =	sadd.s32 $0xFFFFE003, lr  }
0x1b: {  	s9 =	sadd.s32 $0xFFFFFEF7, lr;
	s5 =	simm.s32 $0xFFFFFFFF;
	p2 =	slt.u32 s8, $0xFFFFF086  }
0x1c: {  	p1 =	slt.u32 s9, $0xF7A;
	s5 =	simm.s32 @!p2 $0x0  }
0x1d: {  	s5 =	simm.s32 @p1 $0x1;
	p0 =	seq.s32 s7, s2  }
0x1e: {  	s7 =	smul.u32 @!p0 $0xF7A, s2;
	p2 =	seq.s32 @!p0 s5, $0x0  }
0x1f: {  	s9 =	smul.u32 $0xF7A, s1;
	s8 =	simm.s32 @!p0 $0x1BF5;
	p2 =	por !p2, p0  }
0x20: {  	[sflag:s8] =	ssyncset.s32 @!p0 $0xFFFFF086;
	s6 =	sadd.s32 @!p0 s3, s7;
	s7 =	simm.s32 @!p0 $0x108  }
0x21: {  	s3 =	sadd.s32 s3, s9;
	s6 =	sadd.s32 @!p0 $0x88, s6;
	s7 =	simm.s32 @p2 $0x1082  }
0x22: {  	[simem:s7], [sflag:s8] =	dma.local @!p0 [hbm:s6], $0xF7A  }
0x23: {  	s9 =	sor.u32 $0xD0000000, s2;
	s6 =	simm.s32 $0x108;
	_ =	swait.ge @!p0 [sflag:s8], $0x0  }
0x24: {  	s3 =	sadd.s32 $0x88, s3;
	s6 =	simm.s32 @!p1 $0x1082;
	[sflag:s4] =	ssyncset.s32 $0xFFFFF086  }
0x25: {  	[simem:s6], [sflag:s4] =	dma.local [hbm:s3], $0xF7A  }
0x26: {  	[smem:$0x3F92] =	sst s1;
	(tag) =	ssettag s2;
	_ =	strace s9  }
0x27: {  	s1 =	sld [smem:$0x3FA2]  }
0x28: {  	s2 =	sld [smem:$0x3FA3]  }
0x29: {  	s4 =	sld [smem:$0x3FA5]  }
0x2a: {  	p0 =	seq.s32 s5, $0x0;
	s5 =	sld [smem:$0x3FA6]  }
0x2b: {  	s6 =	sld [smem:$0x3FA7]  }
0x2c: {  	s7 =	sld [smem:$0x3FA8]  }
0x2d: {  	s3 =	simm.s32 $0x108;
	s8 =	sld [smem:$0x3FA9]  }
0x2e: {  	s3 =	simm.s32 @!p0 $0x1082;
	s9 =	sld [smem:$0x3FAA]  }
0x2f: {  	lr =	sadd.s32 s0, s3;
	s0 =	sld [smem:$0x3FA1]  }
0x30: {  	s3 =	sld [smem:$0x3FA4]  }
0x31: {  	[smem:$0x3FAD] =	sst s10  }
0x32: {  	s10 =	sld [smem:$0x3FAB];
	_ =	sdelay $0x3  }
0x33: {  	p0 =	seq.s32 s10, $0x1;
	s10 =	sld [smem:$0x3FAD];
	_ =	sdelay $0x3  }
0x34: {  	[smem:$0x3FAD] =	sst s10  }
0x35: {  	s10 =	sld [smem:$0x3FAC];
	_ =	sdelay $0x3  }
0x36: {  	p1 =	seq.s32 s10, $0x1;
	s10 =	sld [smem:$0x3FAD];
	_ =	sdelay $0x3  }
0x37: {  	[smem:$0x3FAD] =	sst s10  }
0x38: {  	s10 =	sld [smem:$0x3FAE]  }
0x39: {  	_ = 	snop;
	(pc) =	sbr.ind lr, $3  }
0x3a: {  	_ = 	snop  }
0x3b: {  	_ = 	snop  }
0x3c: {  	p2 =	seq.s32 s10, $0x1;
	s10 =	sld [smem:$0x3FAD]  }
0x3d: {  	_ =	shalt  }
0x3e: {  	_ =	shalt  }
0x3f: {  	_ =	shalt  }
0x40: {  	_ =	shalt  }
0x41: {  	_ =	shalt  }
0x42: {  	_ =	shalt  }
0x43: {  	_ =	shalt  }
0x44: {  	_ =	shalt  }
0x45: {  	_ =	shalt  }
0x46: {  	_ =	shalt  }
0x47: {  	_ =	shalt  }
0x48: {  	_ =	shalt  }
0x49: {  	_ =	shalt  }
0x4a: {  	_ =	shalt  }
0x4b: {  	_ =	shalt  }
0x4c: {  	_ =	shalt  }
0x4d: {  	_ =	shalt  }
0x4e: {  	_ =	shalt  }
0x4f: {  	_ =	shalt  }
0x50: {  	_ =	shalt  }
0x51: {  	_ =	shalt  }
0x52: {  	_ =	shalt  }
0x53: {  	_ =	shalt  }
0x54: {  	_ =	shalt  }
0x55: {  	_ =	shalt  }
0x56: {  	_ =	shalt  }
0x57: {  	_ =	shalt  }
0x58: {  	_ =	shalt  }
0x59: {  	_ =	shalt  }
0x5a: {  	_ =	shalt  }
0x5b: {  	_ =	shalt  }
0x5c: {  	_ =	shalt  }
0x5d: {  	_ =	shalt  }
0x5e: {  	_ =	shalt  }
0x5f: {  	_ =	shalt  }
0x60: {  	_ =	shalt  }
0x61: {  	_ =	shalt  }
0x62: {  	_ =	shalt  }
0x63: {  	_ =	shalt  }
0x64: {  	_ =	shalt  }
0x65: {  	_ =	shalt  }
0x66: {  	_ =	shalt  }
0x67: {  	_ =	shalt  }
0x68: {  	_ =	shalt  }
0x69: {  	_ =	shalt  }
0x6a: {  	_ =	shalt  }
0x6b: {  	_ =	shalt  }
0x6c: {  	_ =	shalt  }
0x6d: {  	_ =	shalt  }
0x6e: {  	_ =	shalt  }
0x6f: {  	_ =	shalt  }
0x70: {  	_ =	shalt  }
0x71: {  	_ =	shalt  }
0x72: {  	_ =	shalt  }
0x73: {  	_ =	shalt  }
0x74: {  	_ =	shalt  }
0x75: {  	_ =	shalt  }
0x76: {  	_ =	shalt  }
0x77: {  	_ =	shalt  }
0x78: {  	_ =	shalt  }
0x79: {  	_ =	shalt  }
0x7a: {  	_ =	shalt  }
0x7b: {  	_ =	shalt  }
0x7c: {  	_ =	shalt  }
0x7d: {  	_ =	shalt  }
0x7e: {  	_ =	shalt  }
0x7f: {  	_ =	shalt  }
0x80: {  	_ =	shalt  }
0x81: {  	_ =	shalt  }
0x82: {  	_ =	shalt  }
0x83: {  	_ =	shalt  }
0x84: {  	_ =	shalt  }
0x85: {  	_ =	shalt  }
0x86: {  	_ =	shalt  }
0x87: {  	_ =	shalt  }
.Lfunc_end0:
.L_simem_size_0:
called_computation.1_lowered:
.L_overlay_start_0:
0x88: {  	s2 =	sld [smem:$0x3FD9]  }
0x89: {  	s3 =	sld [smem:$0x3FFE];
	_ =	sdelay $0x1  }
0x8a: {  	s1 =	srdreg.scid  }
0x8b: {  	s0 =	sand.u32 $0x1, s1  }
0x8c: {  	s17 =	sshll.u32 s0, $0xA;
	s2 =	sadd.s32 s3, s2  }
0x8d: {  	s2 =	sadd.s32 s2, s17  }
0x8e: {  	[smem:$0x3FB9] =	sst s2  }
0x8f: {  	_ = 	snop  }
0x90: {  	s18 =	sld [smem:$0x3FC5];
	(tm) =	ssettm $0x1  }
0x91: {  	s19 =	sld [smem:$0x3FFB];
	_ =	sdelay $0x3  }
0x92: {  	_ =	strace s19  }
0x93: {  	s2 =	sld [smem:$0x3FFC];
	_ =	sdelay $0x3  }
0x94: {  	_ =	strace s2  }
0x95: {  	s2 =	sld [smem:$0x3FFD];
	_ =	sdelay $0x3  }
0x96: {  	_ =	strace s2  }
0x97: {  	_ =	strace $0x8FFFFFFF  }
0x98: {  	s20 =	sld [smem:$0x3FDB];
	_ =	sdelay $0x1  }
0x99: {  	s4 =	simm.s32 $_scs_section_size  }
0x9a: {  	s5 =	simm.s32 $_size__tile_overlayer_lowered;
	s6 =	simm.s32 $_tile_overlayer_lowered  }
0x9b: {  	s7 =	simm.s32 $0x1BFF;
	s21 =	sshll.u32 s6, $0x1;
	s4 =	sadd.s32 s4, s20  }
0x9c: {  	s22 =	simm.s32 $0x0;
	s5 =	sshll.u32 s5, $0x1;
	s6 =	sadd.s32 s21, s4  }
0x9d: {  	[timem:s22], [sflag:s7] =	dma.local [hbm:s6], s5  }
0x9e: {  	_ =	swait.ge [sflag:s7], s5  }
0x9f: {  	s5 =	ssub.s32 $0x0, s5;
	[sflag:s7] =	ssyncset.done $0x0  }
0xa0: {  	[sflag:s7] =	ssyncadd.s32 s5;
	_ =	sdelay $0x1  }
0xa1: {  	s23 =	simm.s32 $0x1B8B  }
0xa2: {  	_ =	swait.ge [sflag:s23], $0x1  }
0xa3: {  	[sflag:s23] =	ssyncset.done $0x0  }
0xa4: {  	[sflag:s23] =	ssyncadd.s32 $0xFFFFFFFF  }
0xa5: {  	s5 =	sld [smem:$0x0]  }
0xa6: {  	s6 =	sand.u32 $0xFFFFFFFE, s1  }
0xa7: {  	p0 =	sne.s32 s1, s6  }
0xa8: {  	s6 =	sshll.u32 @p0 s6, $0xE  }
0xa9: {  	s6 =	sadd.s32 @p0 $0x11B8D, s6;
	s7 =	sshll.u32 @p0 s5, $0x11  }
0xaa: {  	s6 =	sor.u32 @p0 s7, s6  }
0xab: {  	[sflag:s6] =	ssyncadd.remote.s32 @p0 $0x1;
	_ =	sdelay $0x1  }
0xac: {  	s6 =	simm.s32 @p0 $0x1B8D  }
0xad: {  	_ =	swait.eq @p0 [sflag:s6], $0x1  }
0xae: {  	[sflag:s6] =	ssyncadd.s32 @p0 $0xFFFFFFFF  }
0xaf: {  	s7 =	sshll.u32 @!p0 s1, $0xE  }
0xb0: {  	s7 =	sor.u32 @!p0 $0x4000, s7;
	s6 =	simm.s32 @!p0 $0x1B8D  }
0xb1: {  	s5 =	sshll.u32 @!p0 s5, $0x11;
	s7 =	sadd.s32 @!p0 $0x11B8D, s7;
	_ =	swait.eq @!p0 [sflag:s6], $0x1  }
0xb2: {  	s5 =	sor.u32 @!p0 s5, s7;
	[sflag:s6] =	ssyncadd.s32 @!p0 $0xFFFFFFFF  }
0xb3: {  	s25 =	simm.s32 $0x1B8E;
	s24 =	sld [smem:$0x3FFE];
	[sflag:s5] =	ssyncadd.remote.s32 @!p0 $0x1  }
0xb4: {  	s26 =	simm.s32 $execute0_lowered;
	[smem:$0x3FD2] =	sst s25  }
0xb5: {  	s6 =	sshll.u32 s26, $0x1;
	_ =	strace $0x80000049;
	[dreg:$0x1] =	wrdreg $0xFFFFFFFF  }
0xb6: {  	s28 =	simm.s32 $_size_execute0_lowered;
	s4 =	sadd.s32 s4, s6;
	[dreg:$0x0] =	wrdreg $0x0  }
0xb7: {  	s6 =	sshll.u32 s28, $0x1;
	[dreg:$0x2] =	wrdreg s4  }
0xb8: {  	[dreg:$0x3] =	wrdreg s6  }
0xb9: {  	[dreg:$0x4] =	wrdreg $0xC0  }
0xba: {  	_ =	task [dreg:s22], $0x5FFFF  }
0xbb: {  	[dreg:$0x1] =	wrdreg $0xFFFFFFFF  }
0xbc: {  	[dreg:$0x0] =	wrdreg $0x60  }
0xbd: {  	[dreg:$0x2] =	wrdreg s18  }
0xbe: {  	[dreg:$0x3] =	wrdreg s24  }
0xbf: {  	[dreg:$0x4] =	wrdreg $0x9  }
0xc0: {  	_ =	task.clear_ibuf [dreg:s22], $0x5FFFF;
	_ =	strace $0x90000049  }
0xc1: {  	s29 =	simm.s32 $0x9;
	_ =	strace $0x8000004B  }
0xc2: {  	_ =	swait.ge [sflag:s29], $0x1  }
0xc3: {  	[sflag:s29] =	ssyncadd.s32 $0xFFFFFFFF  }
0xc4: {  	_ =	strace $0x9000004B  }
0xc5: {  	_ =	sfence  }
0xc6: {  	s30 =	sld [smem:$0x0];
	_ =	sdelay $0x2  }
0xc7: {  	s31 =	sshll.u32 s1, $0xD;
	s1 =	sshrl.u32 s1, $0x2  }
0xc8: {  	s4 =	sand.u32 $0x4000, s31;
	s1 =	sadd.s32 s1, s30  }
0xc9: {  	s0 =	sor.u32 s4, s0;
	s1 =	sshll.u32 s1, $0x11  }
0xca: {  	s0 =	sor.u32 s1, s0  }
0xcb: {  	s0 =	sadd.s32 $0x8F2B, s0  }
0xcc: {  	[sflag:s0] =	ssyncadd.remote.s32 $0x1  }
0xcd: {  	_ =	sfence.sel $0xFFFF  }
0xce: {  	[dreg:$0x0] =	wrdreg $0xFFFFFFFF;
	(pc) =	sbr.abs _section_cstart, $3  }
0xcf: {  	[dreg:$0x1] =	wrdreg $0xFFFFFFFF  }
0xd0: {  	_ =	task.clear_ibuf [dreg:s22], $0x2FFFF;
	_ =	strace $0x9FFFFFFF  }
0xd1: {  	(tm) =	ssettm $0x7FFFFFFF  }
tec
execute0_lowered:
.L_overlay_start_1:
0x0: {  	(tag) =	ssettag $0x1  }
0x1: {  	s1 =	srdreg.scid;
	s0 =	stileid.u32  }
0x2: {  	s2 =	rddreg [dreg:$0x0];
	s22 =	sand.u32 $0x1, s1;
	s30 =	sshll.u32 s0, $0x1  }
0x3: {  	s18 =	rddreg [dreg:$0x1];
	s10 =	sor.u32 s22, s30  }
0x4: {  	s3 =	simm.s32 $0x0;
	s1 =	rddreg [dreg:$0x2];
	s4 =	sshll.u32 s10, $0x7  }
0x5: {  	[smem:$0x7FF] =	sst s3;
	s17 =	sadd.s32 s4, s18  }
0x6: {  	_ =	strace $0x8000004A;
	s4 =	simm.s32 $0x2;
	s5 =	sadd.s32 $0x6E00, s17  }
0x7: {  	[tilespmem:s3], [sflag:$0x2] =	stream.linear.gather [hbm4b:s5+s3], $0x280, $0x38;
	[tilespmem:$0x4400] =	vst v63  }
0x8: {  	_ =	swait.ge [sflag:s4], $0x280  }
0x9: {  	s6 =	simm.s32 $0x80;
	[sflag:s4] =	ssyncset.done $0x0  }
0xa: {  	s7 =	simm.s32 $0x400;
	s8 =	simm.s32 $0x1;
	[sflag:s4] =	ssyncadd.s32 $0xFFFFFD80  }
0xb: {  	[tilespmem:s7], [sflag:$0x1] =	stream.indirect.gather [hbm4b:s2+s6], $0x80, s3, s6, $0xb8;
	[tilespmem:$0x4400] =	vst v63  }
0xc: {  	s19 =	smul.u32 $0x2800, s10;
	_ =	swait.ge [sflag:s8], $0x4000  }
0xd: {  	s16 =	sadd.s32 $0x8E00, s18;
	[sflag:s8] =	ssyncset.done $0x0  }
0xe: {  	s9 =	sadd.s32 s16, s19;
	[sflag:s8] =	ssyncadd.s32 $0xFFFFC000  }
0xf: {  	[hbm4b:s9+s3] =	stream.linear.scatter [tilespmem:s7], [sflag:$0x2], $0x4000, $0x38;
	[tilespmem:$0x4400] =	vst v63  }
0x10: {  	_ =	swait.ge [sflag:s4], $0x4000  }
0x11: {  	[sflag:s4] =	ssyncset.done $0x0  }
0x12: {  	s10 =	smul.u32 $0x14000, s10;
	[sflag:s4] =	ssyncadd.s32 $0xFFFFC000  }
0x13: {  	[tilespmem:s7], [sflag:$0x1] =	stream.indirect.gather [hbm4b:s2+s6], $0x80, s6, s6, $0xb8;
	[tilespmem:$0x4400] =	vst v63  }
0x14: {  	s20 =	sshrl.u32 s10, $0x3;
	_ =	swait.ge [sflag:s8], $0x4000  }
0x15: {  	s21 =	sadd.s32 $0x800, s20;
	[sflag:s8] =	ssyncset.done $0x0  }
0x16: {  	s10 =	sadd.s32 s16, s21;
	[sflag:s8] =	ssyncadd.s32 $0xFFFFC000  }
0x17: {  	[hbm4b:s10+s3] =	stream.linear.scatter [tilespmem:s7], [sflag:$0x2], $0x4000, $0x38;
	[tilespmem:$0x4400] =	vst v63  }
0x18: {  	_ =	swait.ge [sflag:s4], $0x4000  }
0x19: {  	[sflag:s4] =	ssyncset.done $0x0  }
0x1a: {  	s11 =	simm.s32 $0x100;
	[sflag:s4] =	ssyncadd.s32 $0xFFFFC000  }
0x1b: {  	[tilespmem:s7], [sflag:$0x1] =	stream.indirect.gather [hbm4b:s2+s6], $0x80, s11, s6, $0xb8;
	[tilespmem:$0x4400] =	vst v63  }
0x1c: {  	_ =	swait.ge [sflag:s8], $0x4000  }
0x1d: {  	s23 =	sadd.s32 $0x1000, s20;
	[sflag:s8] =	ssyncset.done $0x0  }
0x1e: {  	s12 =	sadd.s32 s16, s23;
	[sflag:s8] =	ssyncadd.s32 $0xFFFFC000  }
0x1f: {  	[hbm4b:s12+s3] =	stream.linear.scatter [tilespmem:s7], [sflag:$0x2], $0x4000, $0x38;
	[tilespmem:$0x4400] =	vst v63  }
0x20: {  	_ =	swait.ge [sflag:s4], $0x4000  }
0x21: {  	[sflag:s4] =	ssyncset.done $0x0  }
0x22: {  	s13 =	simm.s32 $0x180;
	[sflag:s4] =	ssyncadd.s32 $0xFFFFC000  }
0x23: {  	[tilespmem:s7], [sflag:$0x1] =	stream.indirect.gather [hbm4b:s2+s6], $0x80, s13, s6, $0xb8;
	[tilespmem:$0x4400] =	vst v63  }
0x24: {  	_ =	swait.ge [sflag:s8], $0x4000  }
0x25: {  	s24 =	sadd.s32 $0x1800, s20;
	[sflag:s8] =	ssyncset.done $0x0  }
0x26: {  	s14 =	sadd.s32 s16, s24;
	[sflag:s8] =	ssyncadd.s32 $0xFFFFC000  }
0x27: {  	[hbm4b:s14+s3] =	stream.linear.scatter [tilespmem:s7], [sflag:$0x2], $0x4000, $0x38;
	[tilespmem:$0x4400] =	vst v63  }
0x28: {  	_ =	swait.ge [sflag:s4], $0x4000  }
0x29: {  	[sflag:s4] =	ssyncset.done $0x0  }
0x2a: {  	s15 =	simm.s32 $0x200;
	[sflag:s4] =	ssyncadd.s32 $0xFFFFC000  }
0x2b: {  	[tilespmem:s7], [sflag:$0x1] =	stream.indirect.gather [hbm4b:s2+s6], $0x80, s15, s6, $0xb8;
	[tilespmem:$0x4400] =	vst v63  }
0x2c: {  	_ =	swait.ge [sflag:s8], $0x4000  }
0x2d: {  	s25 =	sadd.s32 $0x2000, s20;
	[sflag:s8] =	ssyncset.done $0x0  }
0x2e: {  	s16 =	sadd.s32 s16, s25;
	[sflag:s8] =	ssyncadd.s32 $0xFFFFC000  }
0x2f: {  	[hbm4b:s16+s3] =	stream.linear.scatter [tilespmem:s7], [sflag:$0x2], $0x4000, $0x38;
	[tilespmem:$0x4400] =	vst v63  }
0x30: {  	_ =	swait.ge [sflag:s4], $0x4000  }
0x31: {  	[sflag:s4] =	ssyncset.done $0x0  }
0x32: {  	s17 =	sadd.s32 $0x7E00, s17;
	[sflag:s4] =	ssyncadd.s32 $0xFFFFC000  }
0x33: {  	[tilespmem:s3], [sflag:$0x2] =	stream.linear.gather [hbm4b:s17+s3], $0x280, $0x38;
	[tilespmem:$0x4400] =	vst v63  }
0x34: {  	_ =	swait.ge [sflag:s4], $0x280  }
0x35: {  	[sflag:s4] =	ssyncset.done $0x0  }
0x36: {  	[sflag:s4] =	ssyncadd.s32 $0xFFFFFD80  }
0x37: {  	[tilespmem:s7], [sflag:$0x1] =	stream.indirect.gather [hbm4b:s2+s6], $0x80, s3, s6, $0xb8;
	[tilespmem:$0x4400] =	vst v63  }
0x38: {  	_ =	swait.ge [sflag:s8], $0x4000  }
0x39: {  	s26 =	sadd.s32 $0x58E00, s18;
	[sflag:s8] =	ssyncset.done $0x0  }
0x3a: {  	s18 =	sadd.s32 s26, s19;
	[sflag:s8] =	ssyncadd.s32 $0xFFFFC000  }
0x3b: {  	[hbm4b:s18+s3] =	stream.linear.scatter [tilespmem:s7], [sflag:$0x2], $0x4000, $0x38;
	[tilespmem:$0x4400] =	vst v63  }
0x3c: {  	_ =	swait.ge [sflag:s4], $0x4000  }
0x3d: {  	[sflag:s4] =	ssyncset.done $0x0  }
0x3e: {  	[sflag:s4] =	ssyncadd.s32 $0xFFFFC000  }
0x3f: {  	[tilespmem:s7], [sflag:$0x1] =	stream.indirect.gather [hbm4b:s2+s6], $0x80, s6, s6, $0xb8;
	[tilespmem:$0x4400] =	vst v63  }
0x40: {  	_ =	swait.ge [sflag:s8], $0x4000  }
0x41: {  	[sflag:s8] =	ssyncset.done $0x0  }
0x42: {  	s19 =	sadd.s32 s26, s21;
	[sflag:s8] =	ssyncadd.s32 $0xFFFFC000  }
0x43: {  	[hbm4b:s19+s3] =	stream.linear.scatter [tilespmem:s7], [sflag:$0x2], $0x4000, $0x38;
	[tilespmem:$0x4400] =	vst v63  }
0x44: {  	_ =	swait.ge [sflag:s4], $0x4000  }
0x45: {  	[sflag:s4] =	ssyncset.done $0x0  }
0x46: {  	[sflag:s4] =	ssyncadd.s32 $0xFFFFC000  }
0x47: {  	[tilespmem:s7], [sflag:$0x1] =	stream.indirect.gather [hbm4b:s2+s6], $0x80, s11, s6, $0xb8;
	[tilespmem:$0x4400] =	vst v63  }
0x48: {  	_ =	swait.ge [sflag:s8], $0x4000  }
0x49: {  	[sflag:s8] =	ssyncset.done $0x0  }
0x4a: {  	s20 =	sadd.s32 s26, s23;
	[sflag:s8] =	ssyncadd.s32 $0xFFFFC000  }
0x4b: {  	[hbm4b:s20+s3] =	stream.linear.scatter [tilespmem:s7], [sflag:$0x2], $0x4000, $0x38;
	[tilespmem:$0x4400] =	vst v63  }
0x4c: {  	_ =	swait.ge [sflag:s4], $0x4000  }
0x4d: {  	[sflag:s4] =	ssyncset.done $0x0  }
0x4e: {  	[sflag:s4] =	ssyncadd.s32 $0xFFFFC000  }
0x4f: {  	[tilespmem:s7], [sflag:$0x1] =	stream.indirect.gather [hbm4b:s2+s6], $0x80, s13, s6, $0xb8;
	[tilespmem:$0x4400] =	vst v63  }
0x50: {  	_ =	swait.ge [sflag:s8], $0x4000  }
0x51: {  	[sflag:s8] =	ssyncset.done $0x0  }
0x52: {  	s22 =	ssub.s32 $0x2, s22;
	s21 =	sadd.s32 s26, s24;
	[sflag:s8] =	ssyncadd.s32 $0xFFFFC000  }
0x53: {  	[hbm4b:s21+s3] =	stream.linear.scatter [tilespmem:s7], [sflag:$0x2], $0x4000, $0x38;
	[tilespmem:$0x4400] =	vst v63  }
0x54: {  	s31 =	sshrl.u32 s22, $0x1;
	_ =	swait.ge [sflag:s4], $0x4000  }
0x55: {  	s23 =	ssub.s32 s22, s31;
	[sflag:s4] =	ssyncset.done $0x0  }
0x56: {  	s23 =	smax.u32 s23, $0x1;
	[sflag:s4] =	ssyncadd.s32 $0xFFFFC000  }
0x57: {  	[tilespmem:s7], [sflag:$0x1] =	stream.indirect.gather [hbm4b:s2+s6], $0x80, s15, s6, $0xb8;
	[tilespmem:$0x4400] =	vst v63  }
0x58: {  	p0 =	sne.s32 s23, $0x1;
	_ =	swait.ge [sflag:s8], $0x4000  }
.Ltmp0:
0x59: {  	[sflag:s8] =	ssyncset.done $0x0;
	(pc) =	sbr.rel @!p0 .LBB2_2-.Ltmp0, $4  }
0x5a: {  	s22 =	sadd.s32 s26, s25;
	[sflag:s8] =	ssyncadd.s32 $0xFFFFC000  }
0x5b: {  	[hbm4b:s22+s3] =	stream.linear.scatter [tilespmem:s7], [sflag:$0x2], $0x4000, $0x38;
	[tilespmem:$0x4400] =	vst v63  }
0x5c: {  	_ =	swait.ge [sflag:s4], $0x4000  }
0x5d: {  	s23 =	sadd.s32 $0xFFFFFFFF, s23;
	[sflag:s4] =	ssyncset.done $0x0  }
.LBB2_1:
0x5e: {  	p0 =	sne.s32 s23, $0x1;
	s23 =	sadd.s32 $0xFFFFFFFF, s23;
	[sflag:s4] =	ssyncadd.s32 $0xFFFFC000  }
0x5f: {  	[tilespmem:s3], [sflag:$0x2] =	stream.linear.gather [hbm4b:s5+s3], $0x280, $0x38;
	[tilespmem:$0x4400] =	vst v63  }
0x60: {  	_ =	swait.ge [sflag:s4], $0x280  }
0x61: {  	[sflag:s4] =	ssyncset.done $0x0  }
0x62: {  	[sflag:s4] =	ssyncadd.s32 $0xFFFFFD80  }
0x63: {  	[tilespmem:s7], [sflag:$0x1] =	stream.indirect.gather [hbm4b:s2+s6], $0x80, s3, s6, $0xb8;
	[tilespmem:$0x4400] =	vst v63  }
0x64: {  	_ =	swait.ge [sflag:s8], $0x4000  }
0x65: {  	[sflag:s8] =	ssyncset.done $0x0  }
0x66: {  	[sflag:s8] =	ssyncadd.s32 $0xFFFFC000  }
0x67: {  	[hbm4b:s9+s3] =	stream.linear.scatter [tilespmem:s7], [sflag:$0x2], $0x4000, $0x38;
	[tilespmem:$0x4400] =	vst v63  }
0x68: {  	_ =	swait.ge [sflag:s4], $0x4000  }
0x69: {  	[sflag:s4] =	ssyncset.done $0x0  }
0x6a: {  	[sflag:s4] =	ssyncadd.s32 $0xFFFFC000  }
0x6b: {  	[tilespmem:s7], [sflag:$0x1] =	stream.indirect.gather [hbm4b:s2+s6], $0x80, s6, s6, $0xb8;
	[tilespmem:$0x4400] =	vst v63  }
0x6c: {  	_ =	swait.ge [sflag:s8], $0x4000  }
0x6d: {  	[sflag:s8] =	ssyncset.done $0x0  }
0x6e: {  	[sflag:s8] =	ssyncadd.s32 $0xFFFFC000  }
0x6f: {  	[hbm4b:s10+s3] =	stream.linear.scatter [tilespmem:s7], [sflag:$0x2], $0x4000, $0x38;
	[tilespmem:$0x4400] =	vst v63  }
0x70: {  	_ =	swait.ge [sflag:s4], $0x4000  }
0x71: {  	[sflag:s4] =	ssyncset.done $0x0  }
0x72: {  	[sflag:s4] =	ssyncadd.s32 $0xFFFFC000  }
0x73: {  	[tilespmem:s7], [sflag:$0x1] =	stream.indirect.gather [hbm4b:s2+s6], $0x80, s11, s6, $0xb8;
	[tilespmem:$0x4400] =	vst v63  }
0x74: {  	_ =	swait.ge [sflag:s8], $0x4000  }
0x75: {  	[sflag:s8] =	ssyncset.done $0x0  }
0x76: {  	[sflag:s8] =	ssyncadd.s32 $0xFFFFC000  }
0x77: {  	[hbm4b:s12+s3] =	stream.linear.scatter [tilespmem:s7], [sflag:$0x2], $0x4000, $0x38;
	[tilespmem:$0x4400] =	vst v63  }
0x78: {  	_ =	swait.ge [sflag:s4], $0x4000  }
0x79: {  	[sflag:s4] =	ssyncset.done $0x0  }
0x7a: {  	[sflag:s4] =	ssyncadd.s32 $0xFFFFC000  }
0x7b: {  	[tilespmem:s7], [sflag:$0x1] =	stream.indirect.gather [hbm4b:s2+s6], $0x80, s13, s6, $0xb8;
	[tilespmem:$0x4400] =	vst v63  }
0x7c: {  	_ =	swait.ge [sflag:s8], $0x4000  }
0x7d: {  	[sflag:s8] =	ssyncset.done $0x0  }
0x7e: {  	[sflag:s8] =	ssyncadd.s32 $0xFFFFC000  }
0x7f: {  	[hbm4b:s14+s3] =	stream.linear.scatter [tilespmem:s7], [sflag:$0x2], $0x4000, $0x38;
	[tilespmem:$0x4400] =	vst v63  }
0x80: {  	_ =	swait.ge [sflag:s4], $0x4000  }
0x81: {  	[sflag:s4] =	ssyncset.done $0x0  }
0x82: {  	[sflag:s4] =	ssyncadd.s32 $0xFFFFC000  }
0x83: {  	[tilespmem:s7], [sflag:$0x1] =	stream.indirect.gather [hbm4b:s2+s6], $0x80, s15, s6, $0xb8;
	[tilespmem:$0x4400] =	vst v63  }
0x84: {  	_ =	swait.ge [sflag:s8], $0x4000  }
0x85: {  	[sflag:s8] =	ssyncset.done $0x0  }
0x86: {  	[sflag:s8] =	ssyncadd.s32 $0xFFFFC000  }
0x87: {  	[hbm4b:s16+s3] =	stream.linear.scatter [tilespmem:s7], [sflag:$0x2], $0x4000, $0x38;
	[tilespmem:$0x4400] =	vst v63  }
0x88: {  	_ =	swait.ge [sflag:s4], $0x4000  }
0x89: {  	[sflag:s4] =	ssyncset.done $0x0  }
0x8a: {  	[sflag:s4] =	ssyncadd.s32 $0xFFFFC000  }
0x8b: {  	[tilespmem:s3], [sflag:$0x2] =	stream.linear.gather [hbm4b:s17+s3], $0x280, $0x38;
	[tilespmem:$0x4400] =	vst v63  }
0x8c: {  	_ =	swait.ge [sflag:s4], $0x280  }
0x8d: {  	[sflag:s4] =	ssyncset.done $0x0  }
0x8e: {  	[sflag:s4] =	ssyncadd.s32 $0xFFFFFD80  }
0x8f: {  	[tilespmem:s7], [sflag:$0x1] =	stream.indirect.gather [hbm4b:s2+s6], $0x80, s3, s6, $0xb8;
	[tilespmem:$0x4400] =	vst v63  }
0x90: {  	_ =	swait.ge [sflag:s8], $0x4000  }
0x91: {  	[sflag:s8] =	ssyncset.done $0x0  }
0x92: {  	[sflag:s8] =	ssyncadd.s32 $0xFFFFC000  }
0x93: {  	[hbm4b:s18+s3] =	stream.linear.scatter [tilespmem:s7], [sflag:$0x2], $0x4000, $0x38;
	[tilespmem:$0x4400] =	vst v63  }
0x94: {  	_ =	swait.ge [sflag:s4], $0x4000  }
0x95: {  	[sflag:s4] =	ssyncset.done $0x0  }
0x96: {  	[sflag:s4] =	ssyncadd.s32 $0xFFFFC000  }
0x97: {  	[tilespmem:s7], [sflag:$0x1] =	stream.indirect.gather [hbm4b:s2+s6], $0x80, s6, s6, $0xb8;
	[tilespmem:$0x4400] =	vst v63  }
0x98: {  	_ =	swait.ge [sflag:s8], $0x4000  }
0x99: {  	[sflag:s8] =	ssyncset.done $0x0  }
0x9a: {  	[sflag:s8] =	ssyncadd.s32 $0xFFFFC000  }
0x9b: {  	[hbm4b:s19+s3] =	stream.linear.scatter [tilespmem:s7], [sflag:$0x2], $0x4000, $0x38;
	[tilespmem:$0x4400] =	vst v63  }
0x9c: {  	_ =	swait.ge [sflag:s4], $0x4000  }
0x9d: {  	[sflag:s4] =	ssyncset.done $0x0  }
0x9e: {  	[sflag:s4] =	ssyncadd.s32 $0xFFFFC000  }
0x9f: {  	[tilespmem:s7], [sflag:$0x1] =	stream.indirect.gather [hbm4b:s2+s6], $0x80, s11, s6, $0xb8;
	[tilespmem:$0x4400] =	vst v63  }
0xa0: {  	_ =	swait.ge [sflag:s8], $0x4000  }
0xa1: {  	[sflag:s8] =	ssyncset.done $0x0  }
0xa2: {  	[sflag:s8] =	ssyncadd.s32 $0xFFFFC000  }
0xa3: {  	[hbm4b:s20+s3] =	stream.linear.scatter [tilespmem:s7], [sflag:$0x2], $0x4000, $0x38;
	[tilespmem:$0x4400] =	vst v63  }
0xa4: {  	_ =	swait.ge [sflag:s4], $0x4000  }
0xa5: {  	[sflag:s4] =	ssyncset.done $0x0  }
0xa6: {  	[sflag:s4] =	ssyncadd.s32 $0xFFFFC000  }
0xa7: {  	[tilespmem:s7], [sflag:$0x1] =	stream.indirect.gather [hbm4b:s2+s6], $0x80, s13, s6, $0xb8;
	[tilespmem:$0x4400] =	vst v63  }
0xa8: {  	_ =	swait.ge [sflag:s8], $0x4000  }
0xa9: {  	[sflag:s8] =	ssyncset.done $0x0  }
0xaa: {  	[sflag:s8] =	ssyncadd.s32 $0xFFFFC000  }
0xab: {  	[hbm4b:s21+s3] =	stream.linear.scatter [tilespmem:s7], [sflag:$0x2], $0x4000, $0x38;
	[tilespmem:$0x4400] =	vst v63  }
0xac: {  	_ =	swait.ge [sflag:s4], $0x4000  }
0xad: {  	[sflag:s4] =	ssyncset.done $0x0  }
0xae: {  	[sflag:s4] =	ssyncadd.s32 $0xFFFFC000  }
0xaf: {  	[tilespmem:s7], [sflag:$0x1] =	stream.indirect.gather [hbm4b:s2+s6], $0x80, s15, s6, $0xb8;
	[tilespmem:$0x4400] =	vst v63  }
0xb0: {  	_ =	swait.ge [sflag:s8], $0x4000  }
.Ltmp1:
0xb1: {  	[sflag:s8] =	ssyncset.done $0x0;
	(pc) =	sbr.rel @p0 .LBB2_1-.Ltmp1, $4  }
0xb2: {  	[sflag:s8] =	ssyncadd.s32 $0xFFFFC000  }
0xb3: {  	[hbm4b:s22+s3] =	stream.linear.scatter [tilespmem:s7], [sflag:$0x2], $0x4000, $0x38;
	[tilespmem:$0x4400] =	vst v63  }
0xb4: {  	_ =	swait.ge [sflag:s4], $0x4000  }
0xb5: {  	[sflag:s4] =	ssyncset.done $0x0  }
.LBB2_2:
0xb6: {  	[sflag:s4] =	ssyncadd.s32 $0xFFFFC000  }
0xb7: {  	_ =	sfence.sel $0x180000  }
0xb8: {  	[bflag:$0x0] =	sbarrier.arrive $0xFFFF  }
0xb9: {  	p0 =	sne.s32 s0, $0x0;
	_ =	strace $0x9000004A  }
0xba: {  	s0 =	sadd.s32 @!p0 $0x100000, s1;
	[bflag:$0x2] =	sbarrier.arrive $0xFFFF  }
0xbb: {  	[sflag:s0] =	ssyncadd.tile.s32 @!p0 $0x1;
	_ =	shalt  }
.Lfunc_end2:
_tile_overlayer_lowered:
.L_overlay_start_2:
0xbc: {  	(tag) =	ssettag $0x2  }
0xbd: {  	s0 =	rddreg [dreg:$0x0];
	s2 =	stileid.u32  }
0xbe: {  	s1 =	rddreg [dreg:$0x1];
	p0 =	sne.s32 s2, $0x0  }
0xbf: {  	s3 =	rddreg [dreg:$0x2];
	[bflag:$0x3] =	sbarrier.arrive $0xFFFF;
	s2 =	simm.s32 @!p0 $0x1C02  }
0xc0: {  	[timem:s3], [sflag:s2] =	dma.local @!p0 [hbm:s0], s1  }
0xc1: {  	s0 =	simm.s32 @!p0 $0x2  }
0xc2: {  	_ =	swait.ge @!p0 [sflag:s0], s1  }
0xc3: {  	s1 =	ssub.s32 @!p0 $0x0, s1;
	[sflag:s0] =	ssyncset.done @!p0 $0x0  }
0xc4: {  	[sflag:s0] =	ssyncadd.s32 @!p0 s1  }
0xc5: {  	[bflag:$0x3] =	sbarrier.arrive $0xFFFF  }
0xc6: {  	_ =	shalt  }

// kernel: kernel.15.cloned.1.call-start
scs
__scs_entry_jumppad:
0x0: {  	(pc) =	sbr.rel $0x88, $3  }
0x1: {  	(tag) =	ssettag $0x0;
	lr =	simm.s32 $0x1  }
0x2: {  	[smem:$0x3F92] =	sst lr;
	_ =	strace $0xD0000000  }
0x3: {  	_ = 	snop  }
0x4: {  	_ = 	snop  }
0x5: {  	_ = 	snop  }
0x6: {  	_ = 	snop  }
0x7: {  	_ = 	snop  }
__scs_overlays_trampoline_lowered:
0x8: {  	[smem:$0x3FA1] =	sst s0  }
0x9: {  	[smem:$0x3FA2] =	sst s1  }
0xa: {  	[smem:$0x3FA3] =	sst s2  }
0xb: {  	[smem:$0x3FA4] =	sst s3  }
0xc: {  	[smem:$0x3FA5] =	sst s4  }
0xd: {  	[smem:$0x3FA6] =	sst s5  }
0xe: {  	[smem:$0x3FA7] =	sst s6  }
0xf: {  	[smem:$0x3FA8] =	sst s7  }
0x10: {  	[smem:$0x3FA9] =	sst s8  }
0x11: {  	[smem:$0x3FAA] =	sst s9;
	s0 =	simm.s32 @!p0 $0x0  }
0x12: {  	s1 =	sld [smem:$0x3F90];
	s0 =	simm.s32 @p0 $0x1  }
0x13: {  	[smem:$0x3FAB] =	sst s0;
	s0 =	simm.s32 @!p1 $0x0  }
0x14: {  	s2 =	sld [smem:$0x3F8F];
	s0 =	simm.s32 @p1 $0x1  }
0x15: {  	[smem:$0x3FAC] =	sst s0;
	s0 =	simm.s32 @!p2 $0x0  }
0x16: {  	s3 =	sld [smem:$0x3FDB];
	s0 =	simm.s32 @p2 $0x1  }
0x17: {  	s4 =	simm.s32 $0x1BF5;
	[smem:$0x3FAE] =	sst s0  }
0x18: {  	s0 =	sld [smem:$0x3F91];
	_ =	swait.ge [sflag:s4], $0x0  }
0x19: {  	s7 =	sld [smem:$0x3F92]  }
0x1a: {  	s8 =	sadd.s32 $0xFFFFE003, lr  }
0x1b: {  	s9 =	sadd.s32 $0xFFFFFEF7, lr;
	s5 =	simm.s32 $0xFFFFFFFF;
	p2 =	slt.u32 s8, $0xFFFFF086  }
0x1c: {  	p1 =	slt.u32 s9, $0xF7A;
	s5 =	simm.s32 @!p2 $0x0  }
0x1d: {  	s5 =	simm.s32 @p1 $0x1;
	p0 =	seq.s32 s7, s2  }
0x1e: {  	s7 =	smul.u32 @!p0 $0xF7A, s2;
	p2 =	seq.s32 @!p0 s5, $0x0  }
0x1f: {  	s9 =	smul.u32 $0xF7A, s1;
	s8 =	simm.s32 @!p0 $0x1BF5;
	p2 =	por !p2, p0  }
0x20: {  	[sflag:s8] =	ssyncset.s32 @!p0 $0xFFFFF086;
	s6 =	sadd.s32 @!p0 s3, s7;
	s7 =	simm.s32 @!p0 $0x108  }
0x21: {  	s3 =	sadd.s32 s3, s9;
	s6 =	sadd.s32 @!p0 $0x88, s6;
	s7 =	simm.s32 @p2 $0x1082  }
0x22: {  	[simem:s7], [sflag:s8] =	dma.local @!p0 [hbm:s6], $0xF7A  }
0x23: {  	s9 =	sor.u32 $0xD0000000, s2;
	s6 =	simm.s32 $0x108;
	_ =	swait.ge @!p0 [sflag:s8], $0x0  }
0x24: {  	s3 =	sadd.s32 $0x88, s3;
	s6 =	simm.s32 @!p1 $0x1082;
	[sflag:s4] =	ssyncset.s32 $0xFFFFF086  }
0x25: {  	[simem:s6], [sflag:s4] =	dma.local [hbm:s3], $0xF7A  }
0x26: {  	[smem:$0x3F92] =	sst s1;
	(tag) =	ssettag s2;
	_ =	strace s9  }
0x27: {  	s1 =	sld [smem:$0x3FA2]  }
0x28: {  	s2 =	sld [smem:$0x3FA3]  }
0x29: {  	s4 =	sld [smem:$0x3FA5]  }
0x2a: {  	p0 =	seq.s32 s5, $0x0;
	s5 =	sld [smem:$0x3FA6]  }
0x2b: {  	s6 =	sld [smem:$0x3FA7]  }
0x2c: {  	s7 =	sld [smem:$0x3FA8]  }
0x2d: {  	s3 =	simm.s32 $0x108;
	s8 =	sld [smem:$0x3FA9]  }
0x2e: {  	s3 =	simm.s32 @!p0 $0x1082;
	s9 =	sld [smem:$0x3FAA]  }
0x2f: {  	lr =	sadd.s32 s0, s3;
	s0 =	sld [smem:$0x3FA1]  }
0x30: {  	s3 =	sld [smem:$0x3FA4]  }
0x31: {  	[smem:$0x3FAD] =	sst s10  }
0x32: {  	s10 =	sld [smem:$0x3FAB];
	_ =	sdelay $0x3  }
0x33: {  	p0 =	seq.s32 s10, $0x1;
	s10 =	sld [smem:$0x3FAD];
	_ =	sdelay $0x3  }
0x34: {  	[smem:$0x3FAD] =	sst s10  }
0x35: {  	s10 =	sld [smem:$0x3FAC];
	_ =	sdelay $0x3  }
0x36: {  	p1 =	seq.s32 s10, $0x1;
	s10 =	sld [smem:$0x3FAD];
	_ =	sdelay $0x3  }
0x37: {  	[smem:$0x3FAD] =	sst s10  }
0x38: {  	s10 =	sld [smem:$0x3FAE]  }
0x39: {  	_ = 	snop;
	(pc) =	sbr.ind lr, $3  }
0x3a: {  	_ = 	snop  }
0x3b: {  	_ = 	snop  }
0x3c: {  	p2 =	seq.s32 s10, $0x1;
	s10 =	sld [smem:$0x3FAD]  }
0x3d: {  	_ =	shalt  }
0x3e: {  	_ =	shalt  }
0x3f: {  	_ =	shalt  }
0x40: {  	_ =	shalt  }
0x41: {  	_ =	shalt  }
0x42: {  	_ =	shalt  }
0x43: {  	_ =	shalt  }
0x44: {  	_ =	shalt  }
0x45: {  	_ =	shalt  }
0x46: {  	_ =	shalt  }
0x47: {  	_ =	shalt  }
0x48: {  	_ =	shalt  }
0x49: {  	_ =	shalt  }
0x4a: {  	_ =	shalt  }
0x4b: {  	_ =	shalt  }
0x4c: {  	_ =	shalt  }
0x4d: {  	_ =	shalt  }
0x4e: {  	_ =	shalt  }
0x4f: {  	_ =	shalt  }
0x50: {  	_ =	shalt  }
0x51: {  	_ =	shalt  }
0x52: {  	_ =	shalt  }
0x53: {  	_ =	shalt  }
0x54: {  	_ =	shalt  }
0x55: {  	_ =	shalt  }
0x56: {  	_ =	shalt  }
0x57: {  	_ =	shalt  }
0x58: {  	_ =	shalt  }
0x59: {  	_ =	shalt  }
0x5a: {  	_ =	shalt  }
0x5b: {  	_ =	shalt  }
0x5c: {  	_ =	shalt  }
0x5d: {  	_ =	shalt  }
0x5e: {  	_ =	shalt  }
0x5f: {  	_ =	shalt  }
0x60: {  	_ =	shalt  }
0x61: {  	_ =	shalt  }
0x62: {  	_ =	shalt  }
0x63: {  	_ =	shalt  }
0x64: {  	_ =	shalt  }
0x65: {  	_ =	shalt  }
0x66: {  	_ =	shalt  }
0x67: {  	_ =	shalt  }
0x68: {  	_ =	shalt  }
0x69: {  	_ =	shalt  }
0x6a: {  	_ =	shalt  }
0x6b: {  	_ =	shalt  }
0x6c: {  	_ =	shalt  }
0x6d: {  	_ =	shalt  }
0x6e: {  	_ =	shalt  }
0x6f: {  	_ =	shalt  }
0x70: {  	_ =	shalt  }
0x71: {  	_ =	shalt  }
0x72: {  	_ =	shalt  }
0x73: {  	_ =	shalt  }
0x74: {  	_ =	shalt  }
0x75: {  	_ =	shalt  }
0x76: {  	_ =	shalt  }
0x77: {  	_ =	shalt  }
0x78: {  	_ =	shalt  }
0x79: {  	_ =	shalt  }
0x7a: {  	_ =	shalt  }
0x7b: {  	_ =	shalt  }
0x7c: {  	_ =	shalt  }
0x7d: {  	_ =	shalt  }
0x7e: {  	_ =	shalt  }
0x7f: {  	_ =	shalt  }
0x80: {  	_ =	shalt  }
0x81: {  	_ =	shalt  }
0x82: {  	_ =	shalt  }
0x83: {  	_ =	shalt  }
0x84: {  	_ =	shalt  }
0x85: {  	_ =	shalt  }
0x86: {  	_ =	shalt  }
0x87: {  	_ =	shalt  }
.Lfunc_end0:
.L_simem_size_0:
called_computation.2_lowered:
.L_overlay_start_0:
0x88: {  	s2 =	sld [smem:$0x3FD9]  }
0x89: {  	s3 =	sld [smem:$0x3FFE];
	_ =	sdelay $0x1  }
0x8a: {  	s1 =	srdreg.scid  }
0x8b: {  	s0 =	sand.u32 $0x1, s1  }
0x8c: {  	s17 =	sshll.u32 s0, $0xA;
	s2 =	sadd.s32 s3, s2  }
0x8d: {  	s2 =	sadd.s32 s2, s17  }
0x8e: {  	[smem:$0x3FB9] =	sst s2  }
0x8f: {  	_ = 	snop  }
0x90: {  	s18 =	sld [smem:$0x3FC5];
	(tm) =	ssettm $0x1  }
0x91: {  	s19 =	sld [smem:$0x3FFB];
	_ =	sdelay $0x3  }
0x92: {  	_ =	strace s19  }
0x93: {  	s2 =	sld [smem:$0x3FFC];
	_ =	sdelay $0x3  }
0x94: {  	_ =	strace s2  }
0x95: {  	s2 =	sld [smem:$0x3FFD];
	_ =	sdelay $0x3  }
0x96: {  	_ =	strace s2  }
0x97: {  	_ =	strace $0x8FFFFFFF  }
0x98: {  	s20 =	sld [smem:$0x3FDB];
	_ =	sdelay $0x1  }
0x99: {  	s4 =	simm.s32 $_scs_section_size  }
0x9a: {  	s5 =	simm.s32 $_size__tile_overlayer_lowered;
	s6 =	simm.s32 $_tile_overlayer_lowered  }
0x9b: {  	s7 =	simm.s32 $0x1BFF;
	s21 =	sshll.u32 s6, $0x1;
	s4 =	sadd.s32 s4, s20  }
0x9c: {  	s22 =	simm.s32 $0x0;
	s5 =	sshll.u32 s5, $0x1;
	s6 =	sadd.s32 s21, s4  }
0x9d: {  	[timem:s22], [sflag:s7] =	dma.local [hbm:s6], s5  }
0x9e: {  	_ =	swait.ge [sflag:s7], s5  }
0x9f: {  	s5 =	ssub.s32 $0x0, s5;
	[sflag:s7] =	ssyncset.done $0x0  }
0xa0: {  	[sflag:s7] =	ssyncadd.s32 s5;
	_ =	sdelay $0x1  }
0xa1: {  	s23 =	simm.s32 $0x1B8B  }
0xa2: {  	_ =	swait.ge [sflag:s23], $0x1  }
0xa3: {  	[sflag:s23] =	ssyncset.done $0x0  }
0xa4: {  	[sflag:s23] =	ssyncadd.s32 $0xFFFFFFFF  }
0xa5: {  	s5 =	sld [smem:$0x0]  }
0xa6: {  	s6 =	sand.u32 $0xFFFFFFFE, s1  }
0xa7: {  	p0 =	sne.s32 s1, s6  }
0xa8: {  	s6 =	sshll.u32 @p0 s6, $0xE  }
0xa9: {  	s6 =	sadd.s32 @p0 $0x11B8D, s6;
	s7 =	sshll.u32 @p0 s5, $0x11  }
0xaa: {  	s6 =	sor.u32 @p0 s7, s6  }
0xab: {  	[sflag:s6] =	ssyncadd.remote.s32 @p0 $0x1;
	_ =	sdelay $0x1  }
0xac: {  	s6 =	simm.s32 @p0 $0x1B8D  }
0xad: {  	_ =	swait.eq @p0 [sflag:s6], $0x1  }
0xae: {  	[sflag:s6] =	ssyncadd.s32 @p0 $0xFFFFFFFF  }
0xaf: {  	s7 =	sshll.u32 @!p0 s1, $0xE  }
0xb0: {  	s7 =	sor.u32 @!p0 $0x4000, s7;
	s6 =	simm.s32 @!p0 $0x1B8D  }
0xb1: {  	s5 =	sshll.u32 @!p0 s5, $0x11;
	s7 =	sadd.s32 @!p0 $0x11B8D, s7;
	_ =	swait.eq @!p0 [sflag:s6], $0x1  }
0xb2: {  	s5 =	sor.u32 @!p0 s5, s7;
	[sflag:s6] =	ssyncadd.s32 @!p0 $0xFFFFFFFF  }
0xb3: {  	s25 =	simm.s32 $0x1B8E;
	s24 =	sld [smem:$0x3FFE];
	[sflag:s5] =	ssyncadd.remote.s32 @!p0 $0x1  }
0xb4: {  	s26 =	simm.s32 $execute0_lowered;
	[smem:$0x3FD2] =	sst s25  }
0xb5: {  	s6 =	sshll.u32 s26, $0x1;
	_ =	strace $0x8000004F;
	[dreg:$0x1] =	wrdreg $0xFFFFFFFF  }
0xb6: {  	s28 =	simm.s32 $_size_execute0_lowered;
	s4 =	sadd.s32 s4, s6;
	[dreg:$0x0] =	wrdreg $0x0  }
0xb7: {  	s6 =	sshll.u32 s28, $0x1;
	[dreg:$0x2] =	wrdreg s4  }
0xb8: {  	[dreg:$0x3] =	wrdreg s6  }
0xb9: {  	[dreg:$0x4] =	wrdreg $0xC0  }
0xba: {  	_ =	task [dreg:s22], $0x5FFFF  }
0xbb: {  	[dreg:$0x1] =	wrdreg $0xFFFFFFFF  }
0xbc: {  	[dreg:$0x0] =	wrdreg $0x60  }
0xbd: {  	[dreg:$0x2] =	wrdreg s18  }
0xbe: {  	[dreg:$0x3] =	wrdreg s24  }
0xbf: {  	[dreg:$0x4] =	wrdreg $0xA  }
0xc0: {  	_ =	task.clear_ibuf [dreg:s22], $0x5FFFF;
	_ =	strace $0x9000004F  }
0xc1: {  	s29 =	simm.s32 $0xA;
	_ =	strace $0x80000051  }
0xc2: {  	_ =	swait.ge [sflag:s29], $0x1  }
0xc3: {  	[sflag:s29] =	ssyncadd.s32 $0xFFFFFFFF  }
0xc4: {  	_ =	strace $0x90000051  }
0xc5: {  	_ =	sfence  }
0xc6: {  	s30 =	sld [smem:$0x0];
	_ =	sdelay $0x2  }
0xc7: {  	s31 =	sshll.u32 s1, $0xD;
	s1 =	sshrl.u32 s1, $0x2  }
0xc8: {  	s4 =	sand.u32 $0x4000, s31;
	s1 =	sadd.s32 s1, s30  }
0xc9: {  	s0 =	sor.u32 s4, s0;
	s1 =	sshll.u32 s1, $0x11  }
0xca: {  	s0 =	sor.u32 s1, s0  }
0xcb: {  	s0 =	sadd.s32 $0x8F2B, s0  }
0xcc: {  	[sflag:s0] =	ssyncadd.remote.s32 $0x1  }
0xcd: {  	_ =	sfence.sel $0xFFFF  }
0xce: {  	[dreg:$0x0] =	wrdreg $0xFFFFFFFF;
	(pc) =	sbr.abs _section_cstart, $3  }
0xcf: {  	[dreg:$0x1] =	wrdreg $0xFFFFFFFF  }
0xd0: {  	_ =	task.clear_ibuf [dreg:s22], $0x2FFFF;
	_ =	strace $0x9FFFFFFF  }
0xd1: {  	(tm) =	ssettm $0x7FFFFFFF  }
tec
execute0_lowered:
.L_overlay_start_1:
0x0: {  	(tag) =	ssettag $0x1  }
0x1: {  	s1 =	rddreg [dreg:$0x0]  }
0x2: {  	s4 =	rddreg [dreg:$0x1]  }
0x3: {  	s0 =	rddreg [dreg:$0x2];
	s3 =	simm.s32 $0x0  }
0x4: {  	s5 =	srdreg.scid;
	s2 =	stileid.u32;
	s11 =	simm.s32 $0x0  }
0x5: {  	[smem:$0x7FF] =	sst s3;
	s5 =	sand.u32 $0x1, s5;
	s6 =	sshll.u32 s2, $0xA  }
0x6: {  	s8 =	smul.u32 $0x1E000, s2;
	_ =	strace $0x80000050;
	s7 =	sshll.u32 s5, $0x9  }
0x7: {  	s9 =	ssub.s32 $0x2, s5;
	s10 =	smul.u32 $0xF000, s5;
	s6 =	sor.u32 s7, s6  }
0x8: {  	s29 =	sshrl.u32 s9, $0x1;
	s31 =	sadd.s32 s8, s4;
	s8 =	simm.s32 $0x80  }
0x9: {  	s30 =	sadd.s32 s6, s4;
	s7 =	ssub.s32 s9, s29;
	s6 =	sadd.s32 s10, s31  }
0xa: {  	s9 =	simm.s32 $0x1000;
	s10 =	simm.s32 $0x1;
	s4 =	sadd.s32 $0x2DCE00, s30  }
0xb: {  	s5 =	smax.u32 s7, $0x1;
	s6 =	sadd.s32 $0x2E0E00, s6;
	s7 =	simm.s32 $0x2  }
.LBB2_1:
0xc: {  	[tilespmem:s3], [sflag:$0x2] =	stream.linear.gather [hbm4b:s4+s3], $0xF00, $0x38;
	[tilespmem:$0x5000] =	vst v63  }
0xd: {  	_ =	swait.ge [sflag:s7], $0xF00  }
0xe: {  	[sflag:s7] =	ssyncset.done $0x0  }
0xf: {  	s12 =	simm.s32 $0x0;
	[sflag:s7] =	ssyncadd.s32 $0xFFFFF100  }
0x10: {  	[tilespmem:s9], [sflag:$0x1] =	stream.indirect.gather [hbm4b:s1+s8], $0x80, s12, s8, $0xb8;
	[tilespmem:$0x5000] =	vst v63  }
0x11: {  	_ =	swait.ge [sflag:s10], $0x4000  }
0x12: {  	[sflag:s10] =	ssyncset.done $0x0  }
0x13: {  	[sflag:s10] =	ssyncadd.s32 $0xFFFFC000  }
0x14: {  	[hbm4b:s6+s3] =	stream.linear.scatter [tilespmem:s9], [sflag:$0x2], $0x4000, $0x38;
	[tilespmem:$0x5000] =	vst v63  }
0x15: {  	s13 =	simm.s32 $0x200;
	_ =	swait.ge [sflag:s7], $0x4000  }
0x16: {  	s14 =	simm.s32 $0x400;
	s12 =	sadd.s32 $0x800, s6;
	[sflag:s7] =	ssyncset.done $0x0  }
.LBB2_2:
0x17: {  	s15 =	sshra.s32 s13, $0x2  }
0x18: {  	[sflag:s7] =	ssyncadd.s32 $0xFFFFC000;
	s13 =	smov.u32 s14;
	s16 =	sadd.s32 $0x200, s14  }
0x19: {  	[tilespmem:s9], [sflag:$0x1] =	stream.indirect.gather [hbm4b:s1+s8], $0x80, s15, s8, $0xb8;
	[tilespmem:$0x5000] =	vst v63  }
0x1a: {  	p0 =	sne.s32 s14, $0x3A00;
	_ =	swait.ge [sflag:s10], $0x4000  }
.Ltmp0:
0x1b: {  	[sflag:s10] =	ssyncset.done $0x0;
	(pc) =	sbr.rel @p0 .LBB2_2-.Ltmp0, $4  }
0x1c: {  	[sflag:s10] =	ssyncadd.s32 $0xFFFFC000  }
0x1d: {  	[hbm4b:s12+s3] =	stream.linear.scatter [tilespmem:s9], [sflag:$0x2], $0x4000, $0x38;
	[tilespmem:$0x5000] =	vst v63  }
0x1e: {  	_ =	swait.ge [sflag:s7], $0x4000  }
0x1f: {  	s14 =	smov.u32 s16;
	s12 =	sadd.s32 $0x800, s12;
	[sflag:s7] =	ssyncset.done $0x0  }
0x20: {  	s13 =	sshra.s32 s13, $0x2;
	[sflag:s7] =	ssyncadd.s32 $0xFFFFC000  }
0x21: {  	[tilespmem:s9], [sflag:$0x1] =	stream.indirect.gather [hbm4b:s1+s8], $0x80, s13, s8, $0xb8;
	[tilespmem:$0x5000] =	vst v63  }
0x22: {  	s11 =	sadd.s32 $0x1, s11;
	_ =	swait.ge [sflag:s10], $0x4000  }
0x23: {  	p0 =	sne.s32 s11, s5;
	[sflag:s10] =	ssyncset.done $0x0  }
.Ltmp1:
0x24: {  	[sflag:s10] =	ssyncadd.s32 $0xFFFFC000;
	(pc) =	sbr.rel @p0 .LBB2_1-.Ltmp1, $4  }
0x25: {  	[hbm4b:s12+s3] =	stream.linear.scatter [tilespmem:s9], [sflag:$0x2], $0x4000, $0x38;
	[tilespmem:$0x5000] =	vst v63  }
0x26: {  	_ =	swait.ge [sflag:s7], $0x4000  }
0x27: {  	[sflag:s7] =	ssyncset.done $0x0  }
0x28: {  	[sflag:s7] =	ssyncadd.s32 $0xFFFFC000  }
0x29: {  	_ =	sfence.sel $0x180000  }
0x2a: {  	[bflag:$0x0] =	sbarrier.arrive $0xFFFF  }
0x2b: {  	p0 =	sne.s32 s2, $0x0;
	_ =	strace $0x90000050  }
0x2c: {  	s0 =	sadd.s32 @!p0 $0x100000, s0;
	[bflag:$0x2] =	sbarrier.arrive $0xFFFF  }
0x2d: {  	[sflag:s0] =	ssyncadd.tile.s32 @!p0 $0x1;
	_ =	shalt  }
.Lfunc_end2:
_tile_overlayer_lowered:
.L_overlay_start_2:
0x2e: {  	(tag) =	ssettag $0x2  }
0x2f: {  	s0 =	rddreg [dreg:$0x0];
	s2 =	stileid.u32  }
0x30: {  	s1 =	rddreg [dreg:$0x1];
	p0 =	sne.s32 s2, $0x0  }
0x31: {  	s3 =	rddreg [dreg:$0x2];
	[bflag:$0x3] =	sbarrier.arrive $0xFFFF;
	s2 =	simm.s32 @!p0 $0x1C02  }
0x32: {  	[timem:s3], [sflag:s2] =	dma.local @!p0 [hbm:s0], s1  }
0x33: {  	s0 =	simm.s32 @!p0 $0x2  }
0x34: {  	_ =	swait.ge @!p0 [sflag:s0], s1  }
0x35: {  	s1 =	ssub.s32 @!p0 $0x0, s1;
	[sflag:s0] =	ssyncset.done @!p0 $0x0  }
0x36: {  	[sflag:s0] =	ssyncadd.s32 @!p0 s1  }
0x37: {  	[bflag:$0x3] =	sbarrier.arrive $0xFFFF  }
0x38: {  	_ =	shalt  }

// kernel: kernel.18.cloned.1.call-start
scs
__scs_entry_jumppad:
0x0: {  	(pc) =	sbr.rel $0x88, $3  }
0x1: {  	(tag) =	ssettag $0x0;
	lr =	simm.s32 $0x1  }
0x2: {  	[smem:$0x3F92] =	sst lr;
	_ =	strace $0xD0000000  }
0x3: {  	_ = 	snop  }
0x4: {  	_ = 	snop  }
0x5: {  	_ = 	snop  }
0x6: {  	_ = 	snop  }
0x7: {  	_ = 	snop  }
__scs_overlays_trampoline_lowered:
0x8: {  	[smem:$0x3FA1] =	sst s0  }
0x9: {  	[smem:$0x3FA2] =	sst s1  }
0xa: {  	[smem:$0x3FA3] =	sst s2  }
0xb: {  	[smem:$0x3FA4] =	sst s3  }
0xc: {  	[smem:$0x3FA5] =	sst s4  }
0xd: {  	[smem:$0x3FA6] =	sst s5  }
0xe: {  	[smem:$0x3FA7] =	sst s6  }
0xf: {  	[smem:$0x3FA8] =	sst s7  }
0x10: {  	[smem:$0x3FA9] =	sst s8  }
0x11: {  	[smem:$0x3FAA] =	sst s9;
	s0 =	simm.s32 @!p0 $0x0  }
0x12: {  	s1 =	sld [smem:$0x3F90];
	s0 =	simm.s32 @p0 $0x1  }
0x13: {  	[smem:$0x3FAB] =	sst s0;
	s0 =	simm.s32 @!p1 $0x0  }
0x14: {  	s2 =	sld [smem:$0x3F8F];
	s0 =	simm.s32 @p1 $0x1  }
0x15: {  	[smem:$0x3FAC] =	sst s0;
	s0 =	simm.s32 @!p2 $0x0  }
0x16: {  	s3 =	sld [smem:$0x3FDB];
	s0 =	simm.s32 @p2 $0x1  }
0x17: {  	s4 =	simm.s32 $0x1BF5;
	[smem:$0x3FAE] =	sst s0  }
0x18: {  	s0 =	sld [smem:$0x3F91];
	_ =	swait.ge [sflag:s4], $0x0  }
0x19: {  	s7 =	sld [smem:$0x3F92]  }
0x1a: {  	s8 =	sadd.s32 $0xFFFFE003, lr  }
0x1b: {  	s9 =	sadd.s32 $0xFFFFFEF7, lr;
	s5 =	simm.s32 $0xFFFFFFFF;
	p2 =	slt.u32 s8, $0xFFFFF086  }
0x1c: {  	p1 =	slt.u32 s9, $0xF7A;
	s5 =	simm.s32 @!p2 $0x0  }
0x1d: {  	s5 =	simm.s32 @p1 $0x1;
	p0 =	seq.s32 s7, s2  }
0x1e: {  	s7 =	smul.u32 @!p0 $0xF7A, s2;
	p2 =	seq.s32 @!p0 s5, $0x0  }
0x1f: {  	s9 =	smul.u32 $0xF7A, s1;
	s8 =	simm.s32 @!p0 $0x1BF5;
	p2 =	por !p2, p0  }
0x20: {  	[sflag:s8] =	ssyncset.s32 @!p0 $0xFFFFF086;
	s6 =	sadd.s32 @!p0 s3, s7;
	s7 =	simm.s32 @!p0 $0x108  }
0x21: {  	s3 =	sadd.s32 s3, s9;
	s6 =	sadd.s32 @!p0 $0x88, s6;
	s7 =	simm.s32 @p2 $0x1082  }
0x22: {  	[simem:s7], [sflag:s8] =	dma.local @!p0 [hbm:s6], $0xF7A  }
0x23: {  	s9 =	sor.u32 $0xD0000000, s2;
	s6 =	simm.s32 $0x108;
	_ =	swait.ge @!p0 [sflag:s8], $0x0  }
0x24: {  	s3 =	sadd.s32 $0x88, s3;
	s6 =	simm.s32 @!p1 $0x1082;
	[sflag:s4] =	ssyncset.s32 $0xFFFFF086  }
0x25: {  	[simem:s6], [sflag:s4] =	dma.local [hbm:s3], $0xF7A  }
0x26: {  	[smem:$0x3F92] =	sst s1;
	(tag) =	ssettag s2;
	_ =	strace s9  }
0x27: {  	s1 =	sld [smem:$0x3FA2]  }
0x28: {  	s2 =	sld [smem:$0x3FA3]  }
0x29: {  	s4 =	sld [smem:$0x3FA5]  }
0x2a: {  	p0 =	seq.s32 s5, $0x0;
	s5 =	sld [smem:$0x3FA6]  }
0x2b: {  	s6 =	sld [smem:$0x3FA7]  }
0x2c: {  	s7 =	sld [smem:$0x3FA8]  }
0x2d: {  	s3 =	simm.s32 $0x108;
	s8 =	sld [smem:$0x3FA9]  }
0x2e: {  	s3 =	simm.s32 @!p0 $0x1082;
	s9 =	sld [smem:$0x3FAA]  }
0x2f: {  	lr =	sadd.s32 s0, s3;
	s0 =	sld [smem:$0x3FA1]  }
0x30: {  	s3 =	sld [smem:$0x3FA4]  }
0x31: {  	[smem:$0x3FAD] =	sst s10  }
0x32: {  	s10 =	sld [smem:$0x3FAB];
	_ =	sdelay $0x3  }
0x33: {  	p0 =	seq.s32 s10, $0x1;
	s10 =	sld [smem:$0x3FAD];
	_ =	sdelay $0x3  }
0x34: {  	[smem:$0x3FAD] =	sst s10  }
0x35: {  	s10 =	sld [smem:$0x3FAC];
	_ =	sdelay $0x3  }
0x36: {  	p1 =	seq.s32 s10, $0x1;
	s10 =	sld [smem:$0x3FAD];
	_ =	sdelay $0x3  }
0x37: {  	[smem:$0x3FAD] =	sst s10  }
0x38: {  	s10 =	sld [smem:$0x3FAE]  }
0x39: {  	_ = 	snop;
	(pc) =	sbr.ind lr, $3  }
0x3a: {  	_ = 	snop  }
0x3b: {  	_ = 	snop  }
0x3c: {  	p2 =	seq.s32 s10, $0x1;
	s10 =	sld [smem:$0x3FAD]  }
0x3d: {  	_ =	shalt  }
0x3e: {  	_ =	shalt  }
0x3f: {  	_ =	shalt  }
0x40: {  	_ =	shalt  }
0x41: {  	_ =	shalt  }
0x42: {  	_ =	shalt  }
0x43: {  	_ =	shalt  }
0x44: {  	_ =	shalt  }
0x45: {  	_ =	shalt  }
0x46: {  	_ =	shalt  }
0x47: {  	_ =	shalt  }
0x48: {  	_ =	shalt  }
0x49: {  	_ =	shalt  }
0x4a: {  	_ =	shalt  }
0x4b: {  	_ =	shalt  }
0x4c: {  	_ =	shalt  }
0x4d: {  	_ =	shalt  }
0x4e: {  	_ =	shalt  }
0x4f: {  	_ =	shalt  }
0x50: {  	_ =	shalt  }
0x51: {  	_ =	shalt  }
0x52: {  	_ =	shalt  }
0x53: {  	_ =	shalt  }
0x54: {  	_ =	shalt  }
0x55: {  	_ =	shalt  }
0x56: {  	_ =	shalt  }
0x57: {  	_ =	shalt  }
0x58: {  	_ =	shalt  }
0x59: {  	_ =	shalt  }
0x5a: {  	_ =	shalt  }
0x5b: {  	_ =	shalt  }
0x5c: {  	_ =	shalt  }
0x5d: {  	_ =	shalt  }
0x5e: {  	_ =	shalt  }
0x5f: {  	_ =	shalt  }
0x60: {  	_ =	shalt  }
0x61: {  	_ =	shalt  }
0x62: {  	_ =	shalt  }
0x63: {  	_ =	shalt  }
0x64: {  	_ =	shalt  }
0x65: {  	_ =	shalt  }
0x66: {  	_ =	shalt  }
0x67: {  	_ =	shalt  }
0x68: {  	_ =	shalt  }
0x69: {  	_ =	shalt  }
0x6a: {  	_ =	shalt  }
0x6b: {  	_ =	shalt  }
0x6c: {  	_ =	shalt  }
0x6d: {  	_ =	shalt  }
0x6e: {  	_ =	shalt  }
0x6f: {  	_ =	shalt  }
0x70: {  	_ =	shalt  }
0x71: {  	_ =	shalt  }
0x72: {  	_ =	shalt  }
0x73: {  	_ =	shalt  }
0x74: {  	_ =	shalt  }
0x75: {  	_ =	shalt  }
0x76: {  	_ =	shalt  }
0x77: {  	_ =	shalt  }
0x78: {  	_ =	shalt  }
0x79: {  	_ =	shalt  }
0x7a: {  	_ =	shalt  }
0x7b: {  	_ =	shalt  }
0x7c: {  	_ =	shalt  }
0x7d: {  	_ =	shalt  }
0x7e: {  	_ =	shalt  }
0x7f: {  	_ =	shalt  }
0x80: {  	_ =	shalt  }
0x81: {  	_ =	shalt  }
0x82: {  	_ =	shalt  }
0x83: {  	_ =	shalt  }
0x84: {  	_ =	shalt  }
0x85: {  	_ =	shalt  }
0x86: {  	_ =	shalt  }
0x87: {  	_ =	shalt  }
.Lfunc_end0:
.L_simem_size_0:
called_computation.3_lowered:
.L_overlay_start_0:
0x88: {  	s2 =	sld [smem:$0x3FD9]  }
0x89: {  	s3 =	sld [smem:$0x3FFE];
	_ =	sdelay $0x1  }
0x8a: {  	s1 =	srdreg.scid  }
0x8b: {  	s0 =	sand.u32 $0x1, s1  }
0x8c: {  	s17 =	sshll.u32 s0, $0xA;
	s2 =	sadd.s32 s3, s2  }
0x8d: {  	s2 =	sadd.s32 s2, s17  }
0x8e: {  	[smem:$0x3FB9] =	sst s2  }
0x8f: {  	_ = 	snop  }
0x90: {  	s18 =	sld [smem:$0x3FC5];
	(tm) =	ssettm $0x1  }
0x91: {  	s19 =	sld [smem:$0x3FFB];
	_ =	sdelay $0x3  }
0x92: {  	_ =	strace s19  }
0x93: {  	s2 =	sld [smem:$0x3FFC];
	_ =	sdelay $0x3  }
0x94: {  	_ =	strace s2  }
0x95: {  	s2 =	sld [smem:$0x3FFD];
	_ =	sdelay $0x3  }
0x96: {  	_ =	strace s2  }
0x97: {  	_ =	strace $0x8FFFFFFF  }
0x98: {  	s20 =	sld [smem:$0x3FDB];
	_ =	sdelay $0x1  }
0x99: {  	s4 =	simm.s32 $_scs_section_size  }
0x9a: {  	s5 =	simm.s32 $_size__tile_overlayer_lowered;
	s6 =	simm.s32 $_tile_overlayer_lowered  }
0x9b: {  	s7 =	simm.s32 $0x1BFF;
	s21 =	sshll.u32 s6, $0x1;
	s4 =	sadd.s32 s4, s20  }
0x9c: {  	s22 =	simm.s32 $0x0;
	s5 =	sshll.u32 s5, $0x1;
	s6 =	sadd.s32 s21, s4  }
0x9d: {  	[timem:s22], [sflag:s7] =	dma.local [hbm:s6], s5  }
0x9e: {  	_ =	swait.ge [sflag:s7], s5  }
0x9f: {  	s5 =	ssub.s32 $0x0, s5;
	[sflag:s7] =	ssyncset.done $0x0  }
0xa0: {  	[sflag:s7] =	ssyncadd.s32 s5;
	_ =	sdelay $0x1  }
0xa1: {  	s23 =	simm.s32 $0x1B8B  }
0xa2: {  	_ =	swait.ge [sflag:s23], $0x1  }
0xa3: {  	[sflag:s23] =	ssyncset.done $0x0  }
0xa4: {  	[sflag:s23] =	ssyncadd.s32 $0xFFFFFFFF  }
0xa5: {  	s5 =	sld [smem:$0x0]  }
0xa6: {  	s6 =	sand.u32 $0xFFFFFFFE, s1  }
0xa7: {  	p0 =	sne.s32 s1, s6  }
0xa8: {  	s6 =	sshll.u32 @p0 s6, $0xE  }
0xa9: {  	s6 =	sadd.s32 @p0 $0x11B8D, s6;
	s7 =	sshll.u32 @p0 s5, $0x11  }
0xaa: {  	s6 =	sor.u32 @p0 s7, s6  }
0xab: {  	[sflag:s6] =	ssyncadd.remote.s32 @p0 $0x1;
	_ =	sdelay $0x1  }
0xac: {  	s6 =	simm.s32 @p0 $0x1B8D  }
0xad: {  	_ =	swait.eq @p0 [sflag:s6], $0x1  }
0xae: {  	[sflag:s6] =	ssyncadd.s32 @p0 $0xFFFFFFFF  }
0xaf: {  	s7 =	sshll.u32 @!p0 s1, $0xE  }
0xb0: {  	s7 =	sor.u32 @!p0 $0x4000, s7;
	s6 =	simm.s32 @!p0 $0x1B8D  }
0xb1: {  	s5 =	sshll.u32 @!p0 s5, $0x11;
	s7 =	sadd.s32 @!p0 $0x11B8D, s7;
	_ =	swait.eq @!p0 [sflag:s6], $0x1  }
0xb2: {  	s5 =	sor.u32 @!p0 s5, s7;
	[sflag:s6] =	ssyncadd.s32 @!p0 $0xFFFFFFFF  }
0xb3: {  	s25 =	simm.s32 $0x1B8E;
	s24 =	sld [smem:$0x3FFE];
	[sflag:s5] =	ssyncadd.remote.s32 @!p0 $0x1  }
0xb4: {  	s26 =	simm.s32 $execute0_lowered;
	[smem:$0x3FD2] =	sst s25  }
0xb5: {  	s6 =	sshll.u32 s26, $0x1;
	_ =	strace $0x8000004C;
	[dreg:$0x1] =	wrdreg $0xFFFFFFFF  }
0xb6: {  	s28 =	simm.s32 $_size_execute0_lowered;
	s4 =	sadd.s32 s4, s6;
	[dreg:$0x0] =	wrdreg $0x0  }
0xb7: {  	s6 =	sshll.u32 s28, $0x1;
	[dreg:$0x2] =	wrdreg s4  }
0xb8: {  	[dreg:$0x3] =	wrdreg s6  }
0xb9: {  	[dreg:$0x4] =	wrdreg $0xC0  }
0xba: {  	_ =	task [dreg:s22], $0x5FFFF  }
0xbb: {  	[dreg:$0x1] =	wrdreg $0xFFFFFFFF  }
0xbc: {  	[dreg:$0x0] =	wrdreg $0x60  }
0xbd: {  	[dreg:$0x2] =	wrdreg s18  }
0xbe: {  	[dreg:$0x3] =	wrdreg s24  }
0xbf: {  	[dreg:$0x4] =	wrdreg $0xB  }
0xc0: {  	_ =	task.clear_ibuf [dreg:s22], $0x5FFFF;
	_ =	strace $0x9000004C  }
0xc1: {  	s29 =	simm.s32 $0xB;
	_ =	strace $0x8000004E  }
0xc2: {  	_ =	swait.ge [sflag:s29], $0x1  }
0xc3: {  	[sflag:s29] =	ssyncadd.s32 $0xFFFFFFFF  }
0xc4: {  	_ =	strace $0x9000004E  }
0xc5: {  	_ =	sfence  }
0xc6: {  	s30 =	sld [smem:$0x0];
	_ =	sdelay $0x2  }
0xc7: {  	s31 =	sshll.u32 s1, $0xD;
	s1 =	sshrl.u32 s1, $0x2  }
0xc8: {  	s4 =	sand.u32 $0x4000, s31;
	s1 =	sadd.s32 s1, s30  }
0xc9: {  	s0 =	sor.u32 s4, s0;
	s1 =	sshll.u32 s1, $0x11  }
0xca: {  	s0 =	sor.u32 s1, s0  }
0xcb: {  	s0 =	sadd.s32 $0x8F2B, s0  }
0xcc: {  	[sflag:s0] =	ssyncadd.remote.s32 $0x1  }
0xcd: {  	_ =	sfence.sel $0xFFFF  }
0xce: {  	[dreg:$0x0] =	wrdreg $0xFFFFFFFF;
	(pc) =	sbr.abs _section_cstart, $3  }
0xcf: {  	[dreg:$0x1] =	wrdreg $0xFFFFFFFF  }
0xd0: {  	_ =	task.clear_ibuf [dreg:s22], $0x2FFFF;
	_ =	strace $0x9FFFFFFF  }
0xd1: {  	(tm) =	ssettm $0x7FFFFFFF  }
tec
execute0_lowered:
.L_overlay_start_1:
0x0: {  	(tag) =	ssettag $0x1  }
0x1: {  	s1 =	rddreg [dreg:$0x0]  }
0x2: {  	s4 =	rddreg [dreg:$0x1]  }
0x3: {  	s0 =	rddreg [dreg:$0x2];
	s3 =	simm.s32 $0x0  }
0x4: {  	s5 =	srdreg.scid;
	s2 =	stileid.u32;
	s11 =	simm.s32 $0x0  }
0x5: {  	[smem:$0x7FF] =	sst s3;
	s5 =	sand.u32 $0x1, s5;
	s6 =	sshll.u32 s2, $0xA  }
0x6: {  	s8 =	smul.u32 $0x1E000, s2;
	_ =	strace $0x8000004D;
	s7 =	sshll.u32 s5, $0x9  }
0x7: {  	s9 =	ssub.s32 $0x2, s5;
	s10 =	smul.u32 $0xF000, s5;
	s6 =	sor.u32 s7, s6  }
0x8: {  	s29 =	sshrl.u32 s9, $0x1;
	s31 =	sadd.s32 s8, s4;
	s8 =	simm.s32 $0x80  }
0x9: {  	s30 =	sadd.s32 s6, s4;
	s7 =	ssub.s32 s9, s29;
	s6 =	sadd.s32 s10, s31  }
0xa: {  	s9 =	simm.s32 $0x1000;
	s10 =	simm.s32 $0x1;
	s4 =	sadd.s32 $0xF8E00, s30  }
0xb: {  	s5 =	smax.u32 s7, $0x1;
	s6 =	sadd.s32 $0xFCE00, s6;
	s7 =	simm.s32 $0x2  }
.LBB2_1:
0xc: {  	[tilespmem:s3], [sflag:$0x2] =	stream.linear.gather [hbm4b:s4+s3], $0xF00, $0x38;
	[tilespmem:$0x5000] =	vst v63  }
0xd: {  	_ =	swait.ge [sflag:s7], $0xF00  }
0xe: {  	[sflag:s7] =	ssyncset.done $0x0  }
0xf: {  	s12 =	simm.s32 $0x0;
	[sflag:s7] =	ssyncadd.s32 $0xFFFFF100  }
0x10: {  	[tilespmem:s9], [sflag:$0x1] =	stream.indirect.gather [hbm4b:s1+s8], $0x80, s12, s8, $0xb8;
	[tilespmem:$0x5000] =	vst v63  }
0x11: {  	_ =	swait.ge [sflag:s10], $0x4000  }
0x12: {  	[sflag:s10] =	ssyncset.done $0x0  }
0x13: {  	[sflag:s10] =	ssyncadd.s32 $0xFFFFC000  }
0x14: {  	[hbm4b:s6+s3] =	stream.linear.scatter [tilespmem:s9], [sflag:$0x2], $0x4000, $0x38;
	[tilespmem:$0x5000] =	vst v63  }
0x15: {  	s13 =	simm.s32 $0x200;
	_ =	swait.ge [sflag:s7], $0x4000  }
0x16: {  	s14 =	simm.s32 $0x400;
	s12 =	sadd.s32 $0x800, s6;
	[sflag:s7] =	ssyncset.done $0x0  }
.LBB2_2:
0x17: {  	s15 =	sshra.s32 s13, $0x2  }
0x18: {  	[sflag:s7] =	ssyncadd.s32 $0xFFFFC000;
	s13 =	smov.u32 s14;
	s16 =	sadd.s32 $0x200, s14  }
0x19: {  	[tilespmem:s9], [sflag:$0x1] =	stream.indirect.gather [hbm4b:s1+s8], $0x80, s15, s8, $0xb8;
	[tilespmem:$0x5000] =	vst v63  }
0x1a: {  	p0 =	sne.s32 s14, $0x3A00;
	_ =	swait.ge [sflag:s10], $0x4000  }
.Ltmp0:
0x1b: {  	[sflag:s10] =	ssyncset.done $0x0;
	(pc) =	sbr.rel @p0 .LBB2_2-.Ltmp0, $4  }
0x1c: {  	[sflag:s10] =	ssyncadd.s32 $0xFFFFC000  }
0x1d: {  	[hbm4b:s12+s3] =	stream.linear.scatter [tilespmem:s9], [sflag:$0x2], $0x4000, $0x38;
	[tilespmem:$0x5000] =	vst v63  }
0x1e: {  	_ =	swait.ge [sflag:s7], $0x4000  }
0x1f: {  	s14 =	smov.u32 s16;
	s12 =	sadd.s32 $0x800, s12;
	[sflag:s7] =	ssyncset.done $0x0  }
0x20: {  	s13 =	sshra.s32 s13, $0x2;
	[sflag:s7] =	ssyncadd.s32 $0xFFFFC000  }
0x21: {  	[tilespmem:s9], [sflag:$0x1] =	stream.indirect.gather [hbm4b:s1+s8], $0x80, s13, s8, $0xb8;
	[tilespmem:$0x5000] =	vst v63  }
0x22: {  	s11 =	sadd.s32 $0x1, s11;
	_ =	swait.ge [sflag:s10], $0x4000  }
0x23: {  	p0 =	sne.s32 s11, s5;
	[sflag:s10] =	ssyncset.done $0x0  }
.Ltmp1:
0x24: {  	[sflag:s10] =	ssyncadd.s32 $0xFFFFC000;
	(pc) =	sbr.rel @p0 .LBB2_1-.Ltmp1, $4  }
0x25: {  	[hbm4b:s12+s3] =	stream.linear.scatter [tilespmem:s9], [sflag:$0x2], $0x4000, $0x38;
	[tilespmem:$0x5000] =	vst v63  }
0x26: {  	_ =	swait.ge [sflag:s7], $0x4000  }
0x27: {  	[sflag:s7] =	ssyncset.done $0x0  }
0x28: {  	[sflag:s7] =	ssyncadd.s32 $0xFFFFC000  }
0x29: {  	_ =	sfence.sel $0x180000  }
0x2a: {  	[bflag:$0x0] =	sbarrier.arrive $0xFFFF  }
0x2b: {  	p0 =	sne.s32 s2, $0x0;
	_ =	strace $0x9000004D  }
0x2c: {  	s0 =	sadd.s32 @!p0 $0x100000, s0;
	[bflag:$0x2] =	sbarrier.arrive $0xFFFF  }
0x2d: {  	[sflag:s0] =	ssyncadd.tile.s32 @!p0 $0x1;
	_ =	shalt  }
.Lfunc_end2:
_tile_overlayer_lowered:
.L_overlay_start_2:
0x2e: {  	(tag) =	ssettag $0x2  }
0x2f: {  	s0 =	rddreg [dreg:$0x0];
	s2 =	stileid.u32  }
0x30: {  	s1 =	rddreg [dreg:$0x1];
	p0 =	sne.s32 s2, $0x0  }
0x31: {  	s3 =	rddreg [dreg:$0x2];
	[bflag:$0x3] =	sbarrier.arrive $0xFFFF;
	s2 =	simm.s32 @!p0 $0x1C02  }
0x32: {  	[timem:s3], [sflag:s2] =	dma.local @!p0 [hbm:s0], s1  }
0x33: {  	s0 =	simm.s32 @!p0 $0x2  }
0x34: {  	_ =	swait.ge @!p0 [sflag:s0], s1  }
0x35: {  	s1 =	ssub.s32 @!p0 $0x0, s1;
	[sflag:s0] =	ssyncset.done @!p0 $0x0  }
0x36: {  	[sflag:s0] =	ssyncadd.s32 @!p0 s1  }
0x37: {  	[bflag:$0x3] =	sbarrier.arrive $0xFFFF  }
0x38: {  	_ =	shalt  }

// kernel: kernel.9.cloned.1.call-start
scs
__scs_entry_jumppad:
0x0: {  	(pc) =	sbr.rel $0x88, $3  }
0x1: {  	(tag) =	ssettag $0x0;
	lr =	simm.s32 $0x1  }
0x2: {  	[smem:$0x3F92] =	sst lr;
	_ =	strace $0xD0000000  }
0x3: {  	_ = 	snop  }
0x4: {  	_ = 	snop  }
0x5: {  	_ = 	snop  }
0x6: {  	_ = 	snop  }
0x7: {  	_ = 	snop  }
__scs_overlays_trampoline_lowered:
0x8: {  	[smem:$0x3FA1] =	sst s0  }
0x9: {  	[smem:$0x3FA2] =	sst s1  }
0xa: {  	[smem:$0x3FA3] =	sst s2  }
0xb: {  	[smem:$0x3FA4] =	sst s3  }
0xc: {  	[smem:$0x3FA5] =	sst s4  }
0xd: {  	[smem:$0x3FA6] =	sst s5  }
0xe: {  	[smem:$0x3FA7] =	sst s6  }
0xf: {  	[smem:$0x3FA8] =	sst s7  }
0x10: {  	[smem:$0x3FA9] =	sst s8  }
0x11: {  	[smem:$0x3FAA] =	sst s9;
	s0 =	simm.s32 @!p0 $0x0  }
0x12: {  	s1 =	sld [smem:$0x3F90];
	s0 =	simm.s32 @p0 $0x1  }
0x13: {  	[smem:$0x3FAB] =	sst s0;
	s0 =	simm.s32 @!p1 $0x0  }
0x14: {  	s2 =	sld [smem:$0x3F8F];
	s0 =	simm.s32 @p1 $0x1  }
0x15: {  	[smem:$0x3FAC] =	sst s0;
	s0 =	simm.s32 @!p2 $0x0  }
0x16: {  	s3 =	sld [smem:$0x3FDB];
	s0 =	simm.s32 @p2 $0x1  }
0x17: {  	s4 =	simm.s32 $0x1BF5;
	[smem:$0x3FAE] =	sst s0  }
0x18: {  	s0 =	sld [smem:$0x3F91];
	_ =	swait.ge [sflag:s4], $0x0  }
0x19: {  	s7 =	sld [smem:$0x3F92]  }
0x1a: {  	s8 =	sadd.s32 $0xFFFFE003, lr  }
0x1b: {  	s9 =	sadd.s32 $0xFFFFFEF7, lr;
	s5 =	simm.s32 $0xFFFFFFFF;
	p2 =	slt.u32 s8, $0xFFFFF086  }
0x1c: {  	p1 =	slt.u32 s9, $0xF7A;
	s5 =	simm.s32 @!p2 $0x0  }
0x1d: {  	s5 =	simm.s32 @p1 $0x1;
	p0 =	seq.s32 s7, s2  }
0x1e: {  	s7 =	smul.u32 @!p0 $0xF7A, s2;
	p2 =	seq.s32 @!p0 s5, $0x0  }
0x1f: {  	s9 =	smul.u32 $0xF7A, s1;
	s8 =	simm.s32 @!p0 $0x1BF5;
	p2 =	por !p2, p0  }
0x20: {  	[sflag:s8] =	ssyncset.s32 @!p0 $0xFFFFF086;
	s6 =	sadd.s32 @!p0 s3, s7;
	s7 =	simm.s32 @!p0 $0x108  }
0x21: {  	s3 =	sadd.s32 s3, s9;
	s6 =	sadd.s32 @!p0 $0x88, s6;
	s7 =	simm.s32 @p2 $0x1082  }
0x22: {  	[simem:s7], [sflag:s8] =	dma.local @!p0 [hbm:s6], $0xF7A  }
0x23: {  	s9 =	sor.u32 $0xD0000000, s2;
	s6 =	simm.s32 $0x108;
	_ =	swait.ge @!p0 [sflag:s8], $0x0  }
0x24: {  	s3 =	sadd.s32 $0x88, s3;
	s6 =	simm.s32 @!p1 $0x1082;
	[sflag:s4] =	ssyncset.s32 $0xFFFFF086  }
0x25: {  	[simem:s6], [sflag:s4] =	dma.local [hbm:s3], $0xF7A  }
0x26: {  	[smem:$0x3F92] =	sst s1;
	(tag) =	ssettag s2;
	_ =	strace s9  }
0x27: {  	s1 =	sld [smem:$0x3FA2]  }
0x28: {  	s2 =	sld [smem:$0x3FA3]  }
0x29: {  	s4 =	sld [smem:$0x3FA5]  }
0x2a: {  	p0 =	seq.s32 s5, $0x0;
	s5 =	sld [smem:$0x3FA6]  }
0x2b: {  	s6 =	sld [smem:$0x3FA7]  }
0x2c: {  	s7 =	sld [smem:$0x3FA8]  }
0x2d: {  	s3 =	simm.s32 $0x108;
	s8 =	sld [smem:$0x3FA9]  }
0x2e: {  	s3 =	simm.s32 @!p0 $0x1082;
	s9 =	sld [smem:$0x3FAA]  }
0x2f: {  	lr =	sadd.s32 s0, s3;
	s0 =	sld [smem:$0x3FA1]  }
0x30: {  	s3 =	sld [smem:$0x3FA4]  }
0x31: {  	[smem:$0x3FAD] =	sst s10  }
0x32: {  	s10 =	sld [smem:$0x3FAB];
	_ =	sdelay $0x3  }
0x33: {  	p0 =	seq.s32 s10, $0x1;
	s10 =	sld [smem:$0x3FAD];
	_ =	sdelay $0x3  }
0x34: {  	[smem:$0x3FAD] =	sst s10  }
0x35: {  	s10 =	sld [smem:$0x3FAC];
	_ =	sdelay $0x3  }
0x36: {  	p1 =	seq.s32 s10, $0x1;
	s10 =	sld [smem:$0x3FAD];
	_ =	sdelay $0x3  }
0x37: {  	[smem:$0x3FAD] =	sst s10  }
0x38: {  	s10 =	sld [smem:$0x3FAE]  }
0x39: {  	_ = 	snop;
	(pc) =	sbr.ind lr, $3  }
0x3a: {  	_ = 	snop  }
0x3b: {  	_ = 	snop  }
0x3c: {  	p2 =	seq.s32 s10, $0x1;
	s10 =	sld [smem:$0x3FAD]  }
0x3d: {  	_ =	shalt  }
0x3e: {  	_ =	shalt  }
0x3f: {  	_ =	shalt  }
0x40: {  	_ =	shalt  }
0x41: {  	_ =	shalt  }
0x42: {  	_ =	shalt  }
0x43: {  	_ =	shalt  }
0x44: {  	_ =	shalt  }
0x45: {  	_ =	shalt  }
0x46: {  	_ =	shalt  }
0x47: {  	_ =	shalt  }
0x48: {  	_ =	shalt  }
0x49: {  	_ =	shalt  }
0x4a: {  	_ =	shalt  }
0x4b: {  	_ =	shalt  }
0x4c: {  	_ =	shalt  }
0x4d: {  	_ =	shalt  }
0x4e: {  	_ =	shalt  }
0x4f: {  	_ =	shalt  }
0x50: {  	_ =	shalt  }
0x51: {  	_ =	shalt  }
0x52: {  	_ =	shalt  }
0x53: {  	_ =	shalt  }
0x54: {  	_ =	shalt  }
0x55: {  	_ =	shalt  }
0x56: {  	_ =	shalt  }
0x57: {  	_ =	shalt  }
0x58: {  	_ =	shalt  }
0x59: {  	_ =	shalt  }
0x5a: {  	_ =	shalt  }
0x5b: {  	_ =	shalt  }
0x5c: {  	_ =	shalt  }
0x5d: {  	_ =	shalt  }
0x5e: {  	_ =	shalt  }
0x5f: {  	_ =	shalt  }
0x60: {  	_ =	shalt  }
0x61: {  	_ =	shalt  }
0x62: {  	_ =	shalt  }
0x63: {  	_ =	shalt  }
0x64: {  	_ =	shalt  }
0x65: {  	_ =	shalt  }
0x66: {  	_ =	shalt  }
0x67: {  	_ =	shalt  }
0x68: {  	_ =	shalt  }
0x69: {  	_ =	shalt  }
0x6a: {  	_ =	shalt  }
0x6b: {  	_ =	shalt  }
0x6c: {  	_ =	shalt  }
0x6d: {  	_ =	shalt  }
0x6e: {  	_ =	shalt  }
0x6f: {  	_ =	shalt  }
0x70: {  	_ =	shalt  }
0x71: {  	_ =	shalt  }
0x72: {  	_ =	shalt  }
0x73: {  	_ =	shalt  }
0x74: {  	_ =	shalt  }
0x75: {  	_ =	shalt  }
0x76: {  	_ =	shalt  }
0x77: {  	_ =	shalt  }
0x78: {  	_ =	shalt  }
0x79: {  	_ =	shalt  }
0x7a: {  	_ =	shalt  }
0x7b: {  	_ =	shalt  }
0x7c: {  	_ =	shalt  }
0x7d: {  	_ =	shalt  }
0x7e: {  	_ =	shalt  }
0x7f: {  	_ =	shalt  }
0x80: {  	_ =	shalt  }
0x81: {  	_ =	shalt  }
0x82: {  	_ =	shalt  }
0x83: {  	_ =	shalt  }
0x84: {  	_ =	shalt  }
0x85: {  	_ =	shalt  }
0x86: {  	_ =	shalt  }
0x87: {  	_ =	shalt  }
.Lfunc_end0:
.L_simem_size_0:
called_computation_lowered:
.L_overlay_start_0:
0x88: {  	s2 =	sld [smem:$0x3FD9]  }
0x89: {  	s3 =	sld [smem:$0x3FFE];
	_ =	sdelay $0x1  }
0x8a: {  	s1 =	srdreg.scid  }
0x8b: {  	s0 =	sand.u32 $0x1, s1  }
0x8c: {  	s17 =	sshll.u32 s0, $0xA;
	s2 =	sadd.s32 s3, s2  }
0x8d: {  	s2 =	sadd.s32 s2, s17  }
0x8e: {  	[smem:$0x3FB9] =	sst s2  }
0x8f: {  	_ = 	snop  }
0x90: {  	s2 =	sld [smem:$0x3FD0];
	(tm) =	ssettm $0x1  }
0x91: {  	s18 =	sld [smem:$0x3FFB];
	_ =	sdelay $0x3  }
0x92: {  	_ =	strace s18  }
0x93: {  	s3 =	sld [smem:$0x3FFC];
	_ =	sdelay $0x3  }
0x94: {  	_ =	strace s3  }
0x95: {  	s3 =	sld [smem:$0x3FFD];
	_ =	sdelay $0x3  }
0x96: {  	_ =	strace s3  }
0x97: {  	_ =	strace $0x8FFFFFFF  }
0x98: {  	s19 =	sld [smem:$0x3FDB];
	_ =	sdelay $0x1  }
0x99: {  	s4 =	simm.s32 $_scs_section_size  }
0x9a: {  	s5 =	simm.s32 $_size__tile_overlayer_lowered;
	s6 =	simm.s32 $_tile_overlayer_lowered  }
0x9b: {  	s22 =	simm.s32 $0x1BFF;
	s21 =	sshll.u32 s6, $0x1;
	s3 =	sadd.s32 s4, s19  }
0x9c: {  	s7 =	simm.s32 $0x0;
	s20 =	sshll.u32 s5, $0x1;
	s5 =	sadd.s32 s21, s3  }
0x9d: {  	[timem:s7], [sflag:s22] =	dma.local [hbm:s5], s20  }
0x9e: {  	_ =	swait.ge [sflag:s22], s20  }
0x9f: {  	s4 =	ssub.s32 $0x0, s20;
	[sflag:s22] =	ssyncset.done $0x0  }
0xa0: {  	[sflag:s22] =	ssyncadd.s32 s4;
	_ =	sdelay $0x1  }
0xa1: {  	s23 =	simm.s32 $0x1B8B  }
0xa2: {  	_ =	swait.ge [sflag:s23], $0x1  }
0xa3: {  	[sflag:s23] =	ssyncset.done $0x0  }
0xa4: {  	s25 =	simm.s32 $0x1B8E;
	s24 =	sld [smem:$0x3FFE];
	[sflag:s23] =	ssyncadd.s32 $0xFFFFFFFF  }
0xa5: {  	s26 =	simm.s32 $execute0_lowered;
	[smem:$0x3FD2] =	sst s25  }
0xa6: {  	s5 =	sshll.u32 s26, $0x1;
	_ =	strace $0x80000046;
	[dreg:$0x1] =	wrdreg $0xFFFFFFFF  }
0xa7: {  	s28 =	simm.s32 $_size_execute0_lowered;
	s3 =	sadd.s32 s3, s5;
	[dreg:$0x0] =	wrdreg $0x0  }
0xa8: {  	s5 =	sshll.u32 s28, $0x1;
	[dreg:$0x2] =	wrdreg s3  }
0xa9: {  	[dreg:$0x3] =	wrdreg s5  }
0xaa: {  	[dreg:$0x4] =	wrdreg $0xC0  }
0xab: {  	_ =	task [dreg:s7], $0x5FFFF  }
0xac: {  	[dreg:$0x1] =	wrdreg $0xFFFFFFFF  }
0xad: {  	[dreg:$0x0] =	wrdreg $0x60  }
0xae: {  	[dreg:$0x2] =	wrdreg s24  }
0xaf: {  	[dreg:$0x3] =	wrdreg s2  }
0xb0: {  	[dreg:$0x4] =	wrdreg $0xA  }
0xb1: {  	_ =	task.clear_ibuf [dreg:s7], $0x5FFFF;
	_ =	strace $0x90000046  }
0xb2: {  	s29 =	simm.s32 $0xA;
	_ =	strace $0x80000048  }
0xb3: {  	_ =	swait.ge [sflag:s29], $0x1  }
0xb4: {  	[sflag:s29] =	ssyncadd.s32 $0xFFFFFFFF  }
0xb5: {  	_ =	strace $0x90000048  }
0xb6: {  	_ =	sfence  }
0xb7: {  	s30 =	sld [smem:$0x0];
	_ =	sdelay $0x2  }
0xb8: {  	s31 =	sshll.u32 s1, $0xD;
	s1 =	sshrl.u32 s1, $0x2  }
0xb9: {  	s3 =	sand.u32 $0x4000, s31;
	s1 =	sadd.s32 s1, s30  }
0xba: {  	s0 =	sor.u32 s3, s0;
	s1 =	sshll.u32 s1, $0x11  }
0xbb: {  	s0 =	sor.u32 s1, s0  }
0xbc: {  	s0 =	sadd.s32 $0x8F2B, s0  }
0xbd: {  	[sflag:s0] =	ssyncadd.remote.s32 $0x1  }
0xbe: {  	_ =	sfence.sel $0xFFFF  }
0xbf: {  	[dreg:$0x0] =	wrdreg $0xFFFFFFFF;
	(pc) =	sbr.abs _section_cstart, $3  }
0xc0: {  	[dreg:$0x1] =	wrdreg $0xFFFFFFFF  }
0xc1: {  	_ =	task.clear_ibuf [dreg:s7], $0x2FFFF;
	_ =	strace $0x9FFFFFFF  }
0xc2: {  	(tm) =	ssettm $0x7FFFFFFF  }
0xc3: {  	_ =	shalt  }
tec
execute0_lowered:
.L_overlay_start_1:
0x0: {  	(tag) =	ssettag $0x1  }
0x1: {  	s1 =	srdreg.scid;
	s0 =	stileid.u32  }
0x2: {  	s15 =	sand.u32 $0x1, s1;
	s31 =	sshll.u32 s0, $0x1  }
0x3: {  	s5 =	rddreg [dreg:$0x0];
	s10 =	sor.u32 s15, s31  }
0x4: {  	s11 =	rddreg [dreg:$0x1];
	s3 =	smul.u32 $0x50, s10  }
0x5: {  	s2 =	simm.s32 $0x0;
	s1 =	rddreg [dreg:$0x2]  }
0x6: {  	[smem:$0x7FF] =	sst s2;
	s3 =	sadd.s32 s3, s5  }
0x7: {  	_ =	strace $0x80000047;
	s4 =	sadd.s32 $0x6400, s3;
	s3 =	simm.s32 $0x2  }
0x8: {  	[tilespmem:s2], [sflag:$0x2] =	stream.linear.gather [hbm4b:s4+s2], $0x280, $0x38;
	[tilespmem:$0x1280] =	vst v63  }
0x9: {  	_ =	swait.ge [sflag:s3], $0x280  }
0xa: {  	s6 =	simm.s32 $0x80;
	s7 =	simm.s32 $0x280;
	[sflag:s3] =	ssyncset.done $0x0  }
0xb: {  	s8 =	simm.s32 $0x1;
	s5 =	sadd.s32 $0x18D800, s5;
	[sflag:s3] =	ssyncadd.s32 $0xFFFFFD80  }
0xc: {  	[tilespmem:s7], [sflag:$0x1] =	stream.indirect.gather [hbm4b:s5+s6], $0x20, s2, s6, $0xb8;
	[tilespmem:$0x1280] =	vst v63  }
0xd: {  	s9 =	smul.u32 $0xA00, s10;
	_ =	swait.ge [sflag:s8], $0x1000  }
0xe: {  	[sflag:s8] =	ssyncset.done $0x0  }
0xf: {  	s9 =	sadd.s32 s11, s9;
	[sflag:s8] =	ssyncadd.s32 $0xFFFFF000  }
0x10: {  	[hbm4b:s9+s2] =	stream.linear.scatter [tilespmem:s7], [sflag:$0x2], $0x1000, $0x38;
	[tilespmem:$0x1280] =	vst v63  }
0x11: {  	_ =	swait.ge [sflag:s3], $0x1000  }
0x12: {  	[sflag:s3] =	ssyncset.done $0x0  }
0x13: {  	s10 =	smul.u32 $0x5000, s10;
	[sflag:s3] =	ssyncadd.s32 $0xFFFFF000  }
0x14: {  	[tilespmem:s7], [sflag:$0x1] =	stream.indirect.gather [hbm4b:s5+s6], $0x20, s6, s6, $0xb8;
	[tilespmem:$0x1280] =	vst v63  }
0x15: {  	s10 =	sshrl.u32 s10, $0x3;
	_ =	swait.ge [sflag:s8], $0x1000  }
0x16: {  	s16 =	sadd.s32 s11, s10;
	[sflag:s8] =	ssyncset.done $0x0  }
0x17: {  	s10 =	sadd.s32 $0x200, s16;
	[sflag:s8] =	ssyncadd.s32 $0xFFFFF000  }
0x18: {  	[hbm4b:s10+s2] =	stream.linear.scatter [tilespmem:s7], [sflag:$0x2], $0x1000, $0x38;
	[tilespmem:$0x1280] =	vst v63  }
0x19: {  	_ =	swait.ge [sflag:s3], $0x1000  }
0x1a: {  	[sflag:s3] =	ssyncset.done $0x0  }
0x1b: {  	s11 =	simm.s32 $0x100;
	[sflag:s3] =	ssyncadd.s32 $0xFFFFF000  }
0x1c: {  	[tilespmem:s7], [sflag:$0x1] =	stream.indirect.gather [hbm4b:s5+s6], $0x20, s11, s6, $0xb8;
	[tilespmem:$0x1280] =	vst v63  }
0x1d: {  	_ =	swait.ge [sflag:s8], $0x1000  }
0x1e: {  	[sflag:s8] =	ssyncset.done $0x0  }
0x1f: {  	s12 =	sadd.s32 $0x400, s16;
	[sflag:s8] =	ssyncadd.s32 $0xFFFFF000  }
0x20: {  	[hbm4b:s12+s2] =	stream.linear.scatter [tilespmem:s7], [sflag:$0x2], $0x1000, $0x38;
	[tilespmem:$0x1280] =	vst v63  }
0x21: {  	_ =	swait.ge [sflag:s3], $0x1000  }
0x22: {  	[sflag:s3] =	ssyncset.done $0x0  }
0x23: {  	s13 =	simm.s32 $0x180;
	[sflag:s3] =	ssyncadd.s32 $0xFFFFF000  }
0x24: {  	[tilespmem:s7], [sflag:$0x1] =	stream.indirect.gather [hbm4b:s5+s6], $0x20, s13, s6, $0xb8;
	[tilespmem:$0x1280] =	vst v63  }
0x25: {  	_ =	swait.ge [sflag:s8], $0x1000  }
0x26: {  	[sflag:s8] =	ssyncset.done $0x0  }
0x27: {  	s17 =	ssub.s32 $0x2, s15;
	s14 =	sadd.s32 $0x600, s16;
	[sflag:s8] =	ssyncadd.s32 $0xFFFFF000  }
0x28: {  	[hbm4b:s14+s2] =	stream.linear.scatter [tilespmem:s7], [sflag:$0x2], $0x1000, $0x38;
	[tilespmem:$0x1280] =	vst v63  }
0x29: {  	s18 =	sshrl.u32 s17, $0x1;
	_ =	swait.ge [sflag:s3], $0x1000  }
0x2a: {  	s17 =	ssub.s32 s17, s18;
	[sflag:s3] =	ssyncset.done $0x0  }
0x2b: {  	s15 =	simm.s32 $0x200;
	s17 =	smax.u32 s17, $0x1;
	[sflag:s3] =	ssyncadd.s32 $0xFFFFF000  }
0x2c: {  	[tilespmem:s7], [sflag:$0x1] =	stream.indirect.gather [hbm4b:s5+s6], $0x20, s15, s6, $0xb8;
	[tilespmem:$0x1280] =	vst v63  }
0x2d: {  	p0 =	sne.s32 s17, $0x1;
	_ =	swait.ge [sflag:s8], $0x1000  }
.Ltmp0:
0x2e: {  	[sflag:s8] =	ssyncset.done $0x0;
	(pc) =	sbr.rel @!p0 .LBB2_2-.Ltmp0, $4  }
0x2f: {  	s16 =	sadd.s32 $0x800, s16;
	[sflag:s8] =	ssyncadd.s32 $0xFFFFF000  }
0x30: {  	[hbm4b:s16+s2] =	stream.linear.scatter [tilespmem:s7], [sflag:$0x2], $0x1000, $0x38;
	[tilespmem:$0x1280] =	vst v63  }
0x31: {  	_ =	swait.ge [sflag:s3], $0x1000  }
0x32: {  	s17 =	sadd.s32 $0xFFFFFFFF, s17;
	[sflag:s3] =	ssyncset.done $0x0  }
.LBB2_1:
0x33: {  	p0 =	sne.s32 s17, $0x1;
	s17 =	sadd.s32 $0xFFFFFFFF, s17;
	[sflag:s3] =	ssyncadd.s32 $0xFFFFF000  }
0x34: {  	[tilespmem:s2], [sflag:$0x2] =	stream.linear.gather [hbm4b:s4+s2], $0x280, $0x38;
	[tilespmem:$0x1280] =	vst v63  }
0x35: {  	_ =	swait.ge [sflag:s3], $0x280  }
0x36: {  	[sflag:s3] =	ssyncset.done $0x0  }
0x37: {  	[sflag:s3] =	ssyncadd.s32 $0xFFFFFD80  }
0x38: {  	[tilespmem:s7], [sflag:$0x1] =	stream.indirect.gather [hbm4b:s5+s6], $0x20, s2, s6, $0xb8;
	[tilespmem:$0x1280] =	vst v63  }
0x39: {  	_ =	swait.ge [sflag:s8], $0x1000  }
0x3a: {  	[sflag:s8] =	ssyncset.done $0x0  }
0x3b: {  	[sflag:s8] =	ssyncadd.s32 $0xFFFFF000  }
0x3c: {  	[hbm4b:s9+s2] =	stream.linear.scatter [tilespmem:s7], [sflag:$0x2], $0x1000, $0x38;
	[tilespmem:$0x1280] =	vst v63  }
0x3d: {  	_ =	swait.ge [sflag:s3], $0x1000  }
0x3e: {  	[sflag:s3] =	ssyncset.done $0x0  }
0x3f: {  	[sflag:s3] =	ssyncadd.s32 $0xFFFFF000  }
0x40: {  	[tilespmem:s7], [sflag:$0x1] =	stream.indirect.gather [hbm4b:s5+s6], $0x20, s6, s6, $0xb8;
	[tilespmem:$0x1280] =	vst v63  }
0x41: {  	_ =	swait.ge [sflag:s8], $0x1000  }
0x42: {  	[sflag:s8] =	ssyncset.done $0x0  }
0x43: {  	[sflag:s8] =	ssyncadd.s32 $0xFFFFF000  }
0x44: {  	[hbm4b:s10+s2] =	stream.linear.scatter [tilespmem:s7], [sflag:$0x2], $0x1000, $0x38;
	[tilespmem:$0x1280] =	vst v63  }
0x45: {  	_ =	swait.ge [sflag:s3], $0x1000  }
0x46: {  	[sflag:s3] =	ssyncset.done $0x0  }
0x47: {  	[sflag:s3] =	ssyncadd.s32 $0xFFFFF000  }
0x48: {  	[tilespmem:s7], [sflag:$0x1] =	stream.indirect.gather [hbm4b:s5+s6], $0x20, s11, s6, $0xb8;
	[tilespmem:$0x1280] =	vst v63  }
0x49: {  	_ =	swait.ge [sflag:s8], $0x1000  }
0x4a: {  	[sflag:s8] =	ssyncset.done $0x0  }
0x4b: {  	[sflag:s8] =	ssyncadd.s32 $0xFFFFF000  }
0x4c: {  	[hbm4b:s12+s2] =	stream.linear.scatter [tilespmem:s7], [sflag:$0x2], $0x1000, $0x38;
	[tilespmem:$0x1280] =	vst v63  }
0x4d: {  	_ =	swait.ge [sflag:s3], $0x1000  }
0x4e: {  	[sflag:s3] =	ssyncset.done $0x0  }
0x4f: {  	[sflag:s3] =	ssyncadd.s32 $0xFFFFF000  }
0x50: {  	[tilespmem:s7], [sflag:$0x1] =	stream.indirect.gather [hbm4b:s5+s6], $0x20, s13, s6, $0xb8;
	[tilespmem:$0x1280] =	vst v63  }
0x51: {  	_ =	swait.ge [sflag:s8], $0x1000  }
0x52: {  	[sflag:s8] =	ssyncset.done $0x0  }
0x53: {  	[sflag:s8] =	ssyncadd.s32 $0xFFFFF000  }
0x54: {  	[hbm4b:s14+s2] =	stream.linear.scatter [tilespmem:s7], [sflag:$0x2], $0x1000, $0x38;
	[tilespmem:$0x1280] =	vst v63  }
0x55: {  	_ =	swait.ge [sflag:s3], $0x1000  }
0x56: {  	[sflag:s3] =	ssyncset.done $0x0  }
0x57: {  	[sflag:s3] =	ssyncadd.s32 $0xFFFFF000  }
0x58: {  	[tilespmem:s7], [sflag:$0x1] =	stream.indirect.gather [hbm4b:s5+s6], $0x20, s15, s6, $0xb8;
	[tilespmem:$0x1280] =	vst v63  }
0x59: {  	_ =	swait.ge [sflag:s8], $0x1000  }
.Ltmp1:
0x5a: {  	[sflag:s8] =	ssyncset.done $0x0;
	(pc) =	sbr.rel @p0 .LBB2_1-.Ltmp1, $4  }
0x5b: {  	[sflag:s8] =	ssyncadd.s32 $0xFFFFF000  }
0x5c: {  	[hbm4b:s16+s2] =	stream.linear.scatter [tilespmem:s7], [sflag:$0x2], $0x1000, $0x38;
	[tilespmem:$0x1280] =	vst v63  }
0x5d: {  	_ =	swait.ge [sflag:s3], $0x1000  }
0x5e: {  	[sflag:s3] =	ssyncset.done $0x0  }
.LBB2_2:
0x5f: {  	[sflag:s3] =	ssyncadd.s32 $0xFFFFF000  }
0x60: {  	_ =	sfence.sel $0x180000  }
0x61: {  	[bflag:$0x0] =	sbarrier.arrive $0xFFFF  }
0x62: {  	p0 =	sne.s32 s0, $0x0;
	_ =	strace $0x90000047  }
0x63: {  	s0 =	sadd.s32 @!p0 $0x100000, s1;
	[bflag:$0x2] =	sbarrier.arrive $0xFFFF  }
0x64: {  	[sflag:s0] =	ssyncadd.tile.s32 @!p0 $0x1;
	_ =	shalt  }
.Lfunc_end2:
_tile_overlayer_lowered:
.L_overlay_start_2:
0x65: {  	(tag) =	ssettag $0x2  }
0x66: {  	s0 =	rddreg [dreg:$0x0];
	s2 =	stileid.u32  }
0x67: {  	s1 =	rddreg [dreg:$0x1];
	p0 =	sne.s32 s2, $0x0  }
0x68: {  	s3 =	rddreg [dreg:$0x2];
	[bflag:$0x3] =	sbarrier.arrive $0xFFFF;
	s2 =	simm.s32 @!p0 $0x1C02  }
0x69: {  	[timem:s3], [sflag:s2] =	dma.local @!p0 [hbm:s0], s1  }
0x6a: {  	s0 =	simm.s32 @!p0 $0x2  }
0x6b: {  	_ =	swait.ge @!p0 [sflag:s0], s1  }
0x6c: {  	s1 =	ssub.s32 @!p0 $0x0, s1;
	[sflag:s0] =	ssyncset.done @!p0 $0x0  }
0x6d: {  	[sflag:s0] =	ssyncadd.s32 @!p0 s1  }
0x6e: {  	[bflag:$0x3] =	sbarrier.arrive $0xFFFF  }
0x6f: {  	_ =	shalt  }

</sc_bundles>
